<compile_context>
chip_gen: v7x
topology: tpu7x:2x2x1
jax: 0.10.2.dev20260603
libtpu: 0.0.44.dev20260713+nightly
codegen_flags: <defaults>
</compile_context>

<pallas_src>
import functools

import jax
import jax.numpy as jnp
from jax import lax
from jax.experimental import pallas as pl
from jax.experimental.pallas import tpu as pltpu
from jax.experimental.pallas import tpu_sc as plsc

B = 16
N = 2048
D = 512
L = 16

NS = 384
NT = N - NS
HALF = NS // 2
CH = 48
NCHUNK = HALF // CH
DV = D // L


def _sc_body(x_hbm, idx_hbm, out_hbm, buf0, buf1, ibuf, mbuf, acc,
             sem0, sem1):
    c = lax.axis_index("c")
    s = lax.axis_index("s")
    g = c * 8 + s // 2
    h = s % 2
    base = NT + h * HALF

    pltpu.sync_copy(idx_hbm.at[pl.ds(g * N + base, HALF)], ibuf)

    def mask_blk(j, carry):
        v = ibuf[pl.ds(j * L, L)]
        mbuf[pl.ds(j * L, L)] = jnp.where(
            v != jnp.int32(5), jnp.float32(1.0), jnp.float32(0.0)
        )
        return carry

    lax.fori_loop(0, HALF // L, mask_blk, 0)

    for cc in range(DV):
        acc[pl.ds(cc * L, L)] = jnp.zeros((L,), jnp.float32)

    table = x_hbm.at[g]

    def start(i, dst, sem):
        return pltpu.async_copy(
            table.at[pl.ds(base + i * CH, CH), :], dst, sem
        )

    def accum(bufref, off):
        def row4(r4, rc):
            r = r4 * 4
            mb = [
                plsc.load_gather(mbuf, [jnp.full((L,), off + r + k, jnp.int32)])
                for k in range(4)
            ]
            for cc in range(DV):
                sl = pl.ds(cc * L, L)
                t = (mb[0] * bufref[r, sl] + mb[1] * bufref[r + 1, sl]) + (
                    mb[2] * bufref[r + 2, sl] + mb[3] * bufref[r + 3, sl]
                )
                plsc.addupdate(acc.at[sl], t)
            return rc

        lax.fori_loop(0, CH // 4, row4, 0)

    start(0, buf0, sem0)

    def chunk2(j, carry):
        i = j * 2
        start(i + 1, buf1, sem1)
        pltpu.make_async_copy(
            table.at[pl.ds(base, CH), :], buf0, sem0
        ).wait()
        accum(buf0, i * CH)

        @pl.when(j + 1 < NCHUNK // 2)
        def _():
            start(i + 2, buf0, sem0)

        pltpu.make_async_copy(
            table.at[pl.ds(base, CH), :], buf1, sem1
        ).wait()
        accum(buf1, (i + 1) * CH)
        return carry

    lax.fori_loop(0, NCHUNK // 2, chunk2, 0)

    pltpu.sync_copy(acc, out_hbm.at[pl.ds((h * B + g) * D, D)])


def _sc_readout(x, idx):
    mesh = plsc.VectorSubcoreMesh(core_axis_name="c", subcore_axis_name="s")
    run = functools.partial(
        pl.kernel,
        mesh=mesh,
        out_type=jax.ShapeDtypeStruct((2 * B * D,), jnp.float32),
        compiler_params=pltpu.CompilerParams(needs_layout_passes=False),
        scratch_types=[
            pltpu.VMEM((CH, D), jnp.float32),
            pltpu.VMEM((CH, D), jnp.float32),
            pltpu.VMEM((HALF,), jnp.int32),
            pltpu.VMEM((HALF,), jnp.float32),
            pltpu.VMEM((D,), jnp.float32),
            pltpu.SemaphoreType.DMA,
            pltpu.SemaphoreType.DMA,
        ],
    )(_sc_body)
    return run(x, idx.reshape(B * N)).reshape(2, B, D)


def _tc_body(idx_ref, x_ref, out_ref):
    b = pl.program_id(0)
    m = (idx_ref[pl.ds(b, 1), :NT] != jnp.int32(5)).astype(jnp.float32)
    mcol = m.reshape(NT, 1)
    part = jnp.sum(x_ref[0] * mcol, axis=0, keepdims=True)
    out_ref[...] = part.reshape(1, 1, D)


def _tc_readout(x, idx):
    return pl.pallas_call(
        _tc_body,
        grid=(B,),
        in_specs=[
            pl.BlockSpec((B, N), lambda b: (0, 0)),
            pl.BlockSpec((1, NT, D), lambda b: (b, 0, 0)),
        ],
        out_specs=pl.BlockSpec((1, 1, D), lambda b: (b, 0, 0)),
        out_shape=jax.ShapeDtypeStruct((B, 1, D), jnp.float32),
        compiler_params=pltpu.CompilerParams(
            dimension_semantics=("arbitrary",),
        ),
    )(idx, x)


def _add_body(a_ref, b_ref, o_ref):
    o_ref[...] = a_ref[0] + a_ref[1] + b_ref[...].reshape(B, D)


def _add(a, b):
    return pl.pallas_call(
        _add_body,
        out_shape=jax.ShapeDtypeStruct((B, D), jnp.float32),
    )(a, b)


@jax.jit
def kernel(node_embeddings, op_idx):
    op_idx = op_idx.astype(jnp.int32)
    sc_part = _sc_readout(node_embeddings, op_idx)
    tc_part = _tc_readout(node_embeddings, op_idx)
    return _add(sc_part, tc_part)

# --- scband reference (transcript-rebuilt; emitter-appended) ---
"""Pipeline reference for scband-readout-layer-53446573031872 (READ-ONLY COPY).

The authoritative reference and input builder live on the scoring server;
editing this copy changes nothing except your own understanding.
"""

import jax, jax.numpy as jnp
import numpy as np


def setup_inputs(seed: int = 0) -> dict:
    key = jax.random.key(seed)
    k1, k2 = jax.random.split(key)
    node_embeddings = jax.random.normal(k1, (16, 2048, 512), dtype=jnp.float32)
    op_idx = jax.random.randint(k2, (16, 2048), 0, 6, dtype=jnp.int64)
    return {"node_embeddings": node_embeddings, "op_idx": op_idx}


def reference(node_embeddings, op_idx):
    # Original: for each graph i, sum node embeddings over nodes whose op_idx != 5.
    # Densified batch form: mask out op_idx == 5 nodes and sum over the node axis.
    mask = (op_idx != 5).astype(node_embeddings.dtype)  # [B, N]
    out_feats = jnp.sum(node_embeddings * mask[:, :, None], axis=1)  # [B, d]
    return out_feats

if __name__ == "__main__":
    import jax
    _d = setup_inputs()
    print(jax.jit(kernel)(*tuple(_d.values())))

</pallas_src>

<mosaic_0001>
#map = affine_map<(d0, d1) -> (0, 0, 0)>
#map1 = affine_map<(d0, d1) -> (0)>
module attributes {stable_mosaic.version = 14 : i64} {
  func.func @_sc_body(%arg0: i32, %arg1: i32, %arg2: memref<16x2048x512xf32, #tpu.memory_space<hbm>>, %arg3: memref<32768xi32, #tpu.memory_space<hbm>>, %arg4: memref<16384xf32, #tpu.memory_space<hbm>>, %arg5: memref<48x512xf32, #tpu.memory_space<vmem>>, %arg6: memref<48x512xf32, #tpu.memory_space<vmem>>, %arg7: memref<192xi32, #tpu.memory_space<vmem>>, %arg8: memref<192xf32, #tpu.memory_space<vmem>>, %arg9: memref<512xf32, #tpu.memory_space<vmem>>, %arg10: memref<!tpu.dma_semaphore, #tpu.memory_space<semaphore_mem>>, %arg11: memref<!tpu.dma_semaphore, #tpu.memory_space<semaphore_mem>>) attributes {dimension_semantics = [#tpu.dimension_semantics<core_parallel>, #tpu.dimension_semantics<subcore_parallel>], iteration_bounds = array<i64: 2, 16>, scalar_prefetch = 0 : i64, scratch_operands = 7 : i64, tpu.core_type = #tpu.core_type<sc_vector_subcore>, window_params = [{transform_indices = #map}, {transform_indices = #map1}, {transform_indices = #map1}]} {
    %mul3A = arith.constant 8 : i32
    %mul3A_0 = arith.muli %arg0, %mul3A : i32
    %jit3A = arith.constant 2 : i32
    %div3A = arith.divsi %arg1, %jit3A : i32
    %sign3A = arith.constant 0 : i32
    %sign3A_1 = arith.cmpi sgt, %arg1, %sign3A : i32
    %sign3A_2 = arith.extui %sign3A_1 : i1 to i32
    %sign3A_3 = arith.constant 0 : i32
    %sign3A_4 = arith.cmpi slt, %arg1, %sign3A_3 : i32
    %sign3A_5 = arith.extui %sign3A_4 : i1 to i32
    %sign3A_6 = arith.subi %sign3A_2, %sign3A_5 : i32
    %sign3A_7 = arith.constant 0 : i32
    %sign3A_8 = arith.cmpi sgt, %jit3A, %sign3A_7 : i32
    %sign3A_9 = arith.extui %sign3A_8 : i1 to i32
    %sign3A_10 = arith.constant 0 : i32
    %sign3A_11 = arith.cmpi slt, %jit3A, %sign3A_10 : i32
    %sign3A_12 = arith.extui %sign3A_11 : i1 to i32
    %sign3A_13 = arith.subi %sign3A_9, %sign3A_12 : i32
    %ne3A = arith.cmpi ne, %sign3A_6, %sign3A_13 : i32
    %rem3A = arith.remsi %arg1, %jit3A : i32
    %ne3A_14 = arith.constant 0 : i32
    %ne3A_15 = arith.cmpi ne, %rem3A, %ne3A_14 : i32
    %and3A = arith.andi %ne3A, %ne3A_15 : i1
    %sub3A = arith.constant 1 : i32
    %sub3A_16 = arith.subi %div3A, %sub3A : i32
    %select_n3A = arith.select %and3A, %sub3A_16, %div3A : i32
    %add3A = arith.addi %mul3A_0, %select_n3A : i32
    %jit3A_17 = arith.constant 2 : i32
    %eq3A = arith.constant 0 : i32
    %eq3A_18 = arith.cmpi eq, %jit3A_17, %eq3A : i32
    %jit3A_19 = arith.constant 1 : i32
    %select_n3A_20 = arith.select %eq3A_18, %jit3A_19, %jit3A_17 : i32
    %rem3A_21 = arith.remsi %arg1, %select_n3A_20 : i32
    %ne3A_22 = arith.constant 0 : i32
    %ne3A_23 = arith.cmpi ne, %rem3A_21, %ne3A_22 : i32
    %lt3A = arith.constant 0 : i32
    %lt3A_24 = arith.cmpi slt, %rem3A_21, %lt3A : i32
    %lt3A_25 = arith.constant 0 : i32
    %lt3A_26 = arith.cmpi slt, %select_n3A_20, %lt3A_25 : i32
    %ne3A_27 = arith.xori %lt3A_24, %lt3A_26 : i1
    %and3A_28 = arith.andi %ne3A_27, %ne3A_23 : i1
    %add3A_29 = arith.addi %rem3A_21, %select_n3A_20 : i32
    %select_n3A_30 = arith.select %and3A_28, %add3A_29, %rem3A_21 : i32
    %mul3A_31 = arith.constant 192 : i32
    %mul3A_32 = arith.muli %select_n3A_30, %mul3A_31 : i32
    %add3A_33 = arith.constant 1664 : i32
    %add3A_34 = arith.addi %add3A_33, %mul3A_32 : i32
    %mul3A_35 = arith.constant 2048 : i32
    %mul3A_36 = arith.muli %add3A, %mul3A_35 : i32
    %add3A_37 = arith.addi %mul3A_36, %add3A_34 : i32
    "tpu.region"() ({
      %run_scoped3A = tpu.sem_alloc : memref<!tpu.dma_semaphore, #tpu.memory_space<semaphore_mem>>
      %dma_start3A_193 = tpu.memref_slice %arg3[%add3A_37] : memref<32768xi32, #tpu.memory_space<hbm>> -> memref<192xi32, #tpu.memory_space<hbm>>
      %dma_start3A_194 = tpu.memref_slice %arg3[%add3A_37] : memref<32768xi32, #tpu.memory_space<hbm>> -> memref<192xi32, #tpu.memory_space<hbm>>
      tpu.enqueue_dma source(%dma_start3A_194 : memref<192xi32, #tpu.memory_space<hbm>>) target(%arg7 : memref<192xi32, #tpu.memory_space<vmem>>) target_semaphore(%run_scoped3A : memref<!tpu.dma_semaphore, #tpu.memory_space<semaphore_mem>>)
      %dma_wait3A = tpu.memref_slice %arg3[%add3A_37] : memref<32768xi32, #tpu.memory_space<hbm>> -> memref<192xi32, #tpu.memory_space<hbm>>
      %dma_wait3A_195 = tpu.memref_slice %arg3[%add3A_37] : memref<32768xi32, #tpu.memory_space<hbm>> -> memref<192xi32, #tpu.memory_space<hbm>>
      tpu.wait_dma2 semaphore(%run_scoped3A : memref<!tpu.dma_semaphore, #tpu.memory_space<semaphore_mem>>) src(%dma_wait3A_195 : memref<192xi32, #tpu.memory_space<hbm>>) dst(%arg7 : memref<192xi32, #tpu.memory_space<vmem>>)
      tpu.yield
    }) : () -> ()
    %scan3A = arith.constant 0 : i32
    %scan3A_38 = arith.constant 0 : i32
    %scan3A_39 = arith.constant 12 : i32
    %scan3A_40 = arith.addi %scan3A_38, %scan3A_39 : i32
    %scan3A_41 = arith.constant 1 : i32
    scf.for %scan3A_193 = %scan3A_38 to %scan3A_40 step %scan3A_41  : i32 {
      %mul3A_194 = arith.constant 16 : i32
      %mul3A_195 = arith.muli %scan3A_193, %mul3A_194 : i32
      %get3A = arith.index_cast %mul3A_195 : i32 to index
      %get3A_196 = tpu.vector_load %arg7[%get3A] {strides = array<i32>} : memref<192xi32, #tpu.memory_space<vmem>>, vector<16xi32>,
      %ne3A_197 = arith.constant 5 : i32
      %ne3A_198 = vector.broadcast %ne3A_197 : i32 to vector<16xi32>
      %ne3A_199 = arith.cmpi ne, %get3A_196, %ne3A_198 : vector<16xi32>
      %jit3A_200 = arith.constant 1.000000e+00 : f32
      %jit3A_201 = arith.constant 0.000000e+00 : f32
      %broadcast_in_dim3A_202 = vector.broadcast %jit3A_200 : f32 to vector<16xf32>
      %broadcast_in_dim3A_203 = vector.broadcast %jit3A_201 : f32 to vector<16xf32>
      %select_n3A_204 = arith.select %ne3A_199, %broadcast_in_dim3A_202, %broadcast_in_dim3A_203 : vector<16xi1>, vector<16xf32>
      %mul3A_205 = arith.constant 16 : i32
      %mul3A_206 = arith.muli %scan3A_193, %mul3A_205 : i32
      %swap3A_207 = arith.index_cast %mul3A_206 : i32 to index
      %swap3A_208 = tpu.vector_load %arg8[%swap3A_207] {strides = array<i32>} : memref<192xf32, #tpu.memory_space<vmem>>, vector<16xf32>,
      tpu.vector_store %arg8[%swap3A_207], %select_n3A_204 {strides = array<i32>} : memref<192xf32, #tpu.memory_space<vmem>>, vector<16xf32>,
    }
    %scan3A_42 = arith.constant 12 : i32
    %broadcast_in_dim3A = arith.constant 0.000000e+00 : f32
    %broadcast_in_dim3A_43 = vector.broadcast %broadcast_in_dim3A : f32 to vector<16xf32>
    %swap3A = arith.constant 0 : index
    %swap3A_44 = tpu.vector_load %arg9[%swap3A] {strides = array<i32>} : memref<512xf32, #tpu.memory_space<vmem>>, vector<16xf32>,
    tpu.vector_store %arg9[%swap3A], %broadcast_in_dim3A_43 {strides = array<i32>} : memref<512xf32, #tpu.memory_space<vmem>>, vector<16xf32>,
    %broadcast_in_dim3A_45 = arith.constant 0.000000e+00 : f32
    %broadcast_in_dim3A_46 = vector.broadcast %broadcast_in_dim3A_45 : f32 to vector<16xf32>
    %swap3A_47 = arith.constant 16 : index
    %swap3A_48 = tpu.vector_load %arg9[%swap3A_47] {strides = array<i32>} : memref<512xf32, #tpu.memory_space<vmem>>, vector<16xf32>,
    tpu.vector_store %arg9[%swap3A_47], %broadcast_in_dim3A_46 {strides = array<i32>} : memref<512xf32, #tpu.memory_space<vmem>>, vector<16xf32>,
    %broadcast_in_dim3A_49 = arith.constant 0.000000e+00 : f32
    %broadcast_in_dim3A_50 = vector.broadcast %broadcast_in_dim3A_49 : f32 to vector<16xf32>
    %swap3A_51 = arith.constant 32 : index
    %swap3A_52 = tpu.vector_load %arg9[%swap3A_51] {strides = array<i32>} : memref<512xf32, #tpu.memory_space<vmem>>, vector<16xf32>,
    tpu.vector_store %arg9[%swap3A_51], %broadcast_in_dim3A_50 {strides = array<i32>} : memref<512xf32, #tpu.memory_space<vmem>>, vector<16xf32>,
    %broadcast_in_dim3A_53 = arith.constant 0.000000e+00 : f32
    %broadcast_in_dim3A_54 = vector.broadcast %broadcast_in_dim3A_53 : f32 to vector<16xf32>
    %swap3A_55 = arith.constant 48 : index
    %swap3A_56 = tpu.vector_load %arg9[%swap3A_55] {strides = array<i32>} : memref<512xf32, #tpu.memory_space<vmem>>, vector<16xf32>,
    tpu.vector_store %arg9[%swap3A_55], %broadcast_in_dim3A_54 {strides = array<i32>} : memref<512xf32, #tpu.memory_space<vmem>>, vector<16xf32>,
    %broadcast_in_dim3A_57 = arith.constant 0.000000e+00 : f32
    %broadcast_in_dim3A_58 = vector.broadcast %broadcast_in_dim3A_57 : f32 to vector<16xf32>
    %swap3A_59 = arith.constant 64 : index
    %swap3A_60 = tpu.vector_load %arg9[%swap3A_59] {strides = array<i32>} : memref<512xf32, #tpu.memory_space<vmem>>, vector<16xf32>,
    tpu.vector_store %arg9[%swap3A_59], %broadcast_in_dim3A_58 {strides = array<i32>} : memref<512xf32, #tpu.memory_space<vmem>>, vector<16xf32>,
    %broadcast_in_dim3A_61 = arith.constant 0.000000e+00 : f32
    %broadcast_in_dim3A_62 = vector.broadcast %broadcast_in_dim3A_61 : f32 to vector<16xf32>
    %swap3A_63 = arith.constant 80 : index
    %swap3A_64 = tpu.vector_load %arg9[%swap3A_63] {strides = array<i32>} : memref<512xf32, #tpu.memory_space<vmem>>, vector<16xf32>,
    tpu.vector_store %arg9[%swap3A_63], %broadcast_in_dim3A_62 {strides = array<i32>} : memref<512xf32, #tpu.memory_space<vmem>>, vector<16xf32>,
    %broadcast_in_dim3A_65 = arith.constant 0.000000e+00 : f32
    %broadcast_in_dim3A_66 = vector.broadcast %broadcast_in_dim3A_65 : f32 to vector<16xf32>
    %swap3A_67 = arith.constant 96 : index
    %swap3A_68 = tpu.vector_load %arg9[%swap3A_67] {strides = array<i32>} : memref<512xf32, #tpu.memory_space<vmem>>, vector<16xf32>,
    tpu.vector_store %arg9[%swap3A_67], %broadcast_in_dim3A_66 {strides = array<i32>} : memref<512xf32, #tpu.memory_space<vmem>>, vector<16xf32>,
    %broadcast_in_dim3A_69 = arith.constant 0.000000e+00 : f32
    %broadcast_in_dim3A_70 = vector.broadcast %broadcast_in_dim3A_69 : f32 to vector<16xf32>
    %swap3A_71 = arith.constant 112 : index
    %swap3A_72 = tpu.vector_load %arg9[%swap3A_71] {strides = array<i32>} : memref<512xf32, #tpu.memory_space<vmem>>, vector<16xf32>,
    tpu.vector_store %arg9[%swap3A_71], %broadcast_in_dim3A_70 {strides = array<i32>} : memref<512xf32, #tpu.memory_space<vmem>>, vector<16xf32>,
    %broadcast_in_dim3A_73 = arith.constant 0.000000e+00 : f32
    %broadcast_in_dim3A_74 = vector.broadcast %broadcast_in_dim3A_73 : f32 to vector<16xf32>
    %swap3A_75 = arith.constant 128 : index
    %swap3A_76 = tpu.vector_load %arg9[%swap3A_75] {strides = array<i32>} : memref<512xf32, #tpu.memory_space<vmem>>, vector<16xf32>,
    tpu.vector_store %arg9[%swap3A_75], %broadcast_in_dim3A_74 {strides = array<i32>} : memref<512xf32, #tpu.memory_space<vmem>>, vector<16xf32>,
    %broadcast_in_dim3A_77 = arith.constant 0.000000e+00 : f32
    %broadcast_in_dim3A_78 = vector.broadcast %broadcast_in_dim3A_77 : f32 to vector<16xf32>
    %swap3A_79 = arith.constant 144 : index
    %swap3A_80 = tpu.vector_load %arg9[%swap3A_79] {strides = array<i32>} : memref<512xf32, #tpu.memory_space<vmem>>, vector<16xf32>,
    tpu.vector_store %arg9[%swap3A_79], %broadcast_in_dim3A_78 {strides = array<i32>} : memref<512xf32, #tpu.memory_space<vmem>>, vector<16xf32>,
    %broadcast_in_dim3A_81 = arith.constant 0.000000e+00 : f32
    %broadcast_in_dim3A_82 = vector.broadcast %broadcast_in_dim3A_81 : f32 to vector<16xf32>
    %swap3A_83 = arith.constant 160 : index
    %swap3A_84 = tpu.vector_load %arg9[%swap3A_83] {strides = array<i32>} : memref<512xf32, #tpu.memory_space<vmem>>, vector<16xf32>,
    tpu.vector_store %arg9[%swap3A_83], %broadcast_in_dim3A_82 {strides = array<i32>} : memref<512xf32, #tpu.memory_space<vmem>>, vector<16xf32>,
    %broadcast_in_dim3A_85 = arith.constant 0.000000e+00 : f32
    %broadcast_in_dim3A_86 = vector.broadcast %broadcast_in_dim3A_85 : f32 to vector<16xf32>
    %swap3A_87 = arith.constant 176 : index
    %swap3A_88 = tpu.vector_load %arg9[%swap3A_87] {strides = array<i32>} : memref<512xf32, #tpu.memory_space<vmem>>, vector<16xf32>,
    tpu.vector_store %arg9[%swap3A_87], %broadcast_in_dim3A_86 {strides = array<i32>} : memref<512xf32, #tpu.memory_space<vmem>>, vector<16xf32>,
    %broadcast_in_dim3A_89 = arith.constant 0.000000e+00 : f32
    %broadcast_in_dim3A_90 = vector.broadcast %broadcast_in_dim3A_89 : f32 to vector<16xf32>
    %swap3A_91 = arith.constant 192 : index
    %swap3A_92 = tpu.vector_load %arg9[%swap3A_91] {strides = array<i32>} : memref<512xf32, #tpu.memory_space<vmem>>, vector<16xf32>,
    tpu.vector_store %arg9[%swap3A_91], %broadcast_in_dim3A_90 {strides = array<i32>} : memref<512xf32, #tpu.memory_space<vmem>>, vector<16xf32>,
    %broadcast_in_dim3A_93 = arith.constant 0.000000e+00 : f32
    %broadcast_in_dim3A_94 = vector.broadcast %broadcast_in_dim3A_93 : f32 to vector<16xf32>
    %swap3A_95 = arith.constant 208 : index
    %swap3A_96 = tpu.vector_load %arg9[%swap3A_95] {strides = array<i32>} : memref<512xf32, #tpu.memory_space<vmem>>, vector<16xf32>,
    tpu.vector_store %arg9[%swap3A_95], %broadcast_in_dim3A_94 {strides = array<i32>} : memref<512xf32, #tpu.memory_space<vmem>>, vector<16xf32>,
    %broadcast_in_dim3A_97 = arith.constant 0.000000e+00 : f32
    %broadcast_in_dim3A_98 = vector.broadcast %broadcast_in_dim3A_97 : f32 to vector<16xf32>
    %swap3A_99 = arith.constant 224 : index
    %swap3A_100 = tpu.vector_load %arg9[%swap3A_99] {strides = array<i32>} : memref<512xf32, #tpu.memory_space<vmem>>, vector<16xf32>,
    tpu.vector_store %arg9[%swap3A_99], %broadcast_in_dim3A_98 {strides = array<i32>} : memref<512xf32, #tpu.memory_space<vmem>>, vector<16xf32>,
    %broadcast_in_dim3A_101 = arith.constant 0.000000e+00 : f32
    %broadcast_in_dim3A_102 = vector.broadcast %broadcast_in_dim3A_101 : f32 to vector<16xf32>
    %swap3A_103 = arith.constant 240 : index
    %swap3A_104 = tpu.vector_load %arg9[%swap3A_103] {strides = array<i32>} : memref<512xf32, #tpu.memory_space<vmem>>, vector<16xf32>,
    tpu.vector_store %arg9[%swap3A_103], %broadcast_in_dim3A_102 {strides = array<i32>} : memref<512xf32, #tpu.memory_space<vmem>>, vector<16xf32>,
    %broadcast_in_dim3A_105 = arith.constant 0.000000e+00 : f32
    %broadcast_in_dim3A_106 = vector.broadcast %broadcast_in_dim3A_105 : f32 to vector<16xf32>
    %swap3A_107 = arith.constant 256 : index
    %swap3A_108 = tpu.vector_load %arg9[%swap3A_107] {strides = array<i32>} : memref<512xf32, #tpu.memory_space<vmem>>, vector<16xf32>,
    tpu.vector_store %arg9[%swap3A_107], %broadcast_in_dim3A_106 {strides = array<i32>} : memref<512xf32, #tpu.memory_space<vmem>>, vector<16xf32>,
    %broadcast_in_dim3A_109 = arith.constant 0.000000e+00 : f32
    %broadcast_in_dim3A_110 = vector.broadcast %broadcast_in_dim3A_109 : f32 to vector<16xf32>
    %swap3A_111 = arith.constant 272 : index
    %swap3A_112 = tpu.vector_load %arg9[%swap3A_111] {strides = array<i32>} : memref<512xf32, #tpu.memory_space<vmem>>, vector<16xf32>,
    tpu.vector_store %arg9[%swap3A_111], %broadcast_in_dim3A_110 {strides = array<i32>} : memref<512xf32, #tpu.memory_space<vmem>>, vector<16xf32>,
    %broadcast_in_dim3A_113 = arith.constant 0.000000e+00 : f32
    %broadcast_in_dim3A_114 = vector.broadcast %broadcast_in_dim3A_113 : f32 to vector<16xf32>
    %swap3A_115 = arith.constant 288 : index
    %swap3A_116 = tpu.vector_load %arg9[%swap3A_115] {strides = array<i32>} : memref<512xf32, #tpu.memory_space<vmem>>, vector<16xf32>,
    tpu.vector_store %arg9[%swap3A_115], %broadcast_in_dim3A_114 {strides = array<i32>} : memref<512xf32, #tpu.memory_space<vmem>>, vector<16xf32>,
    %broadcast_in_dim3A_117 = arith.constant 0.000000e+00 : f32
    %broadcast_in_dim3A_118 = vector.broadcast %broadcast_in_dim3A_117 : f32 to vector<16xf32>
    %swap3A_119 = arith.constant 304 : index
    %swap3A_120 = tpu.vector_load %arg9[%swap3A_119] {strides = array<i32>} : memref<512xf32, #tpu.memory_space<vmem>>, vector<16xf32>,
    tpu.vector_store %arg9[%swap3A_119], %broadcast_in_dim3A_118 {strides = array<i32>} : memref<512xf32, #tpu.memory_space<vmem>>, vector<16xf32>,
    %broadcast_in_dim3A_121 = arith.constant 0.000000e+00 : f32
    %broadcast_in_dim3A_122 = vector.broadcast %broadcast_in_dim3A_121 : f32 to vector<16xf32>
    %swap3A_123 = arith.constant 320 : index
    %swap3A_124 = tpu.vector_load %arg9[%swap3A_123] {strides = array<i32>} : memref<512xf32, #tpu.memory_space<vmem>>, vector<16xf32>,
    tpu.vector_store %arg9[%swap3A_123], %broadcast_in_dim3A_122 {strides = array<i32>} : memref<512xf32, #tpu.memory_space<vmem>>, vector<16xf32>,
    %broadcast_in_dim3A_125 = arith.constant 0.000000e+00 : f32
    %broadcast_in_dim3A_126 = vector.broadcast %broadcast_in_dim3A_125 : f32 to vector<16xf32>
    %swap3A_127 = arith.constant 336 : index
    %swap3A_128 = tpu.vector_load %arg9[%swap3A_127] {strides = array<i32>} : memref<512xf32, #tpu.memory_space<vmem>>, vector<16xf32>,
    tpu.vector_store %arg9[%swap3A_127], %broadcast_in_dim3A_126 {strides = array<i32>} : memref<512xf32, #tpu.memory_space<vmem>>, vector<16xf32>,
    %broadcast_in_dim3A_129 = arith.constant 0.000000e+00 : f32
    %broadcast_in_dim3A_130 = vector.broadcast %broadcast_in_dim3A_129 : f32 to vector<16xf32>
    %swap3A_131 = arith.constant 352 : index
    %swap3A_132 = tpu.vector_load %arg9[%swap3A_131] {strides = array<i32>} : memref<512xf32, #tpu.memory_space<vmem>>, vector<16xf32>,
    tpu.vector_store %arg9[%swap3A_131], %broadcast_in_dim3A_130 {strides = array<i32>} : memref<512xf32, #tpu.memory_space<vmem>>, vector<16xf32>,
    %broadcast_in_dim3A_133 = arith.constant 0.000000e+00 : f32
    %broadcast_in_dim3A_134 = vector.broadcast %broadcast_in_dim3A_133 : f32 to vector<16xf32>
    %swap3A_135 = arith.constant 368 : index
    %swap3A_136 = tpu.vector_load %arg9[%swap3A_135] {strides = array<i32>} : memref<512xf32, #tpu.memory_space<vmem>>, vector<16xf32>,
    tpu.vector_store %arg9[%swap3A_135], %broadcast_in_dim3A_134 {strides = array<i32>} : memref<512xf32, #tpu.memory_space<vmem>>, vector<16xf32>,
    %broadcast_in_dim3A_137 = arith.constant 0.000000e+00 : f32
    %broadcast_in_dim3A_138 = vector.broadcast %broadcast_in_dim3A_137 : f32 to vector<16xf32>
    %swap3A_139 = arith.constant 384 : index
    %swap3A_140 = tpu.vector_load %arg9[%swap3A_139] {strides = array<i32>} : memref<512xf32, #tpu.memory_space<vmem>>, vector<16xf32>,
    tpu.vector_store %arg9[%swap3A_139], %broadcast_in_dim3A_138 {strides = array<i32>} : memref<512xf32, #tpu.memory_space<vmem>>, vector<16xf32>,
    %broadcast_in_dim3A_141 = arith.constant 0.000000e+00 : f32
    %broadcast_in_dim3A_142 = vector.broadcast %broadcast_in_dim3A_141 : f32 to vector<16xf32>
    %swap3A_143 = arith.constant 400 : index
    %swap3A_144 = tpu.vector_load %arg9[%swap3A_143] {strides = array<i32>} : memref<512xf32, #tpu.memory_space<vmem>>, vector<16xf32>,
    tpu.vector_store %arg9[%swap3A_143], %broadcast_in_dim3A_142 {strides = array<i32>} : memref<512xf32, #tpu.memory_space<vmem>>, vector<16xf32>,
    %broadcast_in_dim3A_145 = arith.constant 0.000000e+00 : f32
    %broadcast_in_dim3A_146 = vector.broadcast %broadcast_in_dim3A_145 : f32 to vector<16xf32>
    %swap3A_147 = arith.constant 416 : index
    %swap3A_148 = tpu.vector_load %arg9[%swap3A_147] {strides = array<i32>} : memref<512xf32, #tpu.memory_space<vmem>>, vector<16xf32>,
    tpu.vector_store %arg9[%swap3A_147], %broadcast_in_dim3A_146 {strides = array<i32>} : memref<512xf32, #tpu.memory_space<vmem>>, vector<16xf32>,
    %broadcast_in_dim3A_149 = arith.constant 0.000000e+00 : f32
    %broadcast_in_dim3A_150 = vector.broadcast %broadcast_in_dim3A_149 : f32 to vector<16xf32>
    %swap3A_151 = arith.constant 432 : index
    %swap3A_152 = tpu.vector_load %arg9[%swap3A_151] {strides = array<i32>} : memref<512xf32, #tpu.memory_space<vmem>>, vector<16xf32>,
    tpu.vector_store %arg9[%swap3A_151], %broadcast_in_dim3A_150 {strides = array<i32>} : memref<512xf32, #tpu.memory_space<vmem>>, vector<16xf32>,
    %broadcast_in_dim3A_153 = arith.constant 0.000000e+00 : f32
    %broadcast_in_dim3A_154 = vector.broadcast %broadcast_in_dim3A_153 : f32 to vector<16xf32>
    %swap3A_155 = arith.constant 448 : index
    %swap3A_156 = tpu.vector_load %arg9[%swap3A_155] {strides = array<i32>} : memref<512xf32, #tpu.memory_space<vmem>>, vector<16xf32>,
    tpu.vector_store %arg9[%swap3A_155], %broadcast_in_dim3A_154 {strides = array<i32>} : memref<512xf32, #tpu.memory_space<vmem>>, vector<16xf32>,
    %broadcast_in_dim3A_157 = arith.constant 0.000000e+00 : f32
    %broadcast_in_dim3A_158 = vector.broadcast %broadcast_in_dim3A_157 : f32 to vector<16xf32>
    %swap3A_159 = arith.constant 464 : index
    %swap3A_160 = tpu.vector_load %arg9[%swap3A_159] {strides = array<i32>} : memref<512xf32, #tpu.memory_space<vmem>>, vector<16xf32>,
    tpu.vector_store %arg9[%swap3A_159], %broadcast_in_dim3A_158 {strides = array<i32>} : memref<512xf32, #tpu.memory_space<vmem>>, vector<16xf32>,
    %broadcast_in_dim3A_161 = arith.constant 0.000000e+00 : f32
    %broadcast_in_dim3A_162 = vector.broadcast %broadcast_in_dim3A_161 : f32 to vector<16xf32>
    %swap3A_163 = arith.constant 480 : index
    %swap3A_164 = tpu.vector_load %arg9[%swap3A_163] {strides = array<i32>} : memref<512xf32, #tpu.memory_space<vmem>>, vector<16xf32>,
    tpu.vector_store %arg9[%swap3A_163], %broadcast_in_dim3A_162 {strides = array<i32>} : memref<512xf32, #tpu.memory_space<vmem>>, vector<16xf32>,
    %broadcast_in_dim3A_165 = arith.constant 0.000000e+00 : f32
    %broadcast_in_dim3A_166 = vector.broadcast %broadcast_in_dim3A_165 : f32 to vector<16xf32>
    %swap3A_167 = arith.constant 496 : index
    %swap3A_168 = tpu.vector_load %arg9[%swap3A_167] {strides = array<i32>} : memref<512xf32, #tpu.memory_space<vmem>>, vector<16xf32>,
    tpu.vector_store %arg9[%swap3A_167], %broadcast_in_dim3A_166 {strides = array<i32>} : memref<512xf32, #tpu.memory_space<vmem>>, vector<16xf32>,
    %add3A_169 = arith.constant 0 : i32
    %add3A_170 = arith.addi %add3A_34, %add3A_169 : i32
    %dma_start3A = arith.constant 0 : i32
    %dma_start3A_171 = arith.constant 0 : i32
    %dma_start3A_172 = tpu.memref_slice %arg2[%add3A, %dma_start3A, %dma_start3A_171] : memref<16x2048x512xf32, #tpu.memory_space<hbm>> -> memref<1x2048x512xf32, #tpu.memory_space<hbm>>
    %dma_start3A_173 = tpu.memref_squeeze %dma_start3A_172 : memref<1x2048x512xf32, #tpu.memory_space<hbm>> -> memref<2048x512xf32, #tpu.memory_space<hbm>>
    %dma_start3A_174 = arith.constant 0 : i32
    %dma_start3A_175 = tpu.memref_slice %dma_start3A_173[%add3A_170, %dma_start3A_174] : memref<2048x512xf32, #tpu.memory_space<hbm>> -> memref<48x512xf32, #tpu.memory_space<hbm>>
    %dma_start3A_176 = arith.constant 0 : i32
    %dma_start3A_177 = arith.constant 0 : i32
    %dma_start3A_178 = tpu.memref_slice %arg2[%add3A, %dma_start3A_176, %dma_start3A_177] : memref<16x2048x512xf32, #tpu.memory_space<hbm>> -> memref<1x2048x512xf32, #tpu.memory_space<hbm>>
    %dma_start3A_179 = tpu.memref_squeeze %dma_start3A_178 : memref<1x2048x512xf32, #tpu.memory_space<hbm>> -> memref<2048x512xf32, #tpu.memory_space<hbm>>
    %dma_start3A_180 = arith.constant 0 : i32
    %dma_start3A_181 = tpu.memref_slice %dma_start3A_179[%add3A_170, %dma_start3A_180] : memref<2048x512xf32, #tpu.memory_space<hbm>> -> memref<48x512xf32, #tpu.memory_space<hbm>>
    tpu.enqueue_dma source(%dma_start3A_181 : memref<48x512xf32, #tpu.memory_space<hbm>>) target(%arg5 : memref<48x512xf32, #tpu.memory_space<vmem>>) target_semaphore(%arg10 : memref<!tpu.dma_semaphore, #tpu.memory_space<semaphore_mem>>)
    %scan3A_182 = arith.constant 0 : i32
    %scan3A_183 = arith.constant 0 : i32
    %scan3A_184 = arith.constant 2 : i32
    %scan3A_185 = arith.addi %scan3A_183, %scan3A_184 : i32
    %scan3A_186 = arith.constant 1 : i32
    scf.for %scan3A_193 = %scan3A_183 to %scan3A_185 step %scan3A_186  : i32 {
      %mul3A_194 = arith.constant 2 : i32
      %mul3A_195 = arith.muli %scan3A_193, %mul3A_194 : i32
      %add3A_196 = arith.constant 1 : i32
      %add3A_197 = arith.addi %mul3A_195, %add3A_196 : i32
      %mul3A_198 = arith.constant 48 : i32
      %mul3A_199 = arith.muli %add3A_197, %mul3A_198 : i32
      %add3A_200 = arith.addi %add3A_34, %mul3A_199 : i32
      %dma_start3A_201 = arith.constant 0 : i32
      %dma_start3A_202 = arith.constant 0 : i32
      %dma_start3A_203 = tpu.memref_slice %arg2[%add3A, %dma_start3A_201, %dma_start3A_202] : memref<16x2048x512xf32, #tpu.memory_space<hbm>> -> memref<1x2048x512xf32, #tpu.memory_space<hbm>>
      %dma_start3A_204 = tpu.memref_squeeze %dma_start3A_203 : memref<1x2048x512xf32, #tpu.memory_space<hbm>> -> memref<2048x512xf32, #tpu.memory_space<hbm>>
      %dma_start3A_205 = arith.constant 0 : i32
      %dma_start3A_206 = tpu.memref_slice %dma_start3A_204[%add3A_200, %dma_start3A_205] : memref<2048x512xf32, #tpu.memory_space<hbm>> -> memref<48x512xf32, #tpu.memory_space<hbm>>
      %dma_start3A_207 = arith.constant 0 : i32
      %dma_start3A_208 = arith.constant 0 : i32
      %dma_start3A_209 = tpu.memref_slice %arg2[%add3A, %dma_start3A_207, %dma_start3A_208] : memref<16x2048x512xf32, #tpu.memory_space<hbm>> -> memref<1x2048x512xf32, #tpu.memory_space<hbm>>
      %dma_start3A_210 = tpu.memref_squeeze %dma_start3A_209 : memref<1x2048x512xf32, #tpu.memory_space<hbm>> -> memref<2048x512xf32, #tpu.memory_space<hbm>>
      %dma_start3A_211 = arith.constant 0 : i32
      %dma_start3A_212 = tpu.memref_slice %dma_start3A_210[%add3A_200, %dma_start3A_211] : memref<2048x512xf32, #tpu.memory_space<hbm>> -> memref<48x512xf32, #tpu.memory_space<hbm>>
      tpu.enqueue_dma source(%dma_start3A_212 : memref<48x512xf32, #tpu.memory_space<hbm>>) target(%arg6 : memref<48x512xf32, #tpu.memory_space<vmem>>) target_semaphore(%arg11 : memref<!tpu.dma_semaphore, #tpu.memory_space<semaphore_mem>>)
      %dma_wait3A = arith.constant 0 : i32
      %dma_wait3A_213 = arith.constant 0 : i32
      %dma_wait3A_214 = tpu.memref_slice %arg2[%add3A, %dma_wait3A, %dma_wait3A_213] : memref<16x2048x512xf32, #tpu.memory_space<hbm>> -> memref<1x2048x512xf32, #tpu.memory_space<hbm>>
      %dma_wait3A_215 = tpu.memref_squeeze %dma_wait3A_214 : memref<1x2048x512xf32, #tpu.memory_space<hbm>> -> memref<2048x512xf32, #tpu.memory_space<hbm>>
      %dma_wait3A_216 = arith.constant 0 : i32
      %dma_wait3A_217 = tpu.memref_slice %dma_wait3A_215[%add3A_34, %dma_wait3A_216] : memref<2048x512xf32, #tpu.memory_space<hbm>> -> memref<48x512xf32, #tpu.memory_space<hbm>>
      %dma_wait3A_218 = arith.constant 0 : i32
      %dma_wait3A_219 = arith.constant 0 : i32
      %dma_wait3A_220 = tpu.memref_slice %arg2[%add3A, %dma_wait3A_218, %dma_wait3A_219] : memref<16x2048x512xf32, #tpu.memory_space<hbm>> -> memref<1x2048x512xf32, #tpu.memory_space<hbm>>
      %dma_wait3A_221 = tpu.memref_squeeze %dma_wait3A_220 : memref<1x2048x512xf32, #tpu.memory_space<hbm>> -> memref<2048x512xf32, #tpu.memory_space<hbm>>
      %dma_wait3A_222 = arith.constant 0 : i32
      %dma_wait3A_223 = tpu.memref_slice %dma_wait3A_221[%add3A_34, %dma_wait3A_222] : memref<2048x512xf32, #tpu.memory_space<hbm>> -> memref<48x512xf32, #tpu.memory_space<hbm>>
      tpu.wait_dma2 semaphore(%arg10 : memref<!tpu.dma_semaphore, #tpu.memory_space<semaphore_mem>>) src(%dma_wait3A_223 : memref<48x512xf32, #tpu.memory_space<hbm>>) dst(%arg5 : memref<48x512xf32, #tpu.memory_space<vmem>>)
      %mul3A_224 = arith.constant 48 : i32
      %mul3A_225 = arith.muli %mul3A_195, %mul3A_224 : i32
      %scan3A_226 = arith.constant 0 : i32
      %scan3A_227 = arith.constant 0 : i32
      %scan3A_228 = arith.constant 12 : i32
      %scan3A_229 = arith.addi %scan3A_227, %scan3A_228 : i32
      %scan3A_230 = arith.constant 1 : i32
      scf.for %scan3A_259 = %scan3A_227 to %scan3A_229 step %scan3A_230  : i32 {
        %mul3A_260 = arith.constant 4 : i32
        %mul3A_261 = arith.muli %scan3A_259, %mul3A_260 : i32
        %add3A_262 = arith.addi %mul3A_225, %mul3A_261 : i32
        %add3A_263 = arith.constant 0 : i32
        %add3A_264 = arith.addi %add3A_262, %add3A_263 : i32
        %broadcast_in_dim3A_265 = vector.broadcast %add3A_264 : i32 to vector<16xi32>
        %gather3A = tpu.vector_load_idx %arg8[%broadcast_in_dim3A_265] : memref<192xf32, #tpu.memory_space<vmem>>[vector<16xi32>], vector<16xf32>,
        %add3A_266 = arith.addi %mul3A_225, %mul3A_261 : i32
        %add3A_267 = arith.constant 1 : i32
        %add3A_268 = arith.addi %add3A_266, %add3A_267 : i32
        %broadcast_in_dim3A_269 = vector.broadcast %add3A_268 : i32 to vector<16xi32>
        %gather3A_270 = tpu.vector_load_idx %arg8[%broadcast_in_dim3A_269] : memref<192xf32, #tpu.memory_space<vmem>>[vector<16xi32>], vector<16xf32>,
        %add3A_271 = arith.addi %mul3A_225, %mul3A_261 : i32
        %add3A_272 = arith.constant 2 : i32
        %add3A_273 = arith.addi %add3A_271, %add3A_272 : i32
        %broadcast_in_dim3A_274 = vector.broadcast %add3A_273 : i32 to vector<16xi32>
        %gather3A_275 = tpu.vector_load_idx %arg8[%broadcast_in_dim3A_274] : memref<192xf32, #tpu.memory_space<vmem>>[vector<16xi32>], vector<16xf32>,
        %add3A_276 = arith.addi %mul3A_225, %mul3A_261 : i32
        %add3A_277 = arith.constant 3 : i32
        %add3A_278 = arith.addi %add3A_276, %add3A_277 : i32
        %broadcast_in_dim3A_279 = vector.broadcast %add3A_278 : i32 to vector<16xi32>
        %gather3A_280 = tpu.vector_load_idx %arg8[%broadcast_in_dim3A_279] : memref<192xf32, #tpu.memory_space<vmem>>[vector<16xi32>], vector<16xf32>,
        %get3A = arith.index_cast %mul3A_261 : i32 to index
        %get3A_281 = arith.constant 0 : index
        %get3A_282 = tpu.vector_load %arg5[%get3A, %get3A_281] {strides = array<i32>} : memref<48x512xf32, #tpu.memory_space<vmem>>, vector<16xf32>,
        %mul3A_283 = arith.mulf %gather3A, %get3A_282 : vector<16xf32>
        %add3A_284 = arith.constant 1 : i32
        %add3A_285 = arith.addi %mul3A_261, %add3A_284 : i32
        %get3A_286 = arith.index_cast %add3A_285 : i32 to index
        %get3A_287 = arith.constant 0 : index
        %get3A_288 = tpu.vector_load %arg5[%get3A_286, %get3A_287] {strides = array<i32>} : memref<48x512xf32, #tpu.memory_space<vmem>>, vector<16xf32>,
        %mul3A_289 = arith.mulf %gather3A_270, %get3A_288 : vector<16xf32>
        %add3A_290 = arith.addf %mul3A_283, %mul3A_289 : vector<16xf32>
        %add3A_291 = arith.constant 2 : i32
        %add3A_292 = arith.addi %mul3A_261, %add3A_291 : i32
        %get3A_293 = arith.index_cast %add3A_292 : i32 to index
        %get3A_294 = arith.constant 0 : index
        %get3A_295 = tpu.vector_load %arg5[%get3A_293, %get3A_294] {strides = array<i32>} : memref<48x512xf32, #tpu.memory_space<vmem>>, vector<16xf32>,
        %mul3A_296 = arith.mulf %gather3A_275, %get3A_295 : vector<16xf32>
        %add3A_297 = arith.constant 3 : i32
        %add3A_298 = arith.addi %mul3A_261, %add3A_297 : i32
        %get3A_299 = arith.index_cast %add3A_298 : i32 to index
        %get3A_300 = arith.constant 0 : index
        %get3A_301 = tpu.vector_load %arg5[%get3A_299, %get3A_300] {strides = array<i32>} : memref<48x512xf32, #tpu.memory_space<vmem>>, vector<16xf32>,
        %mul3A_302 = arith.mulf %gather3A_280, %get3A_301 : vector<16xf32>
        %add3A_303 = arith.addf %mul3A_296, %mul3A_302 : vector<16xf32>
        %add3A_304 = arith.addf %add3A_290, %add3A_303 : vector<16xf32>
        %swap3A_305 = arith.constant 0 : index
        %swap3A_306 = tpu.vector_load %arg9[%swap3A_305] {strides = array<i32>} : memref<512xf32, #tpu.memory_space<vmem>>, vector<16xf32>,
        tpu.vector_store %arg9[%swap3A_305], %add3A_304 {add = true, strides = array<i32>} : memref<512xf32, #tpu.memory_space<vmem>>, vector<16xf32>,
        %get3A_307 = arith.index_cast %mul3A_261 : i32 to index
        %get3A_308 = arith.constant 16 : index
        %get3A_309 = tpu.vector_load %arg5[%get3A_307, %get3A_308] {strides = array<i32>} : memref<48x512xf32, #tpu.memory_space<vmem>>, vector<16xf32>,
        %mul3A_310 = arith.mulf %gather3A, %get3A_309 : vector<16xf32>
        %add3A_311 = arith.constant 1 : i32
        %add3A_312 = arith.addi %mul3A_261, %add3A_311 : i32
        %get3A_313 = arith.index_cast %add3A_312 : i32 to index
        %get3A_314 = arith.constant 16 : index
        %get3A_315 = tpu.vector_load %arg5[%get3A_313, %get3A_314] {strides = array<i32>} : memref<48x512xf32, #tpu.memory_space<vmem>>, vector<16xf32>,
        %mul3A_316 = arith.mulf %gather3A_270, %get3A_315 : vector<16xf32>
        %add3A_317 = arith.addf %mul3A_310, %mul3A_316 : vector<16xf32>
        %add3A_318 = arith.constant 2 : i32
        %add3A_319 = arith.addi %mul3A_261, %add3A_318 : i32
        %get3A_320 = arith.index_cast %add3A_319 : i32 to index
        %get3A_321 = arith.constant 16 : index
        %get3A_322 = tpu.vector_load %arg5[%get3A_320, %get3A_321] {strides = array<i32>} : memref<48x512xf32, #tpu.memory_space<vmem>>, vector<16xf32>,
        %mul3A_323 = arith.mulf %gather3A_275, %get3A_322 : vector<16xf32>
        %add3A_324 = arith.constant 3 : i32
        %add3A_325 = arith.addi %mul3A_261, %add3A_324 : i32
        %get3A_326 = arith.index_cast %add3A_325 : i32 to index
        %get3A_327 = arith.constant 16 : index
        %get3A_328 = tpu.vector_load %arg5[%get3A_326, %get3A_327] {strides = array<i32>} : memref<48x512xf32, #tpu.memory_space<vmem>>, vector<16xf32>,
        %mul3A_329 = arith.mulf %gather3A_280, %get3A_328 : vector<16xf32>
        %add3A_330 = arith.addf %mul3A_323, %mul3A_329 : vector<16xf32>
        %add3A_331 = arith.addf %add3A_317, %add3A_330 : vector<16xf32>
        %swap3A_332 = arith.constant 16 : index
        %swap3A_333 = tpu.vector_load %arg9[%swap3A_332] {strides = array<i32>} : memref<512xf32, #tpu.memory_space<vmem>>, vector<16xf32>,
        tpu.vector_store %arg9[%swap3A_332], %add3A_331 {add = true, strides = array<i32>} : memref<512xf32, #tpu.memory_space<vmem>>, vector<16xf32>,
        %get3A_334 = arith.index_cast %mul3A_261 : i32 to index
        %get3A_335 = arith.constant 32 : index
        %get3A_336 = tpu.vector_load %arg5[%get3A_334, %get3A_335] {strides = array<i32>} : memref<48x512xf32, #tpu.memory_space<vmem>>, vector<16xf32>,
        %mul3A_337 = arith.mulf %gather3A, %get3A_336 : vector<16xf32>
        %add3A_338 = arith.constant 1 : i32
        %add3A_339 = arith.addi %mul3A_261, %add3A_338 : i32
        %get3A_340 = arith.index_cast %add3A_339 : i32 to index
        %get3A_341 = arith.constant 32 : index
        %get3A_342 = tpu.vector_load %arg5[%get3A_340, %get3A_341] {strides = array<i32>} : memref<48x512xf32, #tpu.memory_space<vmem>>, vector<16xf32>,
        %mul3A_343 = arith.mulf %gather3A_270, %get3A_342 : vector<16xf32>
        %add3A_344 = arith.addf %mul3A_337, %mul3A_343 : vector<16xf32>
        %add3A_345 = arith.constant 2 : i32
        %add3A_346 = arith.addi %mul3A_261, %add3A_345 : i32
        %get3A_347 = arith.index_cast %add3A_346 : i32 to index
        %get3A_348 = arith.constant 32 : index
        %get3A_349 = tpu.vector_load %arg5[%get3A_347, %get3A_348] {strides = array<i32>} : memref<48x512xf32, #tpu.memory_space<vmem>>, vector<16xf32>,
        %mul3A_350 = arith.mulf %gather3A_275, %get3A_349 : vector<16xf32>
        %add3A_351 = arith.constant 3 : i32
        %add3A_352 = arith.addi %mul3A_261, %add3A_351 : i32
        %get3A_353 = arith.index_cast %add3A_352 : i32 to index
        %get3A_354 = arith.constant 32 : index
        %get3A_355 = tpu.vector_load %arg5[%get3A_353, %get3A_354] {strides = array<i32>} : memref<48x512xf32, #tpu.memory_space<vmem>>, vector<16xf32>,
        %mul3A_356 = arith.mulf %gather3A_280, %get3A_355 : vector<16xf32>
        %add3A_357 = arith.addf %mul3A_350, %mul3A_356 : vector<16xf32>
        %add3A_358 = arith.addf %add3A_344, %add3A_357 : vector<16xf32>
        %swap3A_359 = arith.constant 32 : index
        %swap3A_360 = tpu.vector_load %arg9[%swap3A_359] {strides = array<i32>} : memref<512xf32, #tpu.memory_space<vmem>>, vector<16xf32>,
        tpu.vector_store %arg9[%swap3A_359], %add3A_358 {add = true, strides = array<i32>} : memref<512xf32, #tpu.memory_space<vmem>>, vector<16xf32>,
        %get3A_361 = arith.index_cast %mul3A_261 : i32 to index
        %get3A_362 = arith.constant 48 : index
        %get3A_363 = tpu.vector_load %arg5[%get3A_361, %get3A_362] {strides = array<i32>} : memref<48x512xf32, #tpu.memory_space<vmem>>, vector<16xf32>,
        %mul3A_364 = arith.mulf %gather3A, %get3A_363 : vector<16xf32>
        %add3A_365 = arith.constant 1 : i32
        %add3A_366 = arith.addi %mul3A_261, %add3A_365 : i32
        %get3A_367 = arith.index_cast %add3A_366 : i32 to index
        %get3A_368 = arith.constant 48 : index
        %get3A_369 = tpu.vector_load %arg5[%get3A_367, %get3A_368] {strides = array<i32>} : memref<48x512xf32, #tpu.memory_space<vmem>>, vector<16xf32>,
        %mul3A_370 = arith.mulf %gather3A_270, %get3A_369 : vector<16xf32>
        %add3A_371 = arith.addf %mul3A_364, %mul3A_370 : vector<16xf32>
        %add3A_372 = arith.constant 2 : i32
        %add3A_373 = arith.addi %mul3A_261, %add3A_372 : i32
        %get3A_374 = arith.index_cast %add3A_373 : i32 to index
        %get3A_375 = arith.constant 48 : index
        %get3A_376 = tpu.vector_load %arg5[%get3A_374, %get3A_375] {strides = array<i32>} : memref<48x512xf32, #tpu.memory_space<vmem>>, vector<16xf32>,
        %mul3A_377 = arith.mulf %gather3A_275, %get3A_376 : vector<16xf32>
        %add3A_378 = arith.constant 3 : i32
        %add3A_379 = arith.addi %mul3A_261, %add3A_378 : i32
        %get3A_380 = arith.index_cast %add3A_379 : i32 to index
        %get3A_381 = arith.constant 48 : index
        %get3A_382 = tpu.vector_load %arg5[%get3A_380, %get3A_381] {strides = array<i32>} : memref<48x512xf32, #tpu.memory_space<vmem>>, vector<16xf32>,
        %mul3A_383 = arith.mulf %gather3A_280, %get3A_382 : vector<16xf32>
        %add3A_384 = arith.addf %mul3A_377, %mul3A_383 : vector<16xf32>
        %add3A_385 = arith.addf %add3A_371, %add3A_384 : vector<16xf32>
        %swap3A_386 = arith.constant 48 : index
        %swap3A_387 = tpu.vector_load %arg9[%swap3A_386] {strides = array<i32>} : memref<512xf32, #tpu.memory_space<vmem>>, vector<16xf32>,
        tpu.vector_store %arg9[%swap3A_386], %add3A_385 {add = true, strides = array<i32>} : memref<512xf32, #tpu.memory_space<vmem>>, vector<16xf32>,
        %get3A_388 = arith.index_cast %mul3A_261 : i32 to index
        %get3A_389 = arith.constant 64 : index
        %get3A_390 = tpu.vector_load %arg5[%get3A_388, %get3A_389] {strides = array<i32>} : memref<48x512xf32, #tpu.memory_space<vmem>>, vector<16xf32>,
        %mul3A_391 = arith.mulf %gather3A, %get3A_390 : vector<16xf32>
        %add3A_392 = arith.constant 1 : i32
        %add3A_393 = arith.addi %mul3A_261, %add3A_392 : i32
        %get3A_394 = arith.index_cast %add3A_393 : i32 to index
        %get3A_395 = arith.constant 64 : index
        %get3A_396 = tpu.vector_load %arg5[%get3A_394, %get3A_395] {strides = array<i32>} : memref<48x512xf32, #tpu.memory_space<vmem>>, vector<16xf32>,
        %mul3A_397 = arith.mulf %gather3A_270, %get3A_396 : vector<16xf32>
        %add3A_398 = arith.addf %mul3A_391, %mul3A_397 : vector<16xf32>
        %add3A_399 = arith.constant 2 : i32
        %add3A_400 = arith.addi %mul3A_261, %add3A_399 : i32
        %get3A_401 = arith.index_cast %add3A_400 : i32 to index
        %get3A_402 = arith.constant 64 : index
        %get3A_403 = tpu.vector_load %arg5[%get3A_401, %get3A_402] {strides = array<i32>} : memref<48x512xf32, #tpu.memory_space<vmem>>, vector<16xf32>,
        %mul3A_404 = arith.mulf %gather3A_275, %get3A_403 : vector<16xf32>
        %add3A_405 = arith.constant 3 : i32
        %add3A_406 = arith.addi %mul3A_261, %add3A_405 : i32
        %get3A_407 = arith.index_cast %add3A_406 : i32 to index
        %get3A_408 = arith.constant 64 : index
        %get3A_409 = tpu.vector_load %arg5[%get3A_407, %get3A_408] {strides = array<i32>} : memref<48x512xf32, #tpu.memory_space<vmem>>, vector<16xf32>,
        %mul3A_410 = arith.mulf %gather3A_280, %get3A_409 : vector<16xf32>
        %add3A_411 = arith.addf %mul3A_404, %mul3A_410 : vector<16xf32>
        %add3A_412 = arith.addf %add3A_398, %add3A_411 : vector<16xf32>
        %swap3A_413 = arith.constant 64 : index
        %swap3A_414 = tpu.vector_load %arg9[%swap3A_413] {strides = array<i32>} : memref<512xf32, #tpu.memory_space<vmem>>, vector<16xf32>,
        tpu.vector_store %arg9[%swap3A_413], %add3A_412 {add = true, strides = array<i32>} : memref<512xf32, #tpu.memory_space<vmem>>, vector<16xf32>,
        %get3A_415 = arith.index_cast %mul3A_261 : i32 to index
        %get3A_416 = arith.constant 80 : index
        %get3A_417 = tpu.vector_load %arg5[%get3A_415, %get3A_416] {strides = array<i32>} : memref<48x512xf32, #tpu.memory_space<vmem>>, vector<16xf32>,
        %mul3A_418 = arith.mulf %gather3A, %get3A_417 : vector<16xf32>
        %add3A_419 = arith.constant 1 : i32
        %add3A_420 = arith.addi %mul3A_261, %add3A_419 : i32
        %get3A_421 = arith.index_cast %add3A_420 : i32 to index
        %get3A_422 = arith.constant 80 : index
        %get3A_423 = tpu.vector_load %arg5[%get3A_421, %get3A_422] {strides = array<i32>} : memref<48x512xf32, #tpu.memory_space<vmem>>, vector<16xf32>,
        %mul3A_424 = arith.mulf %gather3A_270, %get3A_423 : vector<16xf32>
        %add3A_425 = arith.addf %mul3A_418, %mul3A_424 : vector<16xf32>
        %add3A_426 = arith.constant 2 : i32
        %add3A_427 = arith.addi %mul3A_261, %add3A_426 : i32
        %get3A_428 = arith.index_cast %add3A_427 : i32 to index
        %get3A_429 = arith.constant 80 : index
        %get3A_430 = tpu.vector_load %arg5[%get3A_428, %get3A_429] {strides = array<i32>} : memref<48x512xf32, #tpu.memory_space<vmem>>, vector<16xf32>,
        %mul3A_431 = arith.mulf %gather3A_275, %get3A_430 : vector<16xf32>
        %add3A_432 = arith.constant 3 : i32
        %add3A_433 = arith.addi %mul3A_261, %add3A_432 : i32
        %get3A_434 = arith.index_cast %add3A_433 : i32 to index
        %get3A_435 = arith.constant 80 : index
        %get3A_436 = tpu.vector_load %arg5[%get3A_434, %get3A_435] {strides = array<i32>} : memref<48x512xf32, #tpu.memory_space<vmem>>, vector<16xf32>,
        %mul3A_437 = arith.mulf %gather3A_280, %get3A_436 : vector<16xf32>
        %add3A_438 = arith.addf %mul3A_431, %mul3A_437 : vector<16xf32>
        %add3A_439 = arith.addf %add3A_425, %add3A_438 : vector<16xf32>
        %swap3A_440 = arith.constant 80 : index
        %swap3A_441 = tpu.vector_load %arg9[%swap3A_440] {strides = array<i32>} : memref<512xf32, #tpu.memory_space<vmem>>, vector<16xf32>,
        tpu.vector_store %arg9[%swap3A_440], %add3A_439 {add = true, strides = array<i32>} : memref<512xf32, #tpu.memory_space<vmem>>, vector<16xf32>,
        %get3A_442 = arith.index_cast %mul3A_261 : i32 to index
        %get3A_443 = arith.constant 96 : index
        %get3A_444 = tpu.vector_load %arg5[%get3A_442, %get3A_443] {strides = array<i32>} : memref<48x512xf32, #tpu.memory_space<vmem>>, vector<16xf32>,
        %mul3A_445 = arith.mulf %gather3A, %get3A_444 : vector<16xf32>
        %add3A_446 = arith.constant 1 : i32
        %add3A_447 = arith.addi %mul3A_261, %add3A_446 : i32
        %get3A_448 = arith.index_cast %add3A_447 : i32 to index
        %get3A_449 = arith.constant 96 : index
        %get3A_450 = tpu.vector_load %arg5[%get3A_448, %get3A_449] {strides = array<i32>} : memref<48x512xf32, #tpu.memory_space<vmem>>, vector<16xf32>,
        %mul3A_451 = arith.mulf %gather3A_270, %get3A_450 : vector<16xf32>
        %add3A_452 = arith.addf %mul3A_445, %mul3A_451 : vector<16xf32>
        %add3A_453 = arith.constant 2 : i32
        %add3A_454 = arith.addi %mul3A_261, %add3A_453 : i32
        %get3A_455 = arith.index_cast %add3A_454 : i32 to index
        %get3A_456 = arith.constant 96 : index
        %get3A_457 = tpu.vector_load %arg5[%get3A_455, %get3A_456] {strides = array<i32>} : memref<48x512xf32, #tpu.memory_space<vmem>>, vector<16xf32>,
        %mul3A_458 = arith.mulf %gather3A_275, %get3A_457 : vector<16xf32>
        %add3A_459 = arith.constant 3 : i32
        %add3A_460 = arith.addi %mul3A_261, %add3A_459 : i32
        %get3A_461 = arith.index_cast %add3A_460 : i32 to index
        %get3A_462 = arith.constant 96 : index
        %get3A_463 = tpu.vector_load %arg5[%get3A_461, %get3A_462] {strides = array<i32>} : memref<48x512xf32, #tpu.memory_space<vmem>>, vector<16xf32>,
        %mul3A_464 = arith.mulf %gather3A_280, %get3A_463 : vector<16xf32>
        %add3A_465 = arith.addf %mul3A_458, %mul3A_464 : vector<16xf32>
        %add3A_466 = arith.addf %add3A_452, %add3A_465 : vector<16xf32>
        %swap3A_467 = arith.constant 96 : index
        %swap3A_468 = tpu.vector_load %arg9[%swap3A_467] {strides = array<i32>} : memref<512xf32, #tpu.memory_space<vmem>>, vector<16xf32>,
        tpu.vector_store %arg9[%swap3A_467], %add3A_466 {add = true, strides = array<i32>} : memref<512xf32, #tpu.memory_space<vmem>>, vector<16xf32>,
        %get3A_469 = arith.index_cast %mul3A_261 : i32 to index
        %get3A_470 = arith.constant 112 : index
        %get3A_471 = tpu.vector_load %arg5[%get3A_469, %get3A_470] {strides = array<i32>} : memref<48x512xf32, #tpu.memory_space<vmem>>, vector<16xf32>,
        %mul3A_472 = arith.mulf %gather3A, %get3A_471 : vector<16xf32>
        %add3A_473 = arith.constant 1 : i32
        %add3A_474 = arith.addi %mul3A_261, %add3A_473 : i32
        %get3A_475 = arith.index_cast %add3A_474 : i32 to index
        %get3A_476 = arith.constant 112 : index
        %get3A_477 = tpu.vector_load %arg5[%get3A_475, %get3A_476] {strides = array<i32>} : memref<48x512xf32, #tpu.memory_space<vmem>>, vector<16xf32>,
        %mul3A_478 = arith.mulf %gather3A_270, %get3A_477 : vector<16xf32>
        %add3A_479 = arith.addf %mul3A_472, %mul3A_478 : vector<16xf32>
        %add3A_480 = arith.constant 2 : i32
        %add3A_481 = arith.addi %mul3A_261, %add3A_480 : i32
        %get3A_482 = arith.index_cast %add3A_481 : i32 to index
        %get3A_483 = arith.constant 112 : index
        %get3A_484 = tpu.vector_load %arg5[%get3A_482, %get3A_483] {strides = array<i32>} : memref<48x512xf32, #tpu.memory_space<vmem>>, vector<16xf32>,
        %mul3A_485 = arith.mulf %gather3A_275, %get3A_484 : vector<16xf32>
        %add3A_486 = arith.constant 3 : i32
        %add3A_487 = arith.addi %mul3A_261, %add3A_486 : i32
        %get3A_488 = arith.index_cast %add3A_487 : i32 to index
        %get3A_489 = arith.constant 112 : index
        %get3A_490 = tpu.vector_load %arg5[%get3A_488, %get3A_489] {strides = array<i32>} : memref<48x512xf32, #tpu.memory_space<vmem>>, vector<16xf32>,
        %mul3A_491 = arith.mulf %gather3A_280, %get3A_490 : vector<16xf32>
        %add3A_492 = arith.addf %mul3A_485, %mul3A_491 : vector<16xf32>
        %add3A_493 = arith.addf %add3A_479, %add3A_492 : vector<16xf32>
        %swap3A_494 = arith.constant 112 : index
        %swap3A_495 = tpu.vector_load %arg9[%swap3A_494] {strides = array<i32>} : memref<512xf32, #tpu.memory_space<vmem>>, vector<16xf32>,
        tpu.vector_store %arg9[%swap3A_494], %add3A_493 {add = true, strides = array<i32>} : memref<512xf32, #tpu.memory_space<vmem>>, vector<16xf32>,
        %get3A_496 = arith.index_cast %mul3A_261 : i32 to index
        %get3A_497 = arith.constant 128 : index
        %get3A_498 = tpu.vector_load %arg5[%get3A_496, %get3A_497] {strides = array<i32>} : memref<48x512xf32, #tpu.memory_space<vmem>>, vector<16xf32>,
        %mul3A_499 = arith.mulf %gather3A, %get3A_498 : vector<16xf32>
        %add3A_500 = arith.constant 1 : i32
        %add3A_501 = arith.addi %mul3A_261, %add3A_500 : i32
        %get3A_502 = arith.index_cast %add3A_501 : i32 to index
        %get3A_503 = arith.constant 128 : index
        %get3A_504 = tpu.vector_load %arg5[%get3A_502, %get3A_503] {strides = array<i32>} : memref<48x512xf32, #tpu.memory_space<vmem>>, vector<16xf32>,
        %mul3A_505 = arith.mulf %gather3A_270, %get3A_504 : vector<16xf32>
        %add3A_506 = arith.addf %mul3A_499, %mul3A_505 : vector<16xf32>
        %add3A_507 = arith.constant 2 : i32
        %add3A_508 = arith.addi %mul3A_261, %add3A_507 : i32
        %get3A_509 = arith.index_cast %add3A_508 : i32 to index
        %get3A_510 = arith.constant 128 : index
        %get3A_511 = tpu.vector_load %arg5[%get3A_509, %get3A_510] {strides = array<i32>} : memref<48x512xf32, #tpu.memory_space<vmem>>, vector<16xf32>,
        %mul3A_512 = arith.mulf %gather3A_275, %get3A_511 : vector<16xf32>
        %add3A_513 = arith.constant 3 : i32
        %add3A_514 = arith.addi %mul3A_261, %add3A_513 : i32
        %get3A_515 = arith.index_cast %add3A_514 : i32 to index
        %get3A_516 = arith.constant 128 : index
        %get3A_517 = tpu.vector_load %arg5[%get3A_515, %get3A_516] {strides = array<i32>} : memref<48x512xf32, #tpu.memory_space<vmem>>, vector<16xf32>,
        %mul3A_518 = arith.mulf %gather3A_280, %get3A_517 : vector<16xf32>
        %add3A_519 = arith.addf %mul3A_512, %mul3A_518 : vector<16xf32>
        %add3A_520 = arith.addf %add3A_506, %add3A_519 : vector<16xf32>
        %swap3A_521 = arith.constant 128 : index
        %swap3A_522 = tpu.vector_load %arg9[%swap3A_521] {strides = array<i32>} : memref<512xf32, #tpu.memory_space<vmem>>, vector<16xf32>,
        tpu.vector_store %arg9[%swap3A_521], %add3A_520 {add = true, strides = array<i32>} : memref<512xf32, #tpu.memory_space<vmem>>, vector<16xf32>,
        %get3A_523 = arith.index_cast %mul3A_261 : i32 to index
        %get3A_524 = arith.constant 144 : index
        %get3A_525 = tpu.vector_load %arg5[%get3A_523, %get3A_524] {strides = array<i32>} : memref<48x512xf32, #tpu.memory_space<vmem>>, vector<16xf32>,
        %mul3A_526 = arith.mulf %gather3A, %get3A_525 : vector<16xf32>
        %add3A_527 = arith.constant 1 : i32
        %add3A_528 = arith.addi %mul3A_261, %add3A_527 : i32
        %get3A_529 = arith.index_cast %add3A_528 : i32 to index
        %get3A_530 = arith.constant 144 : index
        %get3A_531 = tpu.vector_load %arg5[%get3A_529, %get3A_530] {strides = array<i32>} : memref<48x512xf32, #tpu.memory_space<vmem>>, vector<16xf32>,
        %mul3A_532 = arith.mulf %gather3A_270, %get3A_531 : vector<16xf32>
        %add3A_533 = arith.addf %mul3A_526, %mul3A_532 : vector<16xf32>
        %add3A_534 = arith.constant 2 : i32
        %add3A_535 = arith.addi %mul3A_261, %add3A_534 : i32
        %get3A_536 = arith.index_cast %add3A_535 : i32 to index
        %get3A_537 = arith.constant 144 : index
        %get3A_538 = tpu.vector_load %arg5[%get3A_536, %get3A_537] {strides = array<i32>} : memref<48x512xf32, #tpu.memory_space<vmem>>, vector<16xf32>,
        %mul3A_539 = arith.mulf %gather3A_275, %get3A_538 : vector<16xf32>
        %add3A_540 = arith.constant 3 : i32
        %add3A_541 = arith.addi %mul3A_261, %add3A_540 : i32
        %get3A_542 = arith.index_cast %add3A_541 : i32 to index
        %get3A_543 = arith.constant 144 : index
        %get3A_544 = tpu.vector_load %arg5[%get3A_542, %get3A_543] {strides = array<i32>} : memref<48x512xf32, #tpu.memory_space<vmem>>, vector<16xf32>,
        %mul3A_545 = arith.mulf %gather3A_280, %get3A_544 : vector<16xf32>
        %add3A_546 = arith.addf %mul3A_539, %mul3A_545 : vector<16xf32>
        %add3A_547 = arith.addf %add3A_533, %add3A_546 : vector<16xf32>
        %swap3A_548 = arith.constant 144 : index
        %swap3A_549 = tpu.vector_load %arg9[%swap3A_548] {strides = array<i32>} : memref<512xf32, #tpu.memory_space<vmem>>, vector<16xf32>,
        tpu.vector_store %arg9[%swap3A_548], %add3A_547 {add = true, strides = array<i32>} : memref<512xf32, #tpu.memory_space<vmem>>, vector<16xf32>,
        %get3A_550 = arith.index_cast %mul3A_261 : i32 to index
        %get3A_551 = arith.constant 160 : index
        %get3A_552 = tpu.vector_load %arg5[%get3A_550, %get3A_551] {strides = array<i32>} : memref<48x512xf32, #tpu.memory_space<vmem>>, vector<16xf32>,
        %mul3A_553 = arith.mulf %gather3A, %get3A_552 : vector<16xf32>
        %add3A_554 = arith.constant 1 : i32
        %add3A_555 = arith.addi %mul3A_261, %add3A_554 : i32
        %get3A_556 = arith.index_cast %add3A_555 : i32 to index
        %get3A_557 = arith.constant 160 : index
        %get3A_558 = tpu.vector_load %arg5[%get3A_556, %get3A_557] {strides = array<i32>} : memref<48x512xf32, #tpu.memory_space<vmem>>, vector<16xf32>,
        %mul3A_559 = arith.mulf %gather3A_270, %get3A_558 : vector<16xf32>
        %add3A_560 = arith.addf %mul3A_553, %mul3A_559 : vector<16xf32>
        %add3A_561 = arith.constant 2 : i32
        %add3A_562 = arith.addi %mul3A_261, %add3A_561 : i32
        %get3A_563 = arith.index_cast %add3A_562 : i32 to index
        %get3A_564 = arith.constant 160 : index
        %get3A_565 = tpu.vector_load %arg5[%get3A_563, %get3A_564] {strides = array<i32>} : memref<48x512xf32, #tpu.memory_space<vmem>>, vector<16xf32>,
        %mul3A_566 = arith.mulf %gather3A_275, %get3A_565 : vector<16xf32>
        %add3A_567 = arith.constant 3 : i32
        %add3A_568 = arith.addi %mul3A_261, %add3A_567 : i32
        %get3A_569 = arith.index_cast %add3A_568 : i32 to index
        %get3A_570 = arith.constant 160 : index
        %get3A_571 = tpu.vector_load %arg5[%get3A_569, %get3A_570] {strides = array<i32>} : memref<48x512xf32, #tpu.memory_space<vmem>>, vector<16xf32>,
        %mul3A_572 = arith.mulf %gather3A_280, %get3A_571 : vector<16xf32>
        %add3A_573 = arith.addf %mul3A_566, %mul3A_572 : vector<16xf32>
        %add3A_574 = arith.addf %add3A_560, %add3A_573 : vector<16xf32>
        %swap3A_575 = arith.constant 160 : index
        %swap3A_576 = tpu.vector_load %arg9[%swap3A_575] {strides = array<i32>} : memref<512xf32, #tpu.memory_space<vmem>>, vector<16xf32>,
        tpu.vector_store %arg9[%swap3A_575], %add3A_574 {add = true, strides = array<i32>} : memref<512xf32, #tpu.memory_space<vmem>>, vector<16xf32>,
        %get3A_577 = arith.index_cast %mul3A_261 : i32 to index
        %get3A_578 = arith.constant 176 : index
        %get3A_579 = tpu.vector_load %arg5[%get3A_577, %get3A_578] {strides = array<i32>} : memref<48x512xf32, #tpu.memory_space<vmem>>, vector<16xf32>,
        %mul3A_580 = arith.mulf %gather3A, %get3A_579 : vector<16xf32>
        %add3A_581 = arith.constant 1 : i32
        %add3A_582 = arith.addi %mul3A_261, %add3A_581 : i32
        %get3A_583 = arith.index_cast %add3A_582 : i32 to index
        %get3A_584 = arith.constant 176 : index
        %get3A_585 = tpu.vector_load %arg5[%get3A_583, %get3A_584] {strides = array<i32>} : memref<48x512xf32, #tpu.memory_space<vmem>>, vector<16xf32>,
        %mul3A_586 = arith.mulf %gather3A_270, %get3A_585 : vector<16xf32>
        %add3A_587 = arith.addf %mul3A_580, %mul3A_586 : vector<16xf32>
        %add3A_588 = arith.constant 2 : i32
        %add3A_589 = arith.addi %mul3A_261, %add3A_588 : i32
        %get3A_590 = arith.index_cast %add3A_589 : i32 to index
        %get3A_591 = arith.constant 176 : index
        %get3A_592 = tpu.vector_load %arg5[%get3A_590, %get3A_591] {strides = array<i32>} : memref<48x512xf32, #tpu.memory_space<vmem>>, vector<16xf32>,
        %mul3A_593 = arith.mulf %gather3A_275, %get3A_592 : vector<16xf32>
        %add3A_594 = arith.constant 3 : i32
        %add3A_595 = arith.addi %mul3A_261, %add3A_594 : i32
        %get3A_596 = arith.index_cast %add3A_595 : i32 to index
        %get3A_597 = arith.constant 176 : index
        %get3A_598 = tpu.vector_load %arg5[%get3A_596, %get3A_597] {strides = array<i32>} : memref<48x512xf32, #tpu.memory_space<vmem>>, vector<16xf32>,
        %mul3A_599 = arith.mulf %gather3A_280, %get3A_598 : vector<16xf32>
        %add3A_600 = arith.addf %mul3A_593, %mul3A_599 : vector<16xf32>
        %add3A_601 = arith.addf %add3A_587, %add3A_600 : vector<16xf32>
        %swap3A_602 = arith.constant 176 : index
        %swap3A_603 = tpu.vector_load %arg9[%swap3A_602] {strides = array<i32>} : memref<512xf32, #tpu.memory_space<vmem>>, vector<16xf32>,
        tpu.vector_store %arg9[%swap3A_602], %add3A_601 {add = true, strides = array<i32>} : memref<512xf32, #tpu.memory_space<vmem>>, vector<16xf32>,
        %get3A_604 = arith.index_cast %mul3A_261 : i32 to index
        %get3A_605 = arith.constant 192 : index
        %get3A_606 = tpu.vector_load %arg5[%get3A_604, %get3A_605] {strides = array<i32>} : memref<48x512xf32, #tpu.memory_space<vmem>>, vector<16xf32>,
        %mul3A_607 = arith.mulf %gather3A, %get3A_606 : vector<16xf32>
        %add3A_608 = arith.constant 1 : i32
        %add3A_609 = arith.addi %mul3A_261, %add3A_608 : i32
        %get3A_610 = arith.index_cast %add3A_609 : i32 to index
        %get3A_611 = arith.constant 192 : index
        %get3A_612 = tpu.vector_load %arg5[%get3A_610, %get3A_611] {strides = array<i32>} : memref<48x512xf32, #tpu.memory_space<vmem>>, vector<16xf32>,
        %mul3A_613 = arith.mulf %gather3A_270, %get3A_612 : vector<16xf32>
        %add3A_614 = arith.addf %mul3A_607, %mul3A_613 : vector<16xf32>
        %add3A_615 = arith.constant 2 : i32
        %add3A_616 = arith.addi %mul3A_261, %add3A_615 : i32
        %get3A_617 = arith.index_cast %add3A_616 : i32 to index
        %get3A_618 = arith.constant 192 : index
        %get3A_619 = tpu.vector_load %arg5[%get3A_617, %get3A_618] {strides = array<i32>} : memref<48x512xf32, #tpu.memory_space<vmem>>, vector<16xf32>,
        %mul3A_620 = arith.mulf %gather3A_275, %get3A_619 : vector<16xf32>
        %add3A_621 = arith.constant 3 : i32
        %add3A_622 = arith.addi %mul3A_261, %add3A_621 : i32
        %get3A_623 = arith.index_cast %add3A_622 : i32 to index
        %get3A_624 = arith.constant 192 : index
        %get3A_625 = tpu.vector_load %arg5[%get3A_623, %get3A_624] {strides = array<i32>} : memref<48x512xf32, #tpu.memory_space<vmem>>, vector<16xf32>,
        %mul3A_626 = arith.mulf %gather3A_280, %get3A_625 : vector<16xf32>
        %add3A_627 = arith.addf %mul3A_620, %mul3A_626 : vector<16xf32>
        %add3A_628 = arith.addf %add3A_614, %add3A_627 : vector<16xf32>
        %swap3A_629 = arith.constant 192 : index
        %swap3A_630 = tpu.vector_load %arg9[%swap3A_629] {strides = array<i32>} : memref<512xf32, #tpu.memory_space<vmem>>, vector<16xf32>,
        tpu.vector_store %arg9[%swap3A_629], %add3A_628 {add = true, strides = array<i32>} : memref<512xf32, #tpu.memory_space<vmem>>, vector<16xf32>,
        %get3A_631 = arith.index_cast %mul3A_261 : i32 to index
        %get3A_632 = arith.constant 208 : index
        %get3A_633 = tpu.vector_load %arg5[%get3A_631, %get3A_632] {strides = array<i32>} : memref<48x512xf32, #tpu.memory_space<vmem>>, vector<16xf32>,
        %mul3A_634 = arith.mulf %gather3A, %get3A_633 : vector<16xf32>
        %add3A_635 = arith.constant 1 : i32
        %add3A_636 = arith.addi %mul3A_261, %add3A_635 : i32
        %get3A_637 = arith.index_cast %add3A_636 : i32 to index
        %get3A_638 = arith.constant 208 : index
        %get3A_639 = tpu.vector_load %arg5[%get3A_637, %get3A_638] {strides = array<i32>} : memref<48x512xf32, #tpu.memory_space<vmem>>, vector<16xf32>,
        %mul3A_640 = arith.mulf %gather3A_270, %get3A_639 : vector<16xf32>
        %add3A_641 = arith.addf %mul3A_634, %mul3A_640 : vector<16xf32>
        %add3A_642 = arith.constant 2 : i32
        %add3A_643 = arith.addi %mul3A_261, %add3A_642 : i32
        %get3A_644 = arith.index_cast %add3A_643 : i32 to index
        %get3A_645 = arith.constant 208 : index
        %get3A_646 = tpu.vector_load %arg5[%get3A_644, %get3A_645] {strides = array<i32>} : memref<48x512xf32, #tpu.memory_space<vmem>>, vector<16xf32>,
        %mul3A_647 = arith.mulf %gather3A_275, %get3A_646 : vector<16xf32>
        %add3A_648 = arith.constant 3 : i32
        %add3A_649 = arith.addi %mul3A_261, %add3A_648 : i32
        %get3A_650 = arith.index_cast %add3A_649 : i32 to index
        %get3A_651 = arith.constant 208 : index
        %get3A_652 = tpu.vector_load %arg5[%get3A_650, %get3A_651] {strides = array<i32>} : memref<48x512xf32, #tpu.memory_space<vmem>>, vector<16xf32>,
        %mul3A_653 = arith.mulf %gather3A_280, %get3A_652 : vector<16xf32>
        %add3A_654 = arith.addf %mul3A_647, %mul3A_653 : vector<16xf32>
        %add3A_655 = arith.addf %add3A_641, %add3A_654 : vector<16xf32>
        %swap3A_656 = arith.constant 208 : index
        %swap3A_657 = tpu.vector_load %arg9[%swap3A_656] {strides = array<i32>} : memref<512xf32, #tpu.memory_space<vmem>>, vector<16xf32>,
        tpu.vector_store %arg9[%swap3A_656], %add3A_655 {add = true, strides = array<i32>} : memref<512xf32, #tpu.memory_space<vmem>>, vector<16xf32>,
        %get3A_658 = arith.index_cast %mul3A_261 : i32 to index
        %get3A_659 = arith.constant 224 : index
        %get3A_660 = tpu.vector_load %arg5[%get3A_658, %get3A_659] {strides = array<i32>} : memref<48x512xf32, #tpu.memory_space<vmem>>, vector<16xf32>,
        %mul3A_661 = arith.mulf %gather3A, %get3A_660 : vector<16xf32>
        %add3A_662 = arith.constant 1 : i32
        %add3A_663 = arith.addi %mul3A_261, %add3A_662 : i32
        %get3A_664 = arith.index_cast %add3A_663 : i32 to index
        %get3A_665 = arith.constant 224 : index
        %get3A_666 = tpu.vector_load %arg5[%get3A_664, %get3A_665] {strides = array<i32>} : memref<48x512xf32, #tpu.memory_space<vmem>>, vector<16xf32>,
        %mul3A_667 = arith.mulf %gather3A_270, %get3A_666 : vector<16xf32>
        %add3A_668 = arith.addf %mul3A_661, %mul3A_667 : vector<16xf32>
        %add3A_669 = arith.constant 2 : i32
        %add3A_670 = arith.addi %mul3A_261, %add3A_669 : i32
        %get3A_671 = arith.index_cast %add3A_670 : i32 to index
        %get3A_672 = arith.constant 224 : index
        %get3A_673 = tpu.vector_load %arg5[%get3A_671, %get3A_672] {strides = array<i32>} : memref<48x512xf32, #tpu.memory_space<vmem>>, vector<16xf32>,
        %mul3A_674 = arith.mulf %gather3A_275, %get3A_673 : vector<16xf32>
        %add3A_675 = arith.constant 3 : i32
        %add3A_676 = arith.addi %mul3A_261, %add3A_675 : i32
        %get3A_677 = arith.index_cast %add3A_676 : i32 to index
        %get3A_678 = arith.constant 224 : index
        %get3A_679 = tpu.vector_load %arg5[%get3A_677, %get3A_678] {strides = array<i32>} : memref<48x512xf32, #tpu.memory_space<vmem>>, vector<16xf32>,
        %mul3A_680 = arith.mulf %gather3A_280, %get3A_679 : vector<16xf32>
        %add3A_681 = arith.addf %mul3A_674, %mul3A_680 : vector<16xf32>
        %add3A_682 = arith.addf %add3A_668, %add3A_681 : vector<16xf32>
        %swap3A_683 = arith.constant 224 : index
        %swap3A_684 = tpu.vector_load %arg9[%swap3A_683] {strides = array<i32>} : memref<512xf32, #tpu.memory_space<vmem>>, vector<16xf32>,
        tpu.vector_store %arg9[%swap3A_683], %add3A_682 {add = true, strides = array<i32>} : memref<512xf32, #tpu.memory_space<vmem>>, vector<16xf32>,
        %get3A_685 = arith.index_cast %mul3A_261 : i32 to index
        %get3A_686 = arith.constant 240 : index
        %get3A_687 = tpu.vector_load %arg5[%get3A_685, %get3A_686] {strides = array<i32>} : memref<48x512xf32, #tpu.memory_space<vmem>>, vector<16xf32>,
        %mul3A_688 = arith.mulf %gather3A, %get3A_687 : vector<16xf32>
        %add3A_689 = arith.constant 1 : i32
        %add3A_690 = arith.addi %mul3A_261, %add3A_689 : i32
        %get3A_691 = arith.index_cast %add3A_690 : i32 to index
        %get3A_692 = arith.constant 240 : index
        %get3A_693 = tpu.vector_load %arg5[%get3A_691, %get3A_692] {strides = array<i32>} : memref<48x512xf32, #tpu.memory_space<vmem>>, vector<16xf32>,
        %mul3A_694 = arith.mulf %gather3A_270, %get3A_693 : vector<16xf32>
        %add3A_695 = arith.addf %mul3A_688, %mul3A_694 : vector<16xf32>
        %add3A_696 = arith.constant 2 : i32
        %add3A_697 = arith.addi %mul3A_261, %add3A_696 : i32
        %get3A_698 = arith.index_cast %add3A_697 : i32 to index
        %get3A_699 = arith.constant 240 : index
        %get3A_700 = tpu.vector_load %arg5[%get3A_698, %get3A_699] {strides = array<i32>} : memref<48x512xf32, #tpu.memory_space<vmem>>, vector<16xf32>,
        %mul3A_701 = arith.mulf %gather3A_275, %get3A_700 : vector<16xf32>
        %add3A_702 = arith.constant 3 : i32
        %add3A_703 = arith.addi %mul3A_261, %add3A_702 : i32
        %get3A_704 = arith.index_cast %add3A_703 : i32 to index
        %get3A_705 = arith.constant 240 : index
        %get3A_706 = tpu.vector_load %arg5[%get3A_704, %get3A_705] {strides = array<i32>} : memref<48x512xf32, #tpu.memory_space<vmem>>, vector<16xf32>,
        %mul3A_707 = arith.mulf %gather3A_280, %get3A_706 : vector<16xf32>
        %add3A_708 = arith.addf %mul3A_701, %mul3A_707 : vector<16xf32>
        %add3A_709 = arith.addf %add3A_695, %add3A_708 : vector<16xf32>
        %swap3A_710 = arith.constant 240 : index
        %swap3A_711 = tpu.vector_load %arg9[%swap3A_710] {strides = array<i32>} : memref<512xf32, #tpu.memory_space<vmem>>, vector<16xf32>,
        tpu.vector_store %arg9[%swap3A_710], %add3A_709 {add = true, strides = array<i32>} : memref<512xf32, #tpu.memory_space<vmem>>, vector<16xf32>,
        %get3A_712 = arith.index_cast %mul3A_261 : i32 to index
        %get3A_713 = arith.constant 256 : index
        %get3A_714 = tpu.vector_load %arg5[%get3A_712, %get3A_713] {strides = array<i32>} : memref<48x512xf32, #tpu.memory_space<vmem>>, vector<16xf32>,
        %mul3A_715 = arith.mulf %gather3A, %get3A_714 : vector<16xf32>
        %add3A_716 = arith.constant 1 : i32
        %add3A_717 = arith.addi %mul3A_261, %add3A_716 : i32
        %get3A_718 = arith.index_cast %add3A_717 : i32 to index
        %get3A_719 = arith.constant 256 : index
        %get3A_720 = tpu.vector_load %arg5[%get3A_718, %get3A_719] {strides = array<i32>} : memref<48x512xf32, #tpu.memory_space<vmem>>, vector<16xf32>,
        %mul3A_721 = arith.mulf %gather3A_270, %get3A_720 : vector<16xf32>
        %add3A_722 = arith.addf %mul3A_715, %mul3A_721 : vector<16xf32>
        %add3A_723 = arith.constant 2 : i32
        %add3A_724 = arith.addi %mul3A_261, %add3A_723 : i32
        %get3A_725 = arith.index_cast %add3A_724 : i32 to index
        %get3A_726 = arith.constant 256 : index
        %get3A_727 = tpu.vector_load %arg5[%get3A_725, %get3A_726] {strides = array<i32>} : memref<48x512xf32, #tpu.memory_space<vmem>>, vector<16xf32>,
        %mul3A_728 = arith.mulf %gather3A_275, %get3A_727 : vector<16xf32>
        %add3A_729 = arith.constant 3 : i32
        %add3A_730 = arith.addi %mul3A_261, %add3A_729 : i32
        %get3A_731 = arith.index_cast %add3A_730 : i32 to index
        %get3A_732 = arith.constant 256 : index
        %get3A_733 = tpu.vector_load %arg5[%get3A_731, %get3A_732] {strides = array<i32>} : memref<48x512xf32, #tpu.memory_space<vmem>>, vector<16xf32>,
        %mul3A_734 = arith.mulf %gather3A_280, %get3A_733 : vector<16xf32>
        %add3A_735 = arith.addf %mul3A_728, %mul3A_734 : vector<16xf32>
        %add3A_736 = arith.addf %add3A_722, %add3A_735 : vector<16xf32>
        %swap3A_737 = arith.constant 256 : index
        %swap3A_738 = tpu.vector_load %arg9[%swap3A_737] {strides = array<i32>} : memref<512xf32, #tpu.memory_space<vmem>>, vector<16xf32>,
        tpu.vector_store %arg9[%swap3A_737], %add3A_736 {add = true, strides = array<i32>} : memref<512xf32, #tpu.memory_space<vmem>>, vector<16xf32>,
        %get3A_739 = arith.index_cast %mul3A_261 : i32 to index
        %get3A_740 = arith.constant 272 : index
        %get3A_741 = tpu.vector_load %arg5[%get3A_739, %get3A_740] {strides = array<i32>} : memref<48x512xf32, #tpu.memory_space<vmem>>, vector<16xf32>,
        %mul3A_742 = arith.mulf %gather3A, %get3A_741 : vector<16xf32>
        %add3A_743 = arith.constant 1 : i32
        %add3A_744 = arith.addi %mul3A_261, %add3A_743 : i32
        %get3A_745 = arith.index_cast %add3A_744 : i32 to index
        %get3A_746 = arith.constant 272 : index
        %get3A_747 = tpu.vector_load %arg5[%get3A_745, %get3A_746] {strides = array<i32>} : memref<48x512xf32, #tpu.memory_space<vmem>>, vector<16xf32>,
        %mul3A_748 = arith.mulf %gather3A_270, %get3A_747 : vector<16xf32>
        %add3A_749 = arith.addf %mul3A_742, %mul3A_748 : vector<16xf32>
        %add3A_750 = arith.constant 2 : i32
        %add3A_751 = arith.addi %mul3A_261, %add3A_750 : i32
        %get3A_752 = arith.index_cast %add3A_751 : i32 to index
        %get3A_753 = arith.constant 272 : index
        %get3A_754 = tpu.vector_load %arg5[%get3A_752, %get3A_753] {strides = array<i32>} : memref<48x512xf32, #tpu.memory_space<vmem>>, vector<16xf32>,
        %mul3A_755 = arith.mulf %gather3A_275, %get3A_754 : vector<16xf32>
        %add3A_756 = arith.constant 3 : i32
        %add3A_757 = arith.addi %mul3A_261, %add3A_756 : i32
        %get3A_758 = arith.index_cast %add3A_757 : i32 to index
        %get3A_759 = arith.constant 272 : index
        %get3A_760 = tpu.vector_load %arg5[%get3A_758, %get3A_759] {strides = array<i32>} : memref<48x512xf32, #tpu.memory_space<vmem>>, vector<16xf32>,
        %mul3A_761 = arith.mulf %gather3A_280, %get3A_760 : vector<16xf32>
        %add3A_762 = arith.addf %mul3A_755, %mul3A_761 : vector<16xf32>
        %add3A_763 = arith.addf %add3A_749, %add3A_762 : vector<16xf32>
        %swap3A_764 = arith.constant 272 : index
        %swap3A_765 = tpu.vector_load %arg9[%swap3A_764] {strides = array<i32>} : memref<512xf32, #tpu.memory_space<vmem>>, vector<16xf32>,
        tpu.vector_store %arg9[%swap3A_764], %add3A_763 {add = true, strides = array<i32>} : memref<512xf32, #tpu.memory_space<vmem>>, vector<16xf32>,
        %get3A_766 = arith.index_cast %mul3A_261 : i32 to index
        %get3A_767 = arith.constant 288 : index
        %get3A_768 = tpu.vector_load %arg5[%get3A_766, %get3A_767] {strides = array<i32>} : memref<48x512xf32, #tpu.memory_space<vmem>>, vector<16xf32>,
        %mul3A_769 = arith.mulf %gather3A, %get3A_768 : vector<16xf32>
        %add3A_770 = arith.constant 1 : i32
        %add3A_771 = arith.addi %mul3A_261, %add3A_770 : i32
        %get3A_772 = arith.index_cast %add3A_771 : i32 to index
        %get3A_773 = arith.constant 288 : index
        %get3A_774 = tpu.vector_load %arg5[%get3A_772, %get3A_773] {strides = array<i32>} : memref<48x512xf32, #tpu.memory_space<vmem>>, vector<16xf32>,
        %mul3A_775 = arith.mulf %gather3A_270, %get3A_774 : vector<16xf32>
        %add3A_776 = arith.addf %mul3A_769, %mul3A_775 : vector<16xf32>
        %add3A_777 = arith.constant 2 : i32
        %add3A_778 = arith.addi %mul3A_261, %add3A_777 : i32
        %get3A_779 = arith.index_cast %add3A_778 : i32 to index
        %get3A_780 = arith.constant 288 : index
        %get3A_781 = tpu.vector_load %arg5[%get3A_779, %get3A_780] {strides = array<i32>} : memref<48x512xf32, #tpu.memory_space<vmem>>, vector<16xf32>,
        %mul3A_782 = arith.mulf %gather3A_275, %get3A_781 : vector<16xf32>
        %add3A_783 = arith.constant 3 : i32
        %add3A_784 = arith.addi %mul3A_261, %add3A_783 : i32
        %get3A_785 = arith.index_cast %add3A_784 : i32 to index
        %get3A_786 = arith.constant 288 : index
        %get3A_787 = tpu.vector_load %arg5[%get3A_785, %get3A_786] {strides = array<i32>} : memref<48x512xf32, #tpu.memory_space<vmem>>, vector<16xf32>,
        %mul3A_788 = arith.mulf %gather3A_280, %get3A_787 : vector<16xf32>
        %add3A_789 = arith.addf %mul3A_782, %mul3A_788 : vector<16xf32>
        %add3A_790 = arith.addf %add3A_776, %add3A_789 : vector<16xf32>
        %swap3A_791 = arith.constant 288 : index
        %swap3A_792 = tpu.vector_load %arg9[%swap3A_791] {strides = array<i32>} : memref<512xf32, #tpu.memory_space<vmem>>, vector<16xf32>,
        tpu.vector_store %arg9[%swap3A_791], %add3A_790 {add = true, strides = array<i32>} : memref<512xf32, #tpu.memory_space<vmem>>, vector<16xf32>,
        %get3A_793 = arith.index_cast %mul3A_261 : i32 to index
        %get3A_794 = arith.constant 304 : index
        %get3A_795 = tpu.vector_load %arg5[%get3A_793, %get3A_794] {strides = array<i32>} : memref<48x512xf32, #tpu.memory_space<vmem>>, vector<16xf32>,
        %mul3A_796 = arith.mulf %gather3A, %get3A_795 : vector<16xf32>
        %add3A_797 = arith.constant 1 : i32
        %add3A_798 = arith.addi %mul3A_261, %add3A_797 : i32
        %get3A_799 = arith.index_cast %add3A_798 : i32 to index
        %get3A_800 = arith.constant 304 : index
        %get3A_801 = tpu.vector_load %arg5[%get3A_799, %get3A_800] {strides = array<i32>} : memref<48x512xf32, #tpu.memory_space<vmem>>, vector<16xf32>,
        %mul3A_802 = arith.mulf %gather3A_270, %get3A_801 : vector<16xf32>
        %add3A_803 = arith.addf %mul3A_796, %mul3A_802 : vector<16xf32>
        %add3A_804 = arith.constant 2 : i32
        %add3A_805 = arith.addi %mul3A_261, %add3A_804 : i32
        %get3A_806 = arith.index_cast %add3A_805 : i32 to index
        %get3A_807 = arith.constant 304 : index
        %get3A_808 = tpu.vector_load %arg5[%get3A_806, %get3A_807] {strides = array<i32>} : memref<48x512xf32, #tpu.memory_space<vmem>>, vector<16xf32>,
        %mul3A_809 = arith.mulf %gather3A_275, %get3A_808 : vector<16xf32>
        %add3A_810 = arith.constant 3 : i32
        %add3A_811 = arith.addi %mul3A_261, %add3A_810 : i32
        %get3A_812 = arith.index_cast %add3A_811 : i32 to index
        %get3A_813 = arith.constant 304 : index
        %get3A_814 = tpu.vector_load %arg5[%get3A_812, %get3A_813] {strides = array<i32>} : memref<48x512xf32, #tpu.memory_space<vmem>>, vector<16xf32>,
        %mul3A_815 = arith.mulf %gather3A_280, %get3A_814 : vector<16xf32>
        %add3A_816 = arith.addf %mul3A_809, %mul3A_815 : vector<16xf32>
        %add3A_817 = arith.addf %add3A_803, %add3A_816 : vector<16xf32>
        %swap3A_818 = arith.constant 304 : index
        %swap3A_819 = tpu.vector_load %arg9[%swap3A_818] {strides = array<i32>} : memref<512xf32, #tpu.memory_space<vmem>>, vector<16xf32>,
        tpu.vector_store %arg9[%swap3A_818], %add3A_817 {add = true, strides = array<i32>} : memref<512xf32, #tpu.memory_space<vmem>>, vector<16xf32>,
        %get3A_820 = arith.index_cast %mul3A_261 : i32 to index
        %get3A_821 = arith.constant 320 : index
        %get3A_822 = tpu.vector_load %arg5[%get3A_820, %get3A_821] {strides = array<i32>} : memref<48x512xf32, #tpu.memory_space<vmem>>, vector<16xf32>,
        %mul3A_823 = arith.mulf %gather3A, %get3A_822 : vector<16xf32>
        %add3A_824 = arith.constant 1 : i32
        %add3A_825 = arith.addi %mul3A_261, %add3A_824 : i32
        %get3A_826 = arith.index_cast %add3A_825 : i32 to index
        %get3A_827 = arith.constant 320 : index
        %get3A_828 = tpu.vector_load %arg5[%get3A_826, %get3A_827] {strides = array<i32>} : memref<48x512xf32, #tpu.memory_space<vmem>>, vector<16xf32>,
        %mul3A_829 = arith.mulf %gather3A_270, %get3A_828 : vector<16xf32>
        %add3A_830 = arith.addf %mul3A_823, %mul3A_829 : vector<16xf32>
        %add3A_831 = arith.constant 2 : i32
        %add3A_832 = arith.addi %mul3A_261, %add3A_831 : i32
        %get3A_833 = arith.index_cast %add3A_832 : i32 to index
        %get3A_834 = arith.constant 320 : index
        %get3A_835 = tpu.vector_load %arg5[%get3A_833, %get3A_834] {strides = array<i32>} : memref<48x512xf32, #tpu.memory_space<vmem>>, vector<16xf32>,
        %mul3A_836 = arith.mulf %gather3A_275, %get3A_835 : vector<16xf32>
        %add3A_837 = arith.constant 3 : i32
        %add3A_838 = arith.addi %mul3A_261, %add3A_837 : i32
        %get3A_839 = arith.index_cast %add3A_838 : i32 to index
        %get3A_840 = arith.constant 320 : index
        %get3A_841 = tpu.vector_load %arg5[%get3A_839, %get3A_840] {strides = array<i32>} : memref<48x512xf32, #tpu.memory_space<vmem>>, vector<16xf32>,
        %mul3A_842 = arith.mulf %gather3A_280, %get3A_841 : vector<16xf32>
        %add3A_843 = arith.addf %mul3A_836, %mul3A_842 : vector<16xf32>
        %add3A_844 = arith.addf %add3A_830, %add3A_843 : vector<16xf32>
        %swap3A_845 = arith.constant 320 : index
        %swap3A_846 = tpu.vector_load %arg9[%swap3A_845] {strides = array<i32>} : memref<512xf32, #tpu.memory_space<vmem>>, vector<16xf32>,
        tpu.vector_store %arg9[%swap3A_845], %add3A_844 {add = true, strides = array<i32>} : memref<512xf32, #tpu.memory_space<vmem>>, vector<16xf32>,
        %get3A_847 = arith.index_cast %mul3A_261 : i32 to index
        %get3A_848 = arith.constant 336 : index
        %get3A_849 = tpu.vector_load %arg5[%get3A_847, %get3A_848] {strides = array<i32>} : memref<48x512xf32, #tpu.memory_space<vmem>>, vector<16xf32>,
        %mul3A_850 = arith.mulf %gather3A, %get3A_849 : vector<16xf32>
        %add3A_851 = arith.constant 1 : i32
        %add3A_852 = arith.addi %mul3A_261, %add3A_851 : i32
        %get3A_853 = arith.index_cast %add3A_852 : i32 to index
        %get3A_854 = arith.constant 336 : index
        %get3A_855 = tpu.vector_load %arg5[%get3A_853, %get3A_854] {strides = array<i32>} : memref<48x512xf32, #tpu.memory_space<vmem>>, vector<16xf32>,
        %mul3A_856 = arith.mulf %gather3A_270, %get3A_855 : vector<16xf32>
        %add3A_857 = arith.addf %mul3A_850, %mul3A_856 : vector<16xf32>
        %add3A_858 = arith.constant 2 : i32
        %add3A_859 = arith.addi %mul3A_261, %add3A_858 : i32
        %get3A_860 = arith.index_cast %add3A_859 : i32 to index
        %get3A_861 = arith.constant 336 : index
        %get3A_862 = tpu.vector_load %arg5[%get3A_860, %get3A_861] {strides = array<i32>} : memref<48x512xf32, #tpu.memory_space<vmem>>, vector<16xf32>,
        %mul3A_863 = arith.mulf %gather3A_275, %get3A_862 : vector<16xf32>
        %add3A_864 = arith.constant 3 : i32
        %add3A_865 = arith.addi %mul3A_261, %add3A_864 : i32
        %get3A_866 = arith.index_cast %add3A_865 : i32 to index
        %get3A_867 = arith.constant 336 : index
        %get3A_868 = tpu.vector_load %arg5[%get3A_866, %get3A_867] {strides = array<i32>} : memref<48x512xf32, #tpu.memory_space<vmem>>, vector<16xf32>,
        %mul3A_869 = arith.mulf %gather3A_280, %get3A_868 : vector<16xf32>
        %add3A_870 = arith.addf %mul3A_863, %mul3A_869 : vector<16xf32>
        %add3A_871 = arith.addf %add3A_857, %add3A_870 : vector<16xf32>
        %swap3A_872 = arith.constant 336 : index
        %swap3A_873 = tpu.vector_load %arg9[%swap3A_872] {strides = array<i32>} : memref<512xf32, #tpu.memory_space<vmem>>, vector<16xf32>,
        tpu.vector_store %arg9[%swap3A_872], %add3A_871 {add = true, strides = array<i32>} : memref<512xf32, #tpu.memory_space<vmem>>, vector<16xf32>,
        %get3A_874 = arith.index_cast %mul3A_261 : i32 to index
        %get3A_875 = arith.constant 352 : index
        %get3A_876 = tpu.vector_load %arg5[%get3A_874, %get3A_875] {strides = array<i32>} : memref<48x512xf32, #tpu.memory_space<vmem>>, vector<16xf32>,
        %mul3A_877 = arith.mulf %gather3A, %get3A_876 : vector<16xf32>
        %add3A_878 = arith.constant 1 : i32
        %add3A_879 = arith.addi %mul3A_261, %add3A_878 : i32
        %get3A_880 = arith.index_cast %add3A_879 : i32 to index
        %get3A_881 = arith.constant 352 : index
        %get3A_882 = tpu.vector_load %arg5[%get3A_880, %get3A_881] {strides = array<i32>} : memref<48x512xf32, #tpu.memory_space<vmem>>, vector<16xf32>,
        %mul3A_883 = arith.mulf %gather3A_270, %get3A_882 : vector<16xf32>
        %add3A_884 = arith.addf %mul3A_877, %mul3A_883 : vector<16xf32>
        %add3A_885 = arith.constant 2 : i32
        %add3A_886 = arith.addi %mul3A_261, %add3A_885 : i32
        %get3A_887 = arith.index_cast %add3A_886 : i32 to index
        %get3A_888 = arith.constant 352 : index
        %get3A_889 = tpu.vector_load %arg5[%get3A_887, %get3A_888] {strides = array<i32>} : memref<48x512xf32, #tpu.memory_space<vmem>>, vector<16xf32>,
        %mul3A_890 = arith.mulf %gather3A_275, %get3A_889 : vector<16xf32>
        %add3A_891 = arith.constant 3 : i32
        %add3A_892 = arith.addi %mul3A_261, %add3A_891 : i32
        %get3A_893 = arith.index_cast %add3A_892 : i32 to index
        %get3A_894 = arith.constant 352 : index
        %get3A_895 = tpu.vector_load %arg5[%get3A_893, %get3A_894] {strides = array<i32>} : memref<48x512xf32, #tpu.memory_space<vmem>>, vector<16xf32>,
        %mul3A_896 = arith.mulf %gather3A_280, %get3A_895 : vector<16xf32>
        %add3A_897 = arith.addf %mul3A_890, %mul3A_896 : vector<16xf32>
        %add3A_898 = arith.addf %add3A_884, %add3A_897 : vector<16xf32>
        %swap3A_899 = arith.constant 352 : index
        %swap3A_900 = tpu.vector_load %arg9[%swap3A_899] {strides = array<i32>} : memref<512xf32, #tpu.memory_space<vmem>>, vector<16xf32>,
        tpu.vector_store %arg9[%swap3A_899], %add3A_898 {add = true, strides = array<i32>} : memref<512xf32, #tpu.memory_space<vmem>>, vector<16xf32>,
        %get3A_901 = arith.index_cast %mul3A_261 : i32 to index
        %get3A_902 = arith.constant 368 : index
        %get3A_903 = tpu.vector_load %arg5[%get3A_901, %get3A_902] {strides = array<i32>} : memref<48x512xf32, #tpu.memory_space<vmem>>, vector<16xf32>,
        %mul3A_904 = arith.mulf %gather3A, %get3A_903 : vector<16xf32>
        %add3A_905 = arith.constant 1 : i32
        %add3A_906 = arith.addi %mul3A_261, %add3A_905 : i32
        %get3A_907 = arith.index_cast %add3A_906 : i32 to index
        %get3A_908 = arith.constant 368 : index
        %get3A_909 = tpu.vector_load %arg5[%get3A_907, %get3A_908] {strides = array<i32>} : memref<48x512xf32, #tpu.memory_space<vmem>>, vector<16xf32>,
        %mul3A_910 = arith.mulf %gather3A_270, %get3A_909 : vector<16xf32>
        %add3A_911 = arith.addf %mul3A_904, %mul3A_910 : vector<16xf32>
        %add3A_912 = arith.constant 2 : i32
        %add3A_913 = arith.addi %mul3A_261, %add3A_912 : i32
        %get3A_914 = arith.index_cast %add3A_913 : i32 to index
        %get3A_915 = arith.constant 368 : index
        %get3A_916 = tpu.vector_load %arg5[%get3A_914, %get3A_915] {strides = array<i32>} : memref<48x512xf32, #tpu.memory_space<vmem>>, vector<16xf32>,
        %mul3A_917 = arith.mulf %gather3A_275, %get3A_916 : vector<16xf32>
        %add3A_918 = arith.constant 3 : i32
        %add3A_919 = arith.addi %mul3A_261, %add3A_918 : i32
        %get3A_920 = arith.index_cast %add3A_919 : i32 to index
        %get3A_921 = arith.constant 368 : index
        %get3A_922 = tpu.vector_load %arg5[%get3A_920, %get3A_921] {strides = array<i32>} : memref<48x512xf32, #tpu.memory_space<vmem>>, vector<16xf32>,
        %mul3A_923 = arith.mulf %gather3A_280, %get3A_922 : vector<16xf32>
        %add3A_924 = arith.addf %mul3A_917, %mul3A_923 : vector<16xf32>
        %add3A_925 = arith.addf %add3A_911, %add3A_924 : vector<16xf32>
        %swap3A_926 = arith.constant 368 : index
        %swap3A_927 = tpu.vector_load %arg9[%swap3A_926] {strides = array<i32>} : memref<512xf32, #tpu.memory_space<vmem>>, vector<16xf32>,
        tpu.vector_store %arg9[%swap3A_926], %add3A_925 {add = true, strides = array<i32>} : memref<512xf32, #tpu.memory_space<vmem>>, vector<16xf32>,
        %get3A_928 = arith.index_cast %mul3A_261 : i32 to index
        %get3A_929 = arith.constant 384 : index
        %get3A_930 = tpu.vector_load %arg5[%get3A_928, %get3A_929] {strides = array<i32>} : memref<48x512xf32, #tpu.memory_space<vmem>>, vector<16xf32>,
        %mul3A_931 = arith.mulf %gather3A, %get3A_930 : vector<16xf32>
        %add3A_932 = arith.constant 1 : i32
        %add3A_933 = arith.addi %mul3A_261, %add3A_932 : i32
        %get3A_934 = arith.index_cast %add3A_933 : i32 to index
        %get3A_935 = arith.constant 384 : index
        %get3A_936 = tpu.vector_load %arg5[%get3A_934, %get3A_935] {strides = array<i32>} : memref<48x512xf32, #tpu.memory_space<vmem>>, vector<16xf32>,
        %mul3A_937 = arith.mulf %gather3A_270, %get3A_936 : vector<16xf32>
        %add3A_938 = arith.addf %mul3A_931, %mul3A_937 : vector<16xf32>
        %add3A_939 = arith.constant 2 : i32
        %add3A_940 = arith.addi %mul3A_261, %add3A_939 : i32
        %get3A_941 = arith.index_cast %add3A_940 : i32 to index
        %get3A_942 = arith.constant 384 : index
        %get3A_943 = tpu.vector_load %arg5[%get3A_941, %get3A_942] {strides = array<i32>} : memref<48x512xf32, #tpu.memory_space<vmem>>, vector<16xf32>,
        %mul3A_944 = arith.mulf %gather3A_275, %get3A_943 : vector<16xf32>
        %add3A_945 = arith.constant 3 : i32
        %add3A_946 = arith.addi %mul3A_261, %add3A_945 : i32
        %get3A_947 = arith.index_cast %add3A_946 : i32 to index
        %get3A_948 = arith.constant 384 : index
        %get3A_949 = tpu.vector_load %arg5[%get3A_947, %get3A_948] {strides = array<i32>} : memref<48x512xf32, #tpu.memory_space<vmem>>, vector<16xf32>,
        %mul3A_950 = arith.mulf %gather3A_280, %get3A_949 : vector<16xf32>
        %add3A_951 = arith.addf %mul3A_944, %mul3A_950 : vector<16xf32>
        %add3A_952 = arith.addf %add3A_938, %add3A_951 : vector<16xf32>
        %swap3A_953 = arith.constant 384 : index
        %swap3A_954 = tpu.vector_load %arg9[%swap3A_953] {strides = array<i32>} : memref<512xf32, #tpu.memory_space<vmem>>, vector<16xf32>,
        tpu.vector_store %arg9[%swap3A_953], %add3A_952 {add = true, strides = array<i32>} : memref<512xf32, #tpu.memory_space<vmem>>, vector<16xf32>,
        %get3A_955 = arith.index_cast %mul3A_261 : i32 to index
        %get3A_956 = arith.constant 400 : index
        %get3A_957 = tpu.vector_load %arg5[%get3A_955, %get3A_956] {strides = array<i32>} : memref<48x512xf32, #tpu.memory_space<vmem>>, vector<16xf32>,
        %mul3A_958 = arith.mulf %gather3A, %get3A_957 : vector<16xf32>
        %add3A_959 = arith.constant 1 : i32
        %add3A_960 = arith.addi %mul3A_261, %add3A_959 : i32
        %get3A_961 = arith.index_cast %add3A_960 : i32 to index
        %get3A_962 = arith.constant 400 : index
        %get3A_963 = tpu.vector_load %arg5[%get3A_961, %get3A_962] {strides = array<i32>} : memref<48x512xf32, #tpu.memory_space<vmem>>, vector<16xf32>,
        %mul3A_964 = arith.mulf %gather3A_270, %get3A_963 : vector<16xf32>
        %add3A_965 = arith.addf %mul3A_958, %mul3A_964 : vector<16xf32>
        %add3A_966 = arith.constant 2 : i32
        %add3A_967 = arith.addi %mul3A_261, %add3A_966 : i32
        %get3A_968 = arith.index_cast %add3A_967 : i32 to index
        %get3A_969 = arith.constant 400 : index
        %get3A_970 = tpu.vector_load %arg5[%get3A_968, %get3A_969] {strides = array<i32>} : memref<48x512xf32, #tpu.memory_space<vmem>>, vector<16xf32>,
        %mul3A_971 = arith.mulf %gather3A_275, %get3A_970 : vector<16xf32>
        %add3A_972 = arith.constant 3 : i32
        %add3A_973 = arith.addi %mul3A_261, %add3A_972 : i32
        %get3A_974 = arith.index_cast %add3A_973 : i32 to index
        %get3A_975 = arith.constant 400 : index
        %get3A_976 = tpu.vector_load %arg5[%get3A_974, %get3A_975] {strides = array<i32>} : memref<48x512xf32, #tpu.memory_space<vmem>>, vector<16xf32>,
        %mul3A_977 = arith.mulf %gather3A_280, %get3A_976 : vector<16xf32>
        %add3A_978 = arith.addf %mul3A_971, %mul3A_977 : vector<16xf32>
        %add3A_979 = arith.addf %add3A_965, %add3A_978 : vector<16xf32>
        %swap3A_980 = arith.constant 400 : index
        %swap3A_981 = tpu.vector_load %arg9[%swap3A_980] {strides = array<i32>} : memref<512xf32, #tpu.memory_space<vmem>>, vector<16xf32>,
        tpu.vector_store %arg9[%swap3A_980], %add3A_979 {add = true, strides = array<i32>} : memref<512xf32, #tpu.memory_space<vmem>>, vector<16xf32>,
        %get3A_982 = arith.index_cast %mul3A_261 : i32 to index
        %get3A_983 = arith.constant 416 : index
        %get3A_984 = tpu.vector_load %arg5[%get3A_982, %get3A_983] {strides = array<i32>} : memref<48x512xf32, #tpu.memory_space<vmem>>, vector<16xf32>,
        %mul3A_985 = arith.mulf %gather3A, %get3A_984 : vector<16xf32>
        %add3A_986 = arith.constant 1 : i32
        %add3A_987 = arith.addi %mul3A_261, %add3A_986 : i32
        %get3A_988 = arith.index_cast %add3A_987 : i32 to index
        %get3A_989 = arith.constant 416 : index
        %get3A_990 = tpu.vector_load %arg5[%get3A_988, %get3A_989] {strides = array<i32>} : memref<48x512xf32, #tpu.memory_space<vmem>>, vector<16xf32>,
        %mul3A_991 = arith.mulf %gather3A_270, %get3A_990 : vector<16xf32>
        %add3A_992 = arith.addf %mul3A_985, %mul3A_991 : vector<16xf32>
        %add3A_993 = arith.constant 2 : i32
        %add3A_994 = arith.addi %mul3A_261, %add3A_993 : i32
        %get3A_995 = arith.index_cast %add3A_994 : i32 to index
        %get3A_996 = arith.constant 416 : index
        %get3A_997 = tpu.vector_load %arg5[%get3A_995, %get3A_996] {strides = array<i32>} : memref<48x512xf32, #tpu.memory_space<vmem>>, vector<16xf32>,
        %mul3A_998 = arith.mulf %gather3A_275, %get3A_997 : vector<16xf32>
        %add3A_999 = arith.constant 3 : i32
        %add3A_1000 = arith.addi %mul3A_261, %add3A_999 : i32
        %get3A_1001 = arith.index_cast %add3A_1000 : i32 to index
        %get3A_1002 = arith.constant 416 : index
        %get3A_1003 = tpu.vector_load %arg5[%get3A_1001, %get3A_1002] {strides = array<i32>} : memref<48x512xf32, #tpu.memory_space<vmem>>, vector<16xf32>,
        %mul3A_1004 = arith.mulf %gather3A_280, %get3A_1003 : vector<16xf32>
        %add3A_1005 = arith.addf %mul3A_998, %mul3A_1004 : vector<16xf32>
        %add3A_1006 = arith.addf %add3A_992, %add3A_1005 : vector<16xf32>
        %swap3A_1007 = arith.constant 416 : index
        %swap3A_1008 = tpu.vector_load %arg9[%swap3A_1007] {strides = array<i32>} : memref<512xf32, #tpu.memory_space<vmem>>, vector<16xf32>,
        tpu.vector_store %arg9[%swap3A_1007], %add3A_1006 {add = true, strides = array<i32>} : memref<512xf32, #tpu.memory_space<vmem>>, vector<16xf32>,
        %get3A_1009 = arith.index_cast %mul3A_261 : i32 to index
        %get3A_1010 = arith.constant 432 : index
        %get3A_1011 = tpu.vector_load %arg5[%get3A_1009, %get3A_1010] {strides = array<i32>} : memref<48x512xf32, #tpu.memory_space<vmem>>, vector<16xf32>,
        %mul3A_1012 = arith.mulf %gather3A, %get3A_1011 : vector<16xf32>
        %add3A_1013 = arith.constant 1 : i32
        %add3A_1014 = arith.addi %mul3A_261, %add3A_1013 : i32
        %get3A_1015 = arith.index_cast %add3A_1014 : i32 to index
        %get3A_1016 = arith.constant 432 : index
        %get3A_1017 = tpu.vector_load %arg5[%get3A_1015, %get3A_1016] {strides = array<i32>} : memref<48x512xf32, #tpu.memory_space<vmem>>, vector<16xf32>,
        %mul3A_1018 = arith.mulf %gather3A_270, %get3A_1017 : vector<16xf32>
        %add3A_1019 = arith.addf %mul3A_1012, %mul3A_1018 : vector<16xf32>
        %add3A_1020 = arith.constant 2 : i32
        %add3A_1021 = arith.addi %mul3A_261, %add3A_1020 : i32
        %get3A_1022 = arith.index_cast %add3A_1021 : i32 to index
        %get3A_1023 = arith.constant 432 : index
        %get3A_1024 = tpu.vector_load %arg5[%get3A_1022, %get3A_1023] {strides = array<i32>} : memref<48x512xf32, #tpu.memory_space<vmem>>, vector<16xf32>,
        %mul3A_1025 = arith.mulf %gather3A_275, %get3A_1024 : vector<16xf32>
        %add3A_1026 = arith.constant 3 : i32
        %add3A_1027 = arith.addi %mul3A_261, %add3A_1026 : i32
        %get3A_1028 = arith.index_cast %add3A_1027 : i32 to index
        %get3A_1029 = arith.constant 432 : index
        %get3A_1030 = tpu.vector_load %arg5[%get3A_1028, %get3A_1029] {strides = array<i32>} : memref<48x512xf32, #tpu.memory_space<vmem>>, vector<16xf32>,
        %mul3A_1031 = arith.mulf %gather3A_280, %get3A_1030 : vector<16xf32>
        %add3A_1032 = arith.addf %mul3A_1025, %mul3A_1031 : vector<16xf32>
        %add3A_1033 = arith.addf %add3A_1019, %add3A_1032 : vector<16xf32>
        %swap3A_1034 = arith.constant 432 : index
        %swap3A_1035 = tpu.vector_load %arg9[%swap3A_1034] {strides = array<i32>} : memref<512xf32, #tpu.memory_space<vmem>>, vector<16xf32>,
        tpu.vector_store %arg9[%swap3A_1034], %add3A_1033 {add = true, strides = array<i32>} : memref<512xf32, #tpu.memory_space<vmem>>, vector<16xf32>,
        %get3A_1036 = arith.index_cast %mul3A_261 : i32 to index
        %get3A_1037 = arith.constant 448 : index
        %get3A_1038 = tpu.vector_load %arg5[%get3A_1036, %get3A_1037] {strides = array<i32>} : memref<48x512xf32, #tpu.memory_space<vmem>>, vector<16xf32>,
        %mul3A_1039 = arith.mulf %gather3A, %get3A_1038 : vector<16xf32>
        %add3A_1040 = arith.constant 1 : i32
        %add3A_1041 = arith.addi %mul3A_261, %add3A_1040 : i32
        %get3A_1042 = arith.index_cast %add3A_1041 : i32 to index
        %get3A_1043 = arith.constant 448 : index
        %get3A_1044 = tpu.vector_load %arg5[%get3A_1042, %get3A_1043] {strides = array<i32>} : memref<48x512xf32, #tpu.memory_space<vmem>>, vector<16xf32>,
        %mul3A_1045 = arith.mulf %gather3A_270, %get3A_1044 : vector<16xf32>
        %add3A_1046 = arith.addf %mul3A_1039, %mul3A_1045 : vector<16xf32>
        %add3A_1047 = arith.constant 2 : i32
        %add3A_1048 = arith.addi %mul3A_261, %add3A_1047 : i32
        %get3A_1049 = arith.index_cast %add3A_1048 : i32 to index
        %get3A_1050 = arith.constant 448 : index
        %get3A_1051 = tpu.vector_load %arg5[%get3A_1049, %get3A_1050] {strides = array<i32>} : memref<48x512xf32, #tpu.memory_space<vmem>>, vector<16xf32>,
        %mul3A_1052 = arith.mulf %gather3A_275, %get3A_1051 : vector<16xf32>
        %add3A_1053 = arith.constant 3 : i32
        %add3A_1054 = arith.addi %mul3A_261, %add3A_1053 : i32
        %get3A_1055 = arith.index_cast %add3A_1054 : i32 to index
        %get3A_1056 = arith.constant 448 : index
        %get3A_1057 = tpu.vector_load %arg5[%get3A_1055, %get3A_1056] {strides = array<i32>} : memref<48x512xf32, #tpu.memory_space<vmem>>, vector<16xf32>,
        %mul3A_1058 = arith.mulf %gather3A_280, %get3A_1057 : vector<16xf32>
        %add3A_1059 = arith.addf %mul3A_1052, %mul3A_1058 : vector<16xf32>
        %add3A_1060 = arith.addf %add3A_1046, %add3A_1059 : vector<16xf32>
        %swap3A_1061 = arith.constant 448 : index
        %swap3A_1062 = tpu.vector_load %arg9[%swap3A_1061] {strides = array<i32>} : memref<512xf32, #tpu.memory_space<vmem>>, vector<16xf32>,
        tpu.vector_store %arg9[%swap3A_1061], %add3A_1060 {add = true, strides = array<i32>} : memref<512xf32, #tpu.memory_space<vmem>>, vector<16xf32>,
        %get3A_1063 = arith.index_cast %mul3A_261 : i32 to index
        %get3A_1064 = arith.constant 464 : index
        %get3A_1065 = tpu.vector_load %arg5[%get3A_1063, %get3A_1064] {strides = array<i32>} : memref<48x512xf32, #tpu.memory_space<vmem>>, vector<16xf32>,
        %mul3A_1066 = arith.mulf %gather3A, %get3A_1065 : vector<16xf32>
        %add3A_1067 = arith.constant 1 : i32
        %add3A_1068 = arith.addi %mul3A_261, %add3A_1067 : i32
        %get3A_1069 = arith.index_cast %add3A_1068 : i32 to index
        %get3A_1070 = arith.constant 464 : index
        %get3A_1071 = tpu.vector_load %arg5[%get3A_1069, %get3A_1070] {strides = array<i32>} : memref<48x512xf32, #tpu.memory_space<vmem>>, vector<16xf32>,
        %mul3A_1072 = arith.mulf %gather3A_270, %get3A_1071 : vector<16xf32>
        %add3A_1073 = arith.addf %mul3A_1066, %mul3A_1072 : vector<16xf32>
        %add3A_1074 = arith.constant 2 : i32
        %add3A_1075 = arith.addi %mul3A_261, %add3A_1074 : i32
        %get3A_1076 = arith.index_cast %add3A_1075 : i32 to index
        %get3A_1077 = arith.constant 464 : index
        %get3A_1078 = tpu.vector_load %arg5[%get3A_1076, %get3A_1077] {strides = array<i32>} : memref<48x512xf32, #tpu.memory_space<vmem>>, vector<16xf32>,
        %mul3A_1079 = arith.mulf %gather3A_275, %get3A_1078 : vector<16xf32>
        %add3A_1080 = arith.constant 3 : i32
        %add3A_1081 = arith.addi %mul3A_261, %add3A_1080 : i32
        %get3A_1082 = arith.index_cast %add3A_1081 : i32 to index
        %get3A_1083 = arith.constant 464 : index
        %get3A_1084 = tpu.vector_load %arg5[%get3A_1082, %get3A_1083] {strides = array<i32>} : memref<48x512xf32, #tpu.memory_space<vmem>>, vector<16xf32>,
        %mul3A_1085 = arith.mulf %gather3A_280, %get3A_1084 : vector<16xf32>
        %add3A_1086 = arith.addf %mul3A_1079, %mul3A_1085 : vector<16xf32>
        %add3A_1087 = arith.addf %add3A_1073, %add3A_1086 : vector<16xf32>
        %swap3A_1088 = arith.constant 464 : index
        %swap3A_1089 = tpu.vector_load %arg9[%swap3A_1088] {strides = array<i32>} : memref<512xf32, #tpu.memory_space<vmem>>, vector<16xf32>,
        tpu.vector_store %arg9[%swap3A_1088], %add3A_1087 {add = true, strides = array<i32>} : memref<512xf32, #tpu.memory_space<vmem>>, vector<16xf32>,
        %get3A_1090 = arith.index_cast %mul3A_261 : i32 to index
        %get3A_1091 = arith.constant 480 : index
        %get3A_1092 = tpu.vector_load %arg5[%get3A_1090, %get3A_1091] {strides = array<i32>} : memref<48x512xf32, #tpu.memory_space<vmem>>, vector<16xf32>,
        %mul3A_1093 = arith.mulf %gather3A, %get3A_1092 : vector<16xf32>
        %add3A_1094 = arith.constant 1 : i32
        %add3A_1095 = arith.addi %mul3A_261, %add3A_1094 : i32
        %get3A_1096 = arith.index_cast %add3A_1095 : i32 to index
        %get3A_1097 = arith.constant 480 : index
        %get3A_1098 = tpu.vector_load %arg5[%get3A_1096, %get3A_1097] {strides = array<i32>} : memref<48x512xf32, #tpu.memory_space<vmem>>, vector<16xf32>,
        %mul3A_1099 = arith.mulf %gather3A_270, %get3A_1098 : vector<16xf32>
        %add3A_1100 = arith.addf %mul3A_1093, %mul3A_1099 : vector<16xf32>
        %add3A_1101 = arith.constant 2 : i32
        %add3A_1102 = arith.addi %mul3A_261, %add3A_1101 : i32
        %get3A_1103 = arith.index_cast %add3A_1102 : i32 to index
        %get3A_1104 = arith.constant 480 : index
        %get3A_1105 = tpu.vector_load %arg5[%get3A_1103, %get3A_1104] {strides = array<i32>} : memref<48x512xf32, #tpu.memory_space<vmem>>, vector<16xf32>,
        %mul3A_1106 = arith.mulf %gather3A_275, %get3A_1105 : vector<16xf32>
        %add3A_1107 = arith.constant 3 : i32
        %add3A_1108 = arith.addi %mul3A_261, %add3A_1107 : i32
        %get3A_1109 = arith.index_cast %add3A_1108 : i32 to index
        %get3A_1110 = arith.constant 480 : index
        %get3A_1111 = tpu.vector_load %arg5[%get3A_1109, %get3A_1110] {strides = array<i32>} : memref<48x512xf32, #tpu.memory_space<vmem>>, vector<16xf32>,
        %mul3A_1112 = arith.mulf %gather3A_280, %get3A_1111 : vector<16xf32>
        %add3A_1113 = arith.addf %mul3A_1106, %mul3A_1112 : vector<16xf32>
        %add3A_1114 = arith.addf %add3A_1100, %add3A_1113 : vector<16xf32>
        %swap3A_1115 = arith.constant 480 : index
        %swap3A_1116 = tpu.vector_load %arg9[%swap3A_1115] {strides = array<i32>} : memref<512xf32, #tpu.memory_space<vmem>>, vector<16xf32>,
        tpu.vector_store %arg9[%swap3A_1115], %add3A_1114 {add = true, strides = array<i32>} : memref<512xf32, #tpu.memory_space<vmem>>, vector<16xf32>,
        %get3A_1117 = arith.index_cast %mul3A_261 : i32 to index
        %get3A_1118 = arith.constant 496 : index
        %get3A_1119 = tpu.vector_load %arg5[%get3A_1117, %get3A_1118] {strides = array<i32>} : memref<48x512xf32, #tpu.memory_space<vmem>>, vector<16xf32>,
        %mul3A_1120 = arith.mulf %gather3A, %get3A_1119 : vector<16xf32>
        %add3A_1121 = arith.constant 1 : i32
        %add3A_1122 = arith.addi %mul3A_261, %add3A_1121 : i32
        %get3A_1123 = arith.index_cast %add3A_1122 : i32 to index
        %get3A_1124 = arith.constant 496 : index
        %get3A_1125 = tpu.vector_load %arg5[%get3A_1123, %get3A_1124] {strides = array<i32>} : memref<48x512xf32, #tpu.memory_space<vmem>>, vector<16xf32>,
        %mul3A_1126 = arith.mulf %gather3A_270, %get3A_1125 : vector<16xf32>
        %add3A_1127 = arith.addf %mul3A_1120, %mul3A_1126 : vector<16xf32>
        %add3A_1128 = arith.constant 2 : i32
        %add3A_1129 = arith.addi %mul3A_261, %add3A_1128 : i32
        %get3A_1130 = arith.index_cast %add3A_1129 : i32 to index
        %get3A_1131 = arith.constant 496 : index
        %get3A_1132 = tpu.vector_load %arg5[%get3A_1130, %get3A_1131] {strides = array<i32>} : memref<48x512xf32, #tpu.memory_space<vmem>>, vector<16xf32>,
        %mul3A_1133 = arith.mulf %gather3A_275, %get3A_1132 : vector<16xf32>
        %add3A_1134 = arith.constant 3 : i32
        %add3A_1135 = arith.addi %mul3A_261, %add3A_1134 : i32
        %get3A_1136 = arith.index_cast %add3A_1135 : i32 to index
        %get3A_1137 = arith.constant 496 : index
        %get3A_1138 = tpu.vector_load %arg5[%get3A_1136, %get3A_1137] {strides = array<i32>} : memref<48x512xf32, #tpu.memory_space<vmem>>, vector<16xf32>,
        %mul3A_1139 = arith.mulf %gather3A_280, %get3A_1138 : vector<16xf32>
        %add3A_1140 = arith.addf %mul3A_1133, %mul3A_1139 : vector<16xf32>
        %add3A_1141 = arith.addf %add3A_1127, %add3A_1140 : vector<16xf32>
        %swap3A_1142 = arith.constant 496 : index
        %swap3A_1143 = tpu.vector_load %arg9[%swap3A_1142] {strides = array<i32>} : memref<512xf32, #tpu.memory_space<vmem>>, vector<16xf32>,
        tpu.vector_store %arg9[%swap3A_1142], %add3A_1141 {add = true, strides = array<i32>} : memref<512xf32, #tpu.memory_space<vmem>>, vector<16xf32>,
      }
      %scan3A_231 = arith.constant 12 : i32
      %add3A_232 = arith.constant 1 : i32
      %add3A_233 = arith.addi %scan3A_193, %add3A_232 : i32
      %lt3A_234 = arith.constant 2 : i32
      %lt3A_235 = arith.cmpi slt, %add3A_233, %lt3A_234 : i32
      %convert_element_type3A = arith.extui %lt3A_235 : i1 to i32
      %cond3A = arith.constant 0 : i32
      %cond3A_236 = arith.cmpi ne, %convert_element_type3A, %cond3A : i32
      scf.if %cond3A_236 {
        %add3A_259 = arith.constant 2 : i32
        %add3A_260 = arith.addi %mul3A_195, %add3A_259 : i32
        %mul3A_261 = arith.constant 48 : i32
        %mul3A_262 = arith.muli %add3A_260, %mul3A_261 : i32
        %add3A_263 = arith.addi %add3A_34, %mul3A_262 : i32
        %dma_start3A_264 = arith.constant 0 : i32
        %dma_start3A_265 = arith.constant 0 : i32
        %dma_start3A_266 = tpu.memref_slice %arg2[%add3A, %dma_start3A_264, %dma_start3A_265] : memref<16x2048x512xf32, #tpu.memory_space<hbm>> -> memref<1x2048x512xf32, #tpu.memory_space<hbm>>
        %dma_start3A_267 = tpu.memref_squeeze %dma_start3A_266 : memref<1x2048x512xf32, #tpu.memory_space<hbm>> -> memref<2048x512xf32, #tpu.memory_space<hbm>>
        %dma_start3A_268 = arith.constant 0 : i32
        %dma_start3A_269 = tpu.memref_slice %dma_start3A_267[%add3A_263, %dma_start3A_268] : memref<2048x512xf32, #tpu.memory_space<hbm>> -> memref<48x512xf32, #tpu.memory_space<hbm>>
        %dma_start3A_270 = arith.constant 0 : i32
        %dma_start3A_271 = arith.constant 0 : i32
        %dma_start3A_272 = tpu.memref_slice %arg2[%add3A, %dma_start3A_270, %dma_start3A_271] : memref<16x2048x512xf32, #tpu.memory_space<hbm>> -> memref<1x2048x512xf32, #tpu.memory_space<hbm>>
        %dma_start3A_273 = tpu.memref_squeeze %dma_start3A_272 : memref<1x2048x512xf32, #tpu.memory_space<hbm>> -> memref<2048x512xf32, #tpu.memory_space<hbm>>
        %dma_start3A_274 = arith.constant 0 : i32
        %dma_start3A_275 = tpu.memref_slice %dma_start3A_273[%add3A_263, %dma_start3A_274] : memref<2048x512xf32, #tpu.memory_space<hbm>> -> memref<48x512xf32, #tpu.memory_space<hbm>>
        tpu.enqueue_dma source(%dma_start3A_275 : memref<48x512xf32, #tpu.memory_space<hbm>>) target(%arg5 : memref<48x512xf32, #tpu.memory_space<vmem>>) target_semaphore(%arg10 : memref<!tpu.dma_semaphore, #tpu.memory_space<semaphore_mem>>)
      } else {
      }
      %dma_wait3A_237 = arith.constant 0 : i32
      %dma_wait3A_238 = arith.constant 0 : i32
      %dma_wait3A_239 = tpu.memref_slice %arg2[%add3A, %dma_wait3A_237, %dma_wait3A_238] : memref<16x2048x512xf32, #tpu.memory_space<hbm>> -> memref<1x2048x512xf32, #tpu.memory_space<hbm>>
      %dma_wait3A_240 = tpu.memref_squeeze %dma_wait3A_239 : memref<1x2048x512xf32, #tpu.memory_space<hbm>> -> memref<2048x512xf32, #tpu.memory_space<hbm>>
      %dma_wait3A_241 = arith.constant 0 : i32
      %dma_wait3A_242 = tpu.memref_slice %dma_wait3A_240[%add3A_34, %dma_wait3A_241] : memref<2048x512xf32, #tpu.memory_space<hbm>> -> memref<48x512xf32, #tpu.memory_space<hbm>>
      %dma_wait3A_243 = arith.constant 0 : i32
      %dma_wait3A_244 = arith.constant 0 : i32
      %dma_wait3A_245 = tpu.memref_slice %arg2[%add3A, %dma_wait3A_243, %dma_wait3A_244] : memref<16x2048x512xf32, #tpu.memory_space<hbm>> -> memref<1x2048x512xf32, #tpu.memory_space<hbm>>
      %dma_wait3A_246 = tpu.memref_squeeze %dma_wait3A_245 : memref<1x2048x512xf32, #tpu.memory_space<hbm>> -> memref<2048x512xf32, #tpu.memory_space<hbm>>
      %dma_wait3A_247 = arith.constant 0 : i32
      %dma_wait3A_248 = tpu.memref_slice %dma_wait3A_246[%add3A_34, %dma_wait3A_247] : memref<2048x512xf32, #tpu.memory_space<hbm>> -> memref<48x512xf32, #tpu.memory_space<hbm>>
      tpu.wait_dma2 semaphore(%arg11 : memref<!tpu.dma_semaphore, #tpu.memory_space<semaphore_mem>>) src(%dma_wait3A_248 : memref<48x512xf32, #tpu.memory_space<hbm>>) dst(%arg6 : memref<48x512xf32, #tpu.memory_space<vmem>>)
      %add3A_249 = arith.constant 1 : i32
      %add3A_250 = arith.addi %mul3A_195, %add3A_249 : i32
      %mul3A_251 = arith.constant 48 : i32
      %mul3A_252 = arith.muli %add3A_250, %mul3A_251 : i32
      %scan3A_253 = arith.constant 0 : i32
      %scan3A_254 = arith.constant 0 : i32
      %scan3A_255 = arith.constant 12 : i32
      %scan3A_256 = arith.addi %scan3A_254, %scan3A_255 : i32
      %scan3A_257 = arith.constant 1 : i32
      scf.for %scan3A_259 = %scan3A_254 to %scan3A_256 step %scan3A_257  : i32 {
        %mul3A_260 = arith.constant 4 : i32
        %mul3A_261 = arith.muli %scan3A_259, %mul3A_260 : i32
        %add3A_262 = arith.addi %mul3A_252, %mul3A_261 : i32
        %add3A_263 = arith.constant 0 : i32
        %add3A_264 = arith.addi %add3A_262, %add3A_263 : i32
        %broadcast_in_dim3A_265 = vector.broadcast %add3A_264 : i32 to vector<16xi32>
        %gather3A = tpu.vector_load_idx %arg8[%broadcast_in_dim3A_265] : memref<192xf32, #tpu.memory_space<vmem>>[vector<16xi32>], vector<16xf32>,
        %add3A_266 = arith.addi %mul3A_252, %mul3A_261 : i32
        %add3A_267 = arith.constant 1 : i32
        %add3A_268 = arith.addi %add3A_266, %add3A_267 : i32
        %broadcast_in_dim3A_269 = vector.broadcast %add3A_268 : i32 to vector<16xi32>
        %gather3A_270 = tpu.vector_load_idx %arg8[%broadcast_in_dim3A_269] : memref<192xf32, #tpu.memory_space<vmem>>[vector<16xi32>], vector<16xf32>,
        %add3A_271 = arith.addi %mul3A_252, %mul3A_261 : i32
        %add3A_272 = arith.constant 2 : i32
        %add3A_273 = arith.addi %add3A_271, %add3A_272 : i32
        %broadcast_in_dim3A_274 = vector.broadcast %add3A_273 : i32 to vector<16xi32>
        %gather3A_275 = tpu.vector_load_idx %arg8[%broadcast_in_dim3A_274] : memref<192xf32, #tpu.memory_space<vmem>>[vector<16xi32>], vector<16xf32>,
        %add3A_276 = arith.addi %mul3A_252, %mul3A_261 : i32
        %add3A_277 = arith.constant 3 : i32
        %add3A_278 = arith.addi %add3A_276, %add3A_277 : i32
        %broadcast_in_dim3A_279 = vector.broadcast %add3A_278 : i32 to vector<16xi32>
        %gather3A_280 = tpu.vector_load_idx %arg8[%broadcast_in_dim3A_279] : memref<192xf32, #tpu.memory_space<vmem>>[vector<16xi32>], vector<16xf32>,
        %get3A = arith.index_cast %mul3A_261 : i32 to index
        %get3A_281 = arith.constant 0 : index
        %get3A_282 = tpu.vector_load %arg6[%get3A, %get3A_281] {strides = array<i32>} : memref<48x512xf32, #tpu.memory_space<vmem>>, vector<16xf32>,
        %mul3A_283 = arith.mulf %gather3A, %get3A_282 : vector<16xf32>
        %add3A_284 = arith.constant 1 : i32
        %add3A_285 = arith.addi %mul3A_261, %add3A_284 : i32
        %get3A_286 = arith.index_cast %add3A_285 : i32 to index
        %get3A_287 = arith.constant 0 : index
        %get3A_288 = tpu.vector_load %arg6[%get3A_286, %get3A_287] {strides = array<i32>} : memref<48x512xf32, #tpu.memory_space<vmem>>, vector<16xf32>,
        %mul3A_289 = arith.mulf %gather3A_270, %get3A_288 : vector<16xf32>
        %add3A_290 = arith.addf %mul3A_283, %mul3A_289 : vector<16xf32>
        %add3A_291 = arith.constant 2 : i32
        %add3A_292 = arith.addi %mul3A_261, %add3A_291 : i32
        %get3A_293 = arith.index_cast %add3A_292 : i32 to index
        %get3A_294 = arith.constant 0 : index
        %get3A_295 = tpu.vector_load %arg6[%get3A_293, %get3A_294] {strides = array<i32>} : memref<48x512xf32, #tpu.memory_space<vmem>>, vector<16xf32>,
        %mul3A_296 = arith.mulf %gather3A_275, %get3A_295 : vector<16xf32>
        %add3A_297 = arith.constant 3 : i32
        %add3A_298 = arith.addi %mul3A_261, %add3A_297 : i32
        %get3A_299 = arith.index_cast %add3A_298 : i32 to index
        %get3A_300 = arith.constant 0 : index
        %get3A_301 = tpu.vector_load %arg6[%get3A_299, %get3A_300] {strides = array<i32>} : memref<48x512xf32, #tpu.memory_space<vmem>>, vector<16xf32>,
        %mul3A_302 = arith.mulf %gather3A_280, %get3A_301 : vector<16xf32>
        %add3A_303 = arith.addf %mul3A_296, %mul3A_302 : vector<16xf32>
        %add3A_304 = arith.addf %add3A_290, %add3A_303 : vector<16xf32>
        %swap3A_305 = arith.constant 0 : index
        %swap3A_306 = tpu.vector_load %arg9[%swap3A_305] {strides = array<i32>} : memref<512xf32, #tpu.memory_space<vmem>>, vector<16xf32>,
        tpu.vector_store %arg9[%swap3A_305], %add3A_304 {add = true, strides = array<i32>} : memref<512xf32, #tpu.memory_space<vmem>>, vector<16xf32>,
        %get3A_307 = arith.index_cast %mul3A_261 : i32 to index
        %get3A_308 = arith.constant 16 : index
        %get3A_309 = tpu.vector_load %arg6[%get3A_307, %get3A_308] {strides = array<i32>} : memref<48x512xf32, #tpu.memory_space<vmem>>, vector<16xf32>,
        %mul3A_310 = arith.mulf %gather3A, %get3A_309 : vector<16xf32>
        %add3A_311 = arith.constant 1 : i32
        %add3A_312 = arith.addi %mul3A_261, %add3A_311 : i32
        %get3A_313 = arith.index_cast %add3A_312 : i32 to index
        %get3A_314 = arith.constant 16 : index
        %get3A_315 = tpu.vector_load %arg6[%get3A_313, %get3A_314] {strides = array<i32>} : memref<48x512xf32, #tpu.memory_space<vmem>>, vector<16xf32>,
        %mul3A_316 = arith.mulf %gather3A_270, %get3A_315 : vector<16xf32>
        %add3A_317 = arith.addf %mul3A_310, %mul3A_316 : vector<16xf32>
        %add3A_318 = arith.constant 2 : i32
        %add3A_319 = arith.addi %mul3A_261, %add3A_318 : i32
        %get3A_320 = arith.index_cast %add3A_319 : i32 to index
        %get3A_321 = arith.constant 16 : index
        %get3A_322 = tpu.vector_load %arg6[%get3A_320, %get3A_321] {strides = array<i32>} : memref<48x512xf32, #tpu.memory_space<vmem>>, vector<16xf32>,
        %mul3A_323 = arith.mulf %gather3A_275, %get3A_322 : vector<16xf32>
        %add3A_324 = arith.constant 3 : i32
        %add3A_325 = arith.addi %mul3A_261, %add3A_324 : i32
        %get3A_326 = arith.index_cast %add3A_325 : i32 to index
        %get3A_327 = arith.constant 16 : index
        %get3A_328 = tpu.vector_load %arg6[%get3A_326, %get3A_327] {strides = array<i32>} : memref<48x512xf32, #tpu.memory_space<vmem>>, vector<16xf32>,
        %mul3A_329 = arith.mulf %gather3A_280, %get3A_328 : vector<16xf32>
        %add3A_330 = arith.addf %mul3A_323, %mul3A_329 : vector<16xf32>
        %add3A_331 = arith.addf %add3A_317, %add3A_330 : vector<16xf32>
        %swap3A_332 = arith.constant 16 : index
        %swap3A_333 = tpu.vector_load %arg9[%swap3A_332] {strides = array<i32>} : memref<512xf32, #tpu.memory_space<vmem>>, vector<16xf32>,
        tpu.vector_store %arg9[%swap3A_332], %add3A_331 {add = true, strides = array<i32>} : memref<512xf32, #tpu.memory_space<vmem>>, vector<16xf32>,
        %get3A_334 = arith.index_cast %mul3A_261 : i32 to index
        %get3A_335 = arith.constant 32 : index
        %get3A_336 = tpu.vector_load %arg6[%get3A_334, %get3A_335] {strides = array<i32>} : memref<48x512xf32, #tpu.memory_space<vmem>>, vector<16xf32>,
        %mul3A_337 = arith.mulf %gather3A, %get3A_336 : vector<16xf32>
        %add3A_338 = arith.constant 1 : i32
        %add3A_339 = arith.addi %mul3A_261, %add3A_338 : i32
        %get3A_340 = arith.index_cast %add3A_339 : i32 to index
        %get3A_341 = arith.constant 32 : index
        %get3A_342 = tpu.vector_load %arg6[%get3A_340, %get3A_341] {strides = array<i32>} : memref<48x512xf32, #tpu.memory_space<vmem>>, vector<16xf32>,
        %mul3A_343 = arith.mulf %gather3A_270, %get3A_342 : vector<16xf32>
        %add3A_344 = arith.addf %mul3A_337, %mul3A_343 : vector<16xf32>
        %add3A_345 = arith.constant 2 : i32
        %add3A_346 = arith.addi %mul3A_261, %add3A_345 : i32
        %get3A_347 = arith.index_cast %add3A_346 : i32 to index
        %get3A_348 = arith.constant 32 : index
        %get3A_349 = tpu.vector_load %arg6[%get3A_347, %get3A_348] {strides = array<i32>} : memref<48x512xf32, #tpu.memory_space<vmem>>, vector<16xf32>,
        %mul3A_350 = arith.mulf %gather3A_275, %get3A_349 : vector<16xf32>
        %add3A_351 = arith.constant 3 : i32
        %add3A_352 = arith.addi %mul3A_261, %add3A_351 : i32
        %get3A_353 = arith.index_cast %add3A_352 : i32 to index
        %get3A_354 = arith.constant 32 : index
        %get3A_355 = tpu.vector_load %arg6[%get3A_353, %get3A_354] {strides = array<i32>} : memref<48x512xf32, #tpu.memory_space<vmem>>, vector<16xf32>,
        %mul3A_356 = arith.mulf %gather3A_280, %get3A_355 : vector<16xf32>
        %add3A_357 = arith.addf %mul3A_350, %mul3A_356 : vector<16xf32>
        %add3A_358 = arith.addf %add3A_344, %add3A_357 : vector<16xf32>
        %swap3A_359 = arith.constant 32 : index
        %swap3A_360 = tpu.vector_load %arg9[%swap3A_359] {strides = array<i32>} : memref<512xf32, #tpu.memory_space<vmem>>, vector<16xf32>,
        tpu.vector_store %arg9[%swap3A_359], %add3A_358 {add = true, strides = array<i32>} : memref<512xf32, #tpu.memory_space<vmem>>, vector<16xf32>,
        %get3A_361 = arith.index_cast %mul3A_261 : i32 to index
        %get3A_362 = arith.constant 48 : index
        %get3A_363 = tpu.vector_load %arg6[%get3A_361, %get3A_362] {strides = array<i32>} : memref<48x512xf32, #tpu.memory_space<vmem>>, vector<16xf32>,
        %mul3A_364 = arith.mulf %gather3A, %get3A_363 : vector<16xf32>
        %add3A_365 = arith.constant 1 : i32
        %add3A_366 = arith.addi %mul3A_261, %add3A_365 : i32
        %get3A_367 = arith.index_cast %add3A_366 : i32 to index
        %get3A_368 = arith.constant 48 : index
        %get3A_369 = tpu.vector_load %arg6[%get3A_367, %get3A_368] {strides = array<i32>} : memref<48x512xf32, #tpu.memory_space<vmem>>, vector<16xf32>,
        %mul3A_370 = arith.mulf %gather3A_270, %get3A_369 : vector<16xf32>
        %add3A_371 = arith.addf %mul3A_364, %mul3A_370 : vector<16xf32>
        %add3A_372 = arith.constant 2 : i32
        %add3A_373 = arith.addi %mul3A_261, %add3A_372 : i32
        %get3A_374 = arith.index_cast %add3A_373 : i32 to index
        %get3A_375 = arith.constant 48 : index
        %get3A_376 = tpu.vector_load %arg6[%get3A_374, %get3A_375] {strides = array<i32>} : memref<48x512xf32, #tpu.memory_space<vmem>>, vector<16xf32>,
        %mul3A_377 = arith.mulf %gather3A_275, %get3A_376 : vector<16xf32>
        %add3A_378 = arith.constant 3 : i32
        %add3A_379 = arith.addi %mul3A_261, %add3A_378 : i32
        %get3A_380 = arith.index_cast %add3A_379 : i32 to index
        %get3A_381 = arith.constant 48 : index
        %get3A_382 = tpu.vector_load %arg6[%get3A_380, %get3A_381] {strides = array<i32>} : memref<48x512xf32, #tpu.memory_space<vmem>>, vector<16xf32>,
        %mul3A_383 = arith.mulf %gather3A_280, %get3A_382 : vector<16xf32>
        %add3A_384 = arith.addf %mul3A_377, %mul3A_383 : vector<16xf32>
        %add3A_385 = arith.addf %add3A_371, %add3A_384 : vector<16xf32>
        %swap3A_386 = arith.constant 48 : index
        %swap3A_387 = tpu.vector_load %arg9[%swap3A_386] {strides = array<i32>} : memref<512xf32, #tpu.memory_space<vmem>>, vector<16xf32>,
        tpu.vector_store %arg9[%swap3A_386], %add3A_385 {add = true, strides = array<i32>} : memref<512xf32, #tpu.memory_space<vmem>>, vector<16xf32>,
        %get3A_388 = arith.index_cast %mul3A_261 : i32 to index
        %get3A_389 = arith.constant 64 : index
        %get3A_390 = tpu.vector_load %arg6[%get3A_388, %get3A_389] {strides = array<i32>} : memref<48x512xf32, #tpu.memory_space<vmem>>, vector<16xf32>,
        %mul3A_391 = arith.mulf %gather3A, %get3A_390 : vector<16xf32>
        %add3A_392 = arith.constant 1 : i32
        %add3A_393 = arith.addi %mul3A_261, %add3A_392 : i32
        %get3A_394 = arith.index_cast %add3A_393 : i32 to index
        %get3A_395 = arith.constant 64 : index
        %get3A_396 = tpu.vector_load %arg6[%get3A_394, %get3A_395] {strides = array<i32>} : memref<48x512xf32, #tpu.memory_space<vmem>>, vector<16xf32>,
        %mul3A_397 = arith.mulf %gather3A_270, %get3A_396 : vector<16xf32>
        %add3A_398 = arith.addf %mul3A_391, %mul3A_397 : vector<16xf32>
        %add3A_399 = arith.constant 2 : i32
        %add3A_400 = arith.addi %mul3A_261, %add3A_399 : i32
        %get3A_401 = arith.index_cast %add3A_400 : i32 to index
        %get3A_402 = arith.constant 64 : index
        %get3A_403 = tpu.vector_load %arg6[%get3A_401, %get3A_402] {strides = array<i32>} : memref<48x512xf32, #tpu.memory_space<vmem>>, vector<16xf32>,
        %mul3A_404 = arith.mulf %gather3A_275, %get3A_403 : vector<16xf32>
        %add3A_405 = arith.constant 3 : i32
        %add3A_406 = arith.addi %mul3A_261, %add3A_405 : i32
        %get3A_407 = arith.index_cast %add3A_406 : i32 to index
        %get3A_408 = arith.constant 64 : index
        %get3A_409 = tpu.vector_load %arg6[%get3A_407, %get3A_408] {strides = array<i32>} : memref<48x512xf32, #tpu.memory_space<vmem>>, vector<16xf32>,
        %mul3A_410 = arith.mulf %gather3A_280, %get3A_409 : vector<16xf32>
        %add3A_411 = arith.addf %mul3A_404, %mul3A_410 : vector<16xf32>
        %add3A_412 = arith.addf %add3A_398, %add3A_411 : vector<16xf32>
        %swap3A_413 = arith.constant 64 : index
        %swap3A_414 = tpu.vector_load %arg9[%swap3A_413] {strides = array<i32>} : memref<512xf32, #tpu.memory_space<vmem>>, vector<16xf32>,
        tpu.vector_store %arg9[%swap3A_413], %add3A_412 {add = true, strides = array<i32>} : memref<512xf32, #tpu.memory_space<vmem>>, vector<16xf32>,
        %get3A_415 = arith.index_cast %mul3A_261 : i32 to index
        %get3A_416 = arith.constant 80 : index
        %get3A_417 = tpu.vector_load %arg6[%get3A_415, %get3A_416] {strides = array<i32>} : memref<48x512xf32, #tpu.memory_space<vmem>>, vector<16xf32>,
        %mul3A_418 = arith.mulf %gather3A, %get3A_417 : vector<16xf32>
        %add3A_419 = arith.constant 1 : i32
        %add3A_420 = arith.addi %mul3A_261, %add3A_419 : i32
        %get3A_421 = arith.index_cast %add3A_420 : i32 to index
        %get3A_422 = arith.constant 80 : index
        %get3A_423 = tpu.vector_load %arg6[%get3A_421, %get3A_422] {strides = array<i32>} : memref<48x512xf32, #tpu.memory_space<vmem>>, vector<16xf32>,
        %mul3A_424 = arith.mulf %gather3A_270, %get3A_423 : vector<16xf32>
        %add3A_425 = arith.addf %mul3A_418, %mul3A_424 : vector<16xf32>
        %add3A_426 = arith.constant 2 : i32
        %add3A_427 = arith.addi %mul3A_261, %add3A_426 : i32
        %get3A_428 = arith.index_cast %add3A_427 : i32 to index
        %get3A_429 = arith.constant 80 : index
        %get3A_430 = tpu.vector_load %arg6[%get3A_428, %get3A_429] {strides = array<i32>} : memref<48x512xf32, #tpu.memory_space<vmem>>, vector<16xf32>,
        %mul3A_431 = arith.mulf %gather3A_275, %get3A_430 : vector<16xf32>
        %add3A_432 = arith.constant 3 : i32
        %add3A_433 = arith.addi %mul3A_261, %add3A_432 : i32
        %get3A_434 = arith.index_cast %add3A_433 : i32 to index
        %get3A_435 = arith.constant 80 : index
        %get3A_436 = tpu.vector_load %arg6[%get3A_434, %get3A_435] {strides = array<i32>} : memref<48x512xf32, #tpu.memory_space<vmem>>, vector<16xf32>,
        %mul3A_437 = arith.mulf %gather3A_280, %get3A_436 : vector<16xf32>
        %add3A_438 = arith.addf %mul3A_431, %mul3A_437 : vector<16xf32>
        %add3A_439 = arith.addf %add3A_425, %add3A_438 : vector<16xf32>
        %swap3A_440 = arith.constant 80 : index
        %swap3A_441 = tpu.vector_load %arg9[%swap3A_440] {strides = array<i32>} : memref<512xf32, #tpu.memory_space<vmem>>, vector<16xf32>,
        tpu.vector_store %arg9[%swap3A_440], %add3A_439 {add = true, strides = array<i32>} : memref<512xf32, #tpu.memory_space<vmem>>, vector<16xf32>,
        %get3A_442 = arith.index_cast %mul3A_261 : i32 to index
        %get3A_443 = arith.constant 96 : index
        %get3A_444 = tpu.vector_load %arg6[%get3A_442, %get3A_443] {strides = array<i32>} : memref<48x512xf32, #tpu.memory_space<vmem>>, vector<16xf32>,
        %mul3A_445 = arith.mulf %gather3A, %get3A_444 : vector<16xf32>
        %add3A_446 = arith.constant 1 : i32
        %add3A_447 = arith.addi %mul3A_261, %add3A_446 : i32
        %get3A_448 = arith.index_cast %add3A_447 : i32 to index
        %get3A_449 = arith.constant 96 : index
        %get3A_450 = tpu.vector_load %arg6[%get3A_448, %get3A_449] {strides = array<i32>} : memref<48x512xf32, #tpu.memory_space<vmem>>, vector<16xf32>,
        %mul3A_451 = arith.mulf %gather3A_270, %get3A_450 : vector<16xf32>
        %add3A_452 = arith.addf %mul3A_445, %mul3A_451 : vector<16xf32>
        %add3A_453 = arith.constant 2 : i32
        %add3A_454 = arith.addi %mul3A_261, %add3A_453 : i32
        %get3A_455 = arith.index_cast %add3A_454 : i32 to index
        %get3A_456 = arith.constant 96 : index
        %get3A_457 = tpu.vector_load %arg6[%get3A_455, %get3A_456] {strides = array<i32>} : memref<48x512xf32, #tpu.memory_space<vmem>>, vector<16xf32>,
        %mul3A_458 = arith.mulf %gather3A_275, %get3A_457 : vector<16xf32>
        %add3A_459 = arith.constant 3 : i32
        %add3A_460 = arith.addi %mul3A_261, %add3A_459 : i32
        %get3A_461 = arith.index_cast %add3A_460 : i32 to index
        %get3A_462 = arith.constant 96 : index
        %get3A_463 = tpu.vector_load %arg6[%get3A_461, %get3A_462] {strides = array<i32>} : memref<48x512xf32, #tpu.memory_space<vmem>>, vector<16xf32>,
        %mul3A_464 = arith.mulf %gather3A_280, %get3A_463 : vector<16xf32>
        %add3A_465 = arith.addf %mul3A_458, %mul3A_464 : vector<16xf32>
        %add3A_466 = arith.addf %add3A_452, %add3A_465 : vector<16xf32>
        %swap3A_467 = arith.constant 96 : index
        %swap3A_468 = tpu.vector_load %arg9[%swap3A_467] {strides = array<i32>} : memref<512xf32, #tpu.memory_space<vmem>>, vector<16xf32>,
        tpu.vector_store %arg9[%swap3A_467], %add3A_466 {add = true, strides = array<i32>} : memref<512xf32, #tpu.memory_space<vmem>>, vector<16xf32>,
        %get3A_469 = arith.index_cast %mul3A_261 : i32 to index
        %get3A_470 = arith.constant 112 : index
        %get3A_471 = tpu.vector_load %arg6[%get3A_469, %get3A_470] {strides = array<i32>} : memref<48x512xf32, #tpu.memory_space<vmem>>, vector<16xf32>,
        %mul3A_472 = arith.mulf %gather3A, %get3A_471 : vector<16xf32>
        %add3A_473 = arith.constant 1 : i32
        %add3A_474 = arith.addi %mul3A_261, %add3A_473 : i32
        %get3A_475 = arith.index_cast %add3A_474 : i32 to index
        %get3A_476 = arith.constant 112 : index
        %get3A_477 = tpu.vector_load %arg6[%get3A_475, %get3A_476] {strides = array<i32>} : memref<48x512xf32, #tpu.memory_space<vmem>>, vector<16xf32>,
        %mul3A_478 = arith.mulf %gather3A_270, %get3A_477 : vector<16xf32>
        %add3A_479 = arith.addf %mul3A_472, %mul3A_478 : vector<16xf32>
        %add3A_480 = arith.constant 2 : i32
        %add3A_481 = arith.addi %mul3A_261, %add3A_480 : i32
        %get3A_482 = arith.index_cast %add3A_481 : i32 to index
        %get3A_483 = arith.constant 112 : index
        %get3A_484 = tpu.vector_load %arg6[%get3A_482, %get3A_483] {strides = array<i32>} : memref<48x512xf32, #tpu.memory_space<vmem>>, vector<16xf32>,
        %mul3A_485 = arith.mulf %gather3A_275, %get3A_484 : vector<16xf32>
        %add3A_486 = arith.constant 3 : i32
        %add3A_487 = arith.addi %mul3A_261, %add3A_486 : i32
        %get3A_488 = arith.index_cast %add3A_487 : i32 to index
        %get3A_489 = arith.constant 112 : index
        %get3A_490 = tpu.vector_load %arg6[%get3A_488, %get3A_489] {strides = array<i32>} : memref<48x512xf32, #tpu.memory_space<vmem>>, vector<16xf32>,
        %mul3A_491 = arith.mulf %gather3A_280, %get3A_490 : vector<16xf32>
        %add3A_492 = arith.addf %mul3A_485, %mul3A_491 : vector<16xf32>
        %add3A_493 = arith.addf %add3A_479, %add3A_492 : vector<16xf32>
        %swap3A_494 = arith.constant 112 : index
        %swap3A_495 = tpu.vector_load %arg9[%swap3A_494] {strides = array<i32>} : memref<512xf32, #tpu.memory_space<vmem>>, vector<16xf32>,
        tpu.vector_store %arg9[%swap3A_494], %add3A_493 {add = true, strides = array<i32>} : memref<512xf32, #tpu.memory_space<vmem>>, vector<16xf32>,
        %get3A_496 = arith.index_cast %mul3A_261 : i32 to index
        %get3A_497 = arith.constant 128 : index
        %get3A_498 = tpu.vector_load %arg6[%get3A_496, %get3A_497] {strides = array<i32>} : memref<48x512xf32, #tpu.memory_space<vmem>>, vector<16xf32>,
        %mul3A_499 = arith.mulf %gather3A, %get3A_498 : vector<16xf32>
        %add3A_500 = arith.constant 1 : i32
        %add3A_501 = arith.addi %mul3A_261, %add3A_500 : i32
        %get3A_502 = arith.index_cast %add3A_501 : i32 to index
        %get3A_503 = arith.constant 128 : index
        %get3A_504 = tpu.vector_load %arg6[%get3A_502, %get3A_503] {strides = array<i32>} : memref<48x512xf32, #tpu.memory_space<vmem>>, vector<16xf32>,
        %mul3A_505 = arith.mulf %gather3A_270, %get3A_504 : vector<16xf32>
        %add3A_506 = arith.addf %mul3A_499, %mul3A_505 : vector<16xf32>
        %add3A_507 = arith.constant 2 : i32
        %add3A_508 = arith.addi %mul3A_261, %add3A_507 : i32
        %get3A_509 = arith.index_cast %add3A_508 : i32 to index
        %get3A_510 = arith.constant 128 : index
        %get3A_511 = tpu.vector_load %arg6[%get3A_509, %get3A_510] {strides = array<i32>} : memref<48x512xf32, #tpu.memory_space<vmem>>, vector<16xf32>,
        %mul3A_512 = arith.mulf %gather3A_275, %get3A_511 : vector<16xf32>
        %add3A_513 = arith.constant 3 : i32
        %add3A_514 = arith.addi %mul3A_261, %add3A_513 : i32
        %get3A_515 = arith.index_cast %add3A_514 : i32 to index
        %get3A_516 = arith.constant 128 : index
        %get3A_517 = tpu.vector_load %arg6[%get3A_515, %get3A_516] {strides = array<i32>} : memref<48x512xf32, #tpu.memory_space<vmem>>, vector<16xf32>,
        %mul3A_518 = arith.mulf %gather3A_280, %get3A_517 : vector<16xf32>
        %add3A_519 = arith.addf %mul3A_512, %mul3A_518 : vector<16xf32>
        %add3A_520 = arith.addf %add3A_506, %add3A_519 : vector<16xf32>
        %swap3A_521 = arith.constant 128 : index
        %swap3A_522 = tpu.vector_load %arg9[%swap3A_521] {strides = array<i32>} : memref<512xf32, #tpu.memory_space<vmem>>, vector<16xf32>,
        tpu.vector_store %arg9[%swap3A_521], %add3A_520 {add = true, strides = array<i32>} : memref<512xf32, #tpu.memory_space<vmem>>, vector<16xf32>,
        %get3A_523 = arith.index_cast %mul3A_261 : i32 to index
        %get3A_524 = arith.constant 144 : index
        %get3A_525 = tpu.vector_load %arg6[%get3A_523, %get3A_524] {strides = array<i32>} : memref<48x512xf32, #tpu.memory_space<vmem>>, vector<16xf32>,
        %mul3A_526 = arith.mulf %gather3A, %get3A_525 : vector<16xf32>
        %add3A_527 = arith.constant 1 : i32
        %add3A_528 = arith.addi %mul3A_261, %add3A_527 : i32
        %get3A_529 = arith.index_cast %add3A_528 : i32 to index
        %get3A_530 = arith.constant 144 : index
        %get3A_531 = tpu.vector_load %arg6[%get3A_529, %get3A_530] {strides = array<i32>} : memref<48x512xf32, #tpu.memory_space<vmem>>, vector<16xf32>,
        %mul3A_532 = arith.mulf %gather3A_270, %get3A_531 : vector<16xf32>
        %add3A_533 = arith.addf %mul3A_526, %mul3A_532 : vector<16xf32>
        %add3A_534 = arith.constant 2 : i32
        %add3A_535 = arith.addi %mul3A_261, %add3A_534 : i32
        %get3A_536 = arith.index_cast %add3A_535 : i32 to index
        %get3A_537 = arith.constant 144 : index
        %get3A_538 = tpu.vector_load %arg6[%get3A_536, %get3A_537] {strides = array<i32>} : memref<48x512xf32, #tpu.memory_space<vmem>>, vector<16xf32>,
        %mul3A_539 = arith.mulf %gather3A_275, %get3A_538 : vector<16xf32>
        %add3A_540 = arith.constant 3 : i32
        %add3A_541 = arith.addi %mul3A_261, %add3A_540 : i32
        %get3A_542 = arith.index_cast %add3A_541 : i32 to index
        %get3A_543 = arith.constant 144 : index
        %get3A_544 = tpu.vector_load %arg6[%get3A_542, %get3A_543] {strides = array<i32>} : memref<48x512xf32, #tpu.memory_space<vmem>>, vector<16xf32>,
        %mul3A_545 = arith.mulf %gather3A_280, %get3A_544 : vector<16xf32>
        %add3A_546 = arith.addf %mul3A_539, %mul3A_545 : vector<16xf32>
        %add3A_547 = arith.addf %add3A_533, %add3A_546 : vector<16xf32>
        %swap3A_548 = arith.constant 144 : index
        %swap3A_549 = tpu.vector_load %arg9[%swap3A_548] {strides = array<i32>} : memref<512xf32, #tpu.memory_space<vmem>>, vector<16xf32>,
        tpu.vector_store %arg9[%swap3A_548], %add3A_547 {add = true, strides = array<i32>} : memref<512xf32, #tpu.memory_space<vmem>>, vector<16xf32>,
        %get3A_550 = arith.index_cast %mul3A_261 : i32 to index
        %get3A_551 = arith.constant 160 : index
        %get3A_552 = tpu.vector_load %arg6[%get3A_550, %get3A_551] {strides = array<i32>} : memref<48x512xf32, #tpu.memory_space<vmem>>, vector<16xf32>,
        %mul3A_553 = arith.mulf %gather3A, %get3A_552 : vector<16xf32>
        %add3A_554 = arith.constant 1 : i32
        %add3A_555 = arith.addi %mul3A_261, %add3A_554 : i32
        %get3A_556 = arith.index_cast %add3A_555 : i32 to index
        %get3A_557 = arith.constant 160 : index
        %get3A_558 = tpu.vector_load %arg6[%get3A_556, %get3A_557] {strides = array<i32>} : memref<48x512xf32, #tpu.memory_space<vmem>>, vector<16xf32>,
        %mul3A_559 = arith.mulf %gather3A_270, %get3A_558 : vector<16xf32>
        %add3A_560 = arith.addf %mul3A_553, %mul3A_559 : vector<16xf32>
        %add3A_561 = arith.constant 2 : i32
        %add3A_562 = arith.addi %mul3A_261, %add3A_561 : i32
        %get3A_563 = arith.index_cast %add3A_562 : i32 to index
        %get3A_564 = arith.constant 160 : index
        %get3A_565 = tpu.vector_load %arg6[%get3A_563, %get3A_564] {strides = array<i32>} : memref<48x512xf32, #tpu.memory_space<vmem>>, vector<16xf32>,
        %mul3A_566 = arith.mulf %gather3A_275, %get3A_565 : vector<16xf32>
        %add3A_567 = arith.constant 3 : i32
        %add3A_568 = arith.addi %mul3A_261, %add3A_567 : i32
        %get3A_569 = arith.index_cast %add3A_568 : i32 to index
        %get3A_570 = arith.constant 160 : index
        %get3A_571 = tpu.vector_load %arg6[%get3A_569, %get3A_570] {strides = array<i32>} : memref<48x512xf32, #tpu.memory_space<vmem>>, vector<16xf32>,
        %mul3A_572 = arith.mulf %gather3A_280, %get3A_571 : vector<16xf32>
        %add3A_573 = arith.addf %mul3A_566, %mul3A_572 : vector<16xf32>
        %add3A_574 = arith.addf %add3A_560, %add3A_573 : vector<16xf32>
        %swap3A_575 = arith.constant 160 : index
        %swap3A_576 = tpu.vector_load %arg9[%swap3A_575] {strides = array<i32>} : memref<512xf32, #tpu.memory_space<vmem>>, vector<16xf32>,
        tpu.vector_store %arg9[%swap3A_575], %add3A_574 {add = true, strides = array<i32>} : memref<512xf32, #tpu.memory_space<vmem>>, vector<16xf32>,
        %get3A_577 = arith.index_cast %mul3A_261 : i32 to index
        %get3A_578 = arith.constant 176 : index
        %get3A_579 = tpu.vector_load %arg6[%get3A_577, %get3A_578] {strides = array<i32>} : memref<48x512xf32, #tpu.memory_space<vmem>>, vector<16xf32>,
        %mul3A_580 = arith.mulf %gather3A, %get3A_579 : vector<16xf32>
        %add3A_581 = arith.constant 1 : i32
        %add3A_582 = arith.addi %mul3A_261, %add3A_581 : i32
        %get3A_583 = arith.index_cast %add3A_582 : i32 to index
        %get3A_584 = arith.constant 176 : index
        %get3A_585 = tpu.vector_load %arg6[%get3A_583, %get3A_584] {strides = array<i32>} : memref<48x512xf32, #tpu.memory_space<vmem>>, vector<16xf32>,
        %mul3A_586 = arith.mulf %gather3A_270, %get3A_585 : vector<16xf32>
        %add3A_587 = arith.addf %mul3A_580, %mul3A_586 : vector<16xf32>
        %add3A_588 = arith.constant 2 : i32
        %add3A_589 = arith.addi %mul3A_261, %add3A_588 : i32
        %get3A_590 = arith.index_cast %add3A_589 : i32 to index
        %get3A_591 = arith.constant 176 : index
        %get3A_592 = tpu.vector_load %arg6[%get3A_590, %get3A_591] {strides = array<i32>} : memref<48x512xf32, #tpu.memory_space<vmem>>, vector<16xf32>,
        %mul3A_593 = arith.mulf %gather3A_275, %get3A_592 : vector<16xf32>
        %add3A_594 = arith.constant 3 : i32
        %add3A_595 = arith.addi %mul3A_261, %add3A_594 : i32
        %get3A_596 = arith.index_cast %add3A_595 : i32 to index
        %get3A_597 = arith.constant 176 : index
        %get3A_598 = tpu.vector_load %arg6[%get3A_596, %get3A_597] {strides = array<i32>} : memref<48x512xf32, #tpu.memory_space<vmem>>, vector<16xf32>,
        %mul3A_599 = arith.mulf %gather3A_280, %get3A_598 : vector<16xf32>
        %add3A_600 = arith.addf %mul3A_593, %mul3A_599 : vector<16xf32>
        %add3A_601 = arith.addf %add3A_587, %add3A_600 : vector<16xf32>
        %swap3A_602 = arith.constant 176 : index
        %swap3A_603 = tpu.vector_load %arg9[%swap3A_602] {strides = array<i32>} : memref<512xf32, #tpu.memory_space<vmem>>, vector<16xf32>,
        tpu.vector_store %arg9[%swap3A_602], %add3A_601 {add = true, strides = array<i32>} : memref<512xf32, #tpu.memory_space<vmem>>, vector<16xf32>,
        %get3A_604 = arith.index_cast %mul3A_261 : i32 to index
        %get3A_605 = arith.constant 192 : index
        %get3A_606 = tpu.vector_load %arg6[%get3A_604, %get3A_605] {strides = array<i32>} : memref<48x512xf32, #tpu.memory_space<vmem>>, vector<16xf32>,
        %mul3A_607 = arith.mulf %gather3A, %get3A_606 : vector<16xf32>
        %add3A_608 = arith.constant 1 : i32
        %add3A_609 = arith.addi %mul3A_261, %add3A_608 : i32
        %get3A_610 = arith.index_cast %add3A_609 : i32 to index
        %get3A_611 = arith.constant 192 : index
        %get3A_612 = tpu.vector_load %arg6[%get3A_610, %get3A_611] {strides = array<i32>} : memref<48x512xf32, #tpu.memory_space<vmem>>, vector<16xf32>,
        %mul3A_613 = arith.mulf %gather3A_270, %get3A_612 : vector<16xf32>
        %add3A_614 = arith.addf %mul3A_607, %mul3A_613 : vector<16xf32>
        %add3A_615 = arith.constant 2 : i32
        %add3A_616 = arith.addi %mul3A_261, %add3A_615 : i32
        %get3A_617 = arith.index_cast %add3A_616 : i32 to index
        %get3A_618 = arith.constant 192 : index
        %get3A_619 = tpu.vector_load %arg6[%get3A_617, %get3A_618] {strides = array<i32>} : memref<48x512xf32, #tpu.memory_space<vmem>>, vector<16xf32>,
        %mul3A_620 = arith.mulf %gather3A_275, %get3A_619 : vector<16xf32>
        %add3A_621 = arith.constant 3 : i32
        %add3A_622 = arith.addi %mul3A_261, %add3A_621 : i32
        %get3A_623 = arith.index_cast %add3A_622 : i32 to index
        %get3A_624 = arith.constant 192 : index
        %get3A_625 = tpu.vector_load %arg6[%get3A_623, %get3A_624] {strides = array<i32>} : memref<48x512xf32, #tpu.memory_space<vmem>>, vector<16xf32>,
        %mul3A_626 = arith.mulf %gather3A_280, %get3A_625 : vector<16xf32>
        %add3A_627 = arith.addf %mul3A_620, %mul3A_626 : vector<16xf32>
        %add3A_628 = arith.addf %add3A_614, %add3A_627 : vector<16xf32>
        %swap3A_629 = arith.constant 192 : index
        %swap3A_630 = tpu.vector_load %arg9[%swap3A_629] {strides = array<i32>} : memref<512xf32, #tpu.memory_space<vmem>>, vector<16xf32>,
        tpu.vector_store %arg9[%swap3A_629], %add3A_628 {add = true, strides = array<i32>} : memref<512xf32, #tpu.memory_space<vmem>>, vector<16xf32>,
        %get3A_631 = arith.index_cast %mul3A_261 : i32 to index
        %get3A_632 = arith.constant 208 : index
        %get3A_633 = tpu.vector_load %arg6[%get3A_631, %get3A_632] {strides = array<i32>} : memref<48x512xf32, #tpu.memory_space<vmem>>, vector<16xf32>,
        %mul3A_634 = arith.mulf %gather3A, %get3A_633 : vector<16xf32>
        %add3A_635 = arith.constant 1 : i32
        %add3A_636 = arith.addi %mul3A_261, %add3A_635 : i32
        %get3A_637 = arith.index_cast %add3A_636 : i32 to index
        %get3A_638 = arith.constant 208 : index
        %get3A_639 = tpu.vector_load %arg6[%get3A_637, %get3A_638] {strides = array<i32>} : memref<48x512xf32, #tpu.memory_space<vmem>>, vector<16xf32>,
        %mul3A_640 = arith.mulf %gather3A_270, %get3A_639 : vector<16xf32>
        %add3A_641 = arith.addf %mul3A_634, %mul3A_640 : vector<16xf32>
        %add3A_642 = arith.constant 2 : i32
        %add3A_643 = arith.addi %mul3A_261, %add3A_642 : i32
        %get3A_644 = arith.index_cast %add3A_643 : i32 to index
        %get3A_645 = arith.constant 208 : index
        %get3A_646 = tpu.vector_load %arg6[%get3A_644, %get3A_645] {strides = array<i32>} : memref<48x512xf32, #tpu.memory_space<vmem>>, vector<16xf32>,
        %mul3A_647 = arith.mulf %gather3A_275, %get3A_646 : vector<16xf32>
        %add3A_648 = arith.constant 3 : i32
        %add3A_649 = arith.addi %mul3A_261, %add3A_648 : i32
        %get3A_650 = arith.index_cast %add3A_649 : i32 to index
        %get3A_651 = arith.constant 208 : index
        %get3A_652 = tpu.vector_load %arg6[%get3A_650, %get3A_651] {strides = array<i32>} : memref<48x512xf32, #tpu.memory_space<vmem>>, vector<16xf32>,
        %mul3A_653 = arith.mulf %gather3A_280, %get3A_652 : vector<16xf32>
        %add3A_654 = arith.addf %mul3A_647, %mul3A_653 : vector<16xf32>
        %add3A_655 = arith.addf %add3A_641, %add3A_654 : vector<16xf32>
        %swap3A_656 = arith.constant 208 : index
        %swap3A_657 = tpu.vector_load %arg9[%swap3A_656] {strides = array<i32>} : memref<512xf32, #tpu.memory_space<vmem>>, vector<16xf32>,
        tpu.vector_store %arg9[%swap3A_656], %add3A_655 {add = true, strides = array<i32>} : memref<512xf32, #tpu.memory_space<vmem>>, vector<16xf32>,
        %get3A_658 = arith.index_cast %mul3A_261 : i32 to index
        %get3A_659 = arith.constant 224 : index
        %get3A_660 = tpu.vector_load %arg6[%get3A_658, %get3A_659] {strides = array<i32>} : memref<48x512xf32, #tpu.memory_space<vmem>>, vector<16xf32>,
        %mul3A_661 = arith.mulf %gather3A, %get3A_660 : vector<16xf32>
        %add3A_662 = arith.constant 1 : i32
        %add3A_663 = arith.addi %mul3A_261, %add3A_662 : i32
        %get3A_664 = arith.index_cast %add3A_663 : i32 to index
        %get3A_665 = arith.constant 224 : index
        %get3A_666 = tpu.vector_load %arg6[%get3A_664, %get3A_665] {strides = array<i32>} : memref<48x512xf32, #tpu.memory_space<vmem>>, vector<16xf32>,
        %mul3A_667 = arith.mulf %gather3A_270, %get3A_666 : vector<16xf32>
        %add3A_668 = arith.addf %mul3A_661, %mul3A_667 : vector<16xf32>
        %add3A_669 = arith.constant 2 : i32
        %add3A_670 = arith.addi %mul3A_261, %add3A_669 : i32
        %get3A_671 = arith.index_cast %add3A_670 : i32 to index
        %get3A_672 = arith.constant 224 : index
        %get3A_673 = tpu.vector_load %arg6[%get3A_671, %get3A_672] {strides = array<i32>} : memref<48x512xf32, #tpu.memory_space<vmem>>, vector<16xf32>,
        %mul3A_674 = arith.mulf %gather3A_275, %get3A_673 : vector<16xf32>
        %add3A_675 = arith.constant 3 : i32
        %add3A_676 = arith.addi %mul3A_261, %add3A_675 : i32
        %get3A_677 = arith.index_cast %add3A_676 : i32 to index
        %get3A_678 = arith.constant 224 : index
        %get3A_679 = tpu.vector_load %arg6[%get3A_677, %get3A_678] {strides = array<i32>} : memref<48x512xf32, #tpu.memory_space<vmem>>, vector<16xf32>,
        %mul3A_680 = arith.mulf %gather3A_280, %get3A_679 : vector<16xf32>
        %add3A_681 = arith.addf %mul3A_674, %mul3A_680 : vector<16xf32>
        %add3A_682 = arith.addf %add3A_668, %add3A_681 : vector<16xf32>
        %swap3A_683 = arith.constant 224 : index
        %swap3A_684 = tpu.vector_load %arg9[%swap3A_683] {strides = array<i32>} : memref<512xf32, #tpu.memory_space<vmem>>, vector<16xf32>,
        tpu.vector_store %arg9[%swap3A_683], %add3A_682 {add = true, strides = array<i32>} : memref<512xf32, #tpu.memory_space<vmem>>, vector<16xf32>,
        %get3A_685 = arith.index_cast %mul3A_261 : i32 to index
        %get3A_686 = arith.constant 240 : index
        %get3A_687 = tpu.vector_load %arg6[%get3A_685, %get3A_686] {strides = array<i32>} : memref<48x512xf32, #tpu.memory_space<vmem>>, vector<16xf32>,
        %mul3A_688 = arith.mulf %gather3A, %get3A_687 : vector<16xf32>
        %add3A_689 = arith.constant 1 : i32
        %add3A_690 = arith.addi %mul3A_261, %add3A_689 : i32
        %get3A_691 = arith.index_cast %add3A_690 : i32 to index
        %get3A_692 = arith.constant 240 : index
        %get3A_693 = tpu.vector_load %arg6[%get3A_691, %get3A_692] {strides = array<i32>} : memref<48x512xf32, #tpu.memory_space<vmem>>, vector<16xf32>,
        %mul3A_694 = arith.mulf %gather3A_270, %get3A_693 : vector<16xf32>
        %add3A_695 = arith.addf %mul3A_688, %mul3A_694 : vector<16xf32>
        %add3A_696 = arith.constant 2 : i32
        %add3A_697 = arith.addi %mul3A_261, %add3A_696 : i32
        %get3A_698 = arith.index_cast %add3A_697 : i32 to index
        %get3A_699 = arith.constant 240 : index
        %get3A_700 = tpu.vector_load %arg6[%get3A_698, %get3A_699] {strides = array<i32>} : memref<48x512xf32, #tpu.memory_space<vmem>>, vector<16xf32>,
        %mul3A_701 = arith.mulf %gather3A_275, %get3A_700 : vector<16xf32>
        %add3A_702 = arith.constant 3 : i32
        %add3A_703 = arith.addi %mul3A_261, %add3A_702 : i32
        %get3A_704 = arith.index_cast %add3A_703 : i32 to index
        %get3A_705 = arith.constant 240 : index
        %get3A_706 = tpu.vector_load %arg6[%get3A_704, %get3A_705] {strides = array<i32>} : memref<48x512xf32, #tpu.memory_space<vmem>>, vector<16xf32>,
        %mul3A_707 = arith.mulf %gather3A_280, %get3A_706 : vector<16xf32>
        %add3A_708 = arith.addf %mul3A_701, %mul3A_707 : vector<16xf32>
        %add3A_709 = arith.addf %add3A_695, %add3A_708 : vector<16xf32>
        %swap3A_710 = arith.constant 240 : index
        %swap3A_711 = tpu.vector_load %arg9[%swap3A_710] {strides = array<i32>} : memref<512xf32, #tpu.memory_space<vmem>>, vector<16xf32>,
        tpu.vector_store %arg9[%swap3A_710], %add3A_709 {add = true, strides = array<i32>} : memref<512xf32, #tpu.memory_space<vmem>>, vector<16xf32>,
        %get3A_712 = arith.index_cast %mul3A_261 : i32 to index
        %get3A_713 = arith.constant 256 : index
        %get3A_714 = tpu.vector_load %arg6[%get3A_712, %get3A_713] {strides = array<i32>} : memref<48x512xf32, #tpu.memory_space<vmem>>, vector<16xf32>,
        %mul3A_715 = arith.mulf %gather3A, %get3A_714 : vector<16xf32>
        %add3A_716 = arith.constant 1 : i32
        %add3A_717 = arith.addi %mul3A_261, %add3A_716 : i32
        %get3A_718 = arith.index_cast %add3A_717 : i32 to index
        %get3A_719 = arith.constant 256 : index
        %get3A_720 = tpu.vector_load %arg6[%get3A_718, %get3A_719] {strides = array<i32>} : memref<48x512xf32, #tpu.memory_space<vmem>>, vector<16xf32>,
        %mul3A_721 = arith.mulf %gather3A_270, %get3A_720 : vector<16xf32>
        %add3A_722 = arith.addf %mul3A_715, %mul3A_721 : vector<16xf32>
        %add3A_723 = arith.constant 2 : i32
        %add3A_724 = arith.addi %mul3A_261, %add3A_723 : i32
        %get3A_725 = arith.index_cast %add3A_724 : i32 to index
        %get3A_726 = arith.constant 256 : index
        %get3A_727 = tpu.vector_load %arg6[%get3A_725, %get3A_726] {strides = array<i32>} : memref<48x512xf32, #tpu.memory_space<vmem>>, vector<16xf32>,
        %mul3A_728 = arith.mulf %gather3A_275, %get3A_727 : vector<16xf32>
        %add3A_729 = arith.constant 3 : i32
        %add3A_730 = arith.addi %mul3A_261, %add3A_729 : i32
        %get3A_731 = arith.index_cast %add3A_730 : i32 to index
        %get3A_732 = arith.constant 256 : index
        %get3A_733 = tpu.vector_load %arg6[%get3A_731, %get3A_732] {strides = array<i32>} : memref<48x512xf32, #tpu.memory_space<vmem>>, vector<16xf32>,
        %mul3A_734 = arith.mulf %gather3A_280, %get3A_733 : vector<16xf32>
        %add3A_735 = arith.addf %mul3A_728, %mul3A_734 : vector<16xf32>
        %add3A_736 = arith.addf %add3A_722, %add3A_735 : vector<16xf32>
        %swap3A_737 = arith.constant 256 : index
        %swap3A_738 = tpu.vector_load %arg9[%swap3A_737] {strides = array<i32>} : memref<512xf32, #tpu.memory_space<vmem>>, vector<16xf32>,
        tpu.vector_store %arg9[%swap3A_737], %add3A_736 {add = true, strides = array<i32>} : memref<512xf32, #tpu.memory_space<vmem>>, vector<16xf32>,
        %get3A_739 = arith.index_cast %mul3A_261 : i32 to index
        %get3A_740 = arith.constant 272 : index
        %get3A_741 = tpu.vector_load %arg6[%get3A_739, %get3A_740] {strides = array<i32>} : memref<48x512xf32, #tpu.memory_space<vmem>>, vector<16xf32>,
        %mul3A_742 = arith.mulf %gather3A, %get3A_741 : vector<16xf32>
        %add3A_743 = arith.constant 1 : i32
        %add3A_744 = arith.addi %mul3A_261, %add3A_743 : i32
        %get3A_745 = arith.index_cast %add3A_744 : i32 to index
        %get3A_746 = arith.constant 272 : index
        %get3A_747 = tpu.vector_load %arg6[%get3A_745, %get3A_746] {strides = array<i32>} : memref<48x512xf32, #tpu.memory_space<vmem>>, vector<16xf32>,
        %mul3A_748 = arith.mulf %gather3A_270, %get3A_747 : vector<16xf32>
        %add3A_749 = arith.addf %mul3A_742, %mul3A_748 : vector<16xf32>
        %add3A_750 = arith.constant 2 : i32
        %add3A_751 = arith.addi %mul3A_261, %add3A_750 : i32
        %get3A_752 = arith.index_cast %add3A_751 : i32 to index
        %get3A_753 = arith.constant 272 : index
        %get3A_754 = tpu.vector_load %arg6[%get3A_752, %get3A_753] {strides = array<i32>} : memref<48x512xf32, #tpu.memory_space<vmem>>, vector<16xf32>,
        %mul3A_755 = arith.mulf %gather3A_275, %get3A_754 : vector<16xf32>
        %add3A_756 = arith.constant 3 : i32
        %add3A_757 = arith.addi %mul3A_261, %add3A_756 : i32
        %get3A_758 = arith.index_cast %add3A_757 : i32 to index
        %get3A_759 = arith.constant 272 : index
        %get3A_760 = tpu.vector_load %arg6[%get3A_758, %get3A_759] {strides = array<i32>} : memref<48x512xf32, #tpu.memory_space<vmem>>, vector<16xf32>,
        %mul3A_761 = arith.mulf %gather3A_280, %get3A_760 : vector<16xf32>
        %add3A_762 = arith.addf %mul3A_755, %mul3A_761 : vector<16xf32>
        %add3A_763 = arith.addf %add3A_749, %add3A_762 : vector<16xf32>
        %swap3A_764 = arith.constant 272 : index
        %swap3A_765 = tpu.vector_load %arg9[%swap3A_764] {strides = array<i32>} : memref<512xf32, #tpu.memory_space<vmem>>, vector<16xf32>,
        tpu.vector_store %arg9[%swap3A_764], %add3A_763 {add = true, strides = array<i32>} : memref<512xf32, #tpu.memory_space<vmem>>, vector<16xf32>,
        %get3A_766 = arith.index_cast %mul3A_261 : i32 to index
        %get3A_767 = arith.constant 288 : index
        %get3A_768 = tpu.vector_load %arg6[%get3A_766, %get3A_767] {strides = array<i32>} : memref<48x512xf32, #tpu.memory_space<vmem>>, vector<16xf32>,
        %mul3A_769 = arith.mulf %gather3A, %get3A_768 : vector<16xf32>
        %add3A_770 = arith.constant 1 : i32
        %add3A_771 = arith.addi %mul3A_261, %add3A_770 : i32
        %get3A_772 = arith.index_cast %add3A_771 : i32 to index
        %get3A_773 = arith.constant 288 : index
        %get3A_774 = tpu.vector_load %arg6[%get3A_772, %get3A_773] {strides = array<i32>} : memref<48x512xf32, #tpu.memory_space<vmem>>, vector<16xf32>,
        %mul3A_775 = arith.mulf %gather3A_270, %get3A_774 : vector<16xf32>
        %add3A_776 = arith.addf %mul3A_769, %mul3A_775 : vector<16xf32>
        %add3A_777 = arith.constant 2 : i32
        %add3A_778 = arith.addi %mul3A_261, %add3A_777 : i32
        %get3A_779 = arith.index_cast %add3A_778 : i32 to index
        %get3A_780 = arith.constant 288 : index
        %get3A_781 = tpu.vector_load %arg6[%get3A_779, %get3A_780] {strides = array<i32>} : memref<48x512xf32, #tpu.memory_space<vmem>>, vector<16xf32>,
        %mul3A_782 = arith.mulf %gather3A_275, %get3A_781 : vector<16xf32>
        %add3A_783 = arith.constant 3 : i32
        %add3A_784 = arith.addi %mul3A_261, %add3A_783 : i32
        %get3A_785 = arith.index_cast %add3A_784 : i32 to index
        %get3A_786 = arith.constant 288 : index
        %get3A_787 = tpu.vector_load %arg6[%get3A_785, %get3A_786] {strides = array<i32>} : memref<48x512xf32, #tpu.memory_space<vmem>>, vector<16xf32>,
        %mul3A_788 = arith.mulf %gather3A_280, %get3A_787 : vector<16xf32>
        %add3A_789 = arith.addf %mul3A_782, %mul3A_788 : vector<16xf32>
        %add3A_790 = arith.addf %add3A_776, %add3A_789 : vector<16xf32>
        %swap3A_791 = arith.constant 288 : index
        %swap3A_792 = tpu.vector_load %arg9[%swap3A_791] {strides = array<i32>} : memref<512xf32, #tpu.memory_space<vmem>>, vector<16xf32>,
        tpu.vector_store %arg9[%swap3A_791], %add3A_790 {add = true, strides = array<i32>} : memref<512xf32, #tpu.memory_space<vmem>>, vector<16xf32>,
        %get3A_793 = arith.index_cast %mul3A_261 : i32 to index
        %get3A_794 = arith.constant 304 : index
        %get3A_795 = tpu.vector_load %arg6[%get3A_793, %get3A_794] {strides = array<i32>} : memref<48x512xf32, #tpu.memory_space<vmem>>, vector<16xf32>,
        %mul3A_796 = arith.mulf %gather3A, %get3A_795 : vector<16xf32>
        %add3A_797 = arith.constant 1 : i32
        %add3A_798 = arith.addi %mul3A_261, %add3A_797 : i32
        %get3A_799 = arith.index_cast %add3A_798 : i32 to index
        %get3A_800 = arith.constant 304 : index
        %get3A_801 = tpu.vector_load %arg6[%get3A_799, %get3A_800] {strides = array<i32>} : memref<48x512xf32, #tpu.memory_space<vmem>>, vector<16xf32>,
        %mul3A_802 = arith.mulf %gather3A_270, %get3A_801 : vector<16xf32>
        %add3A_803 = arith.addf %mul3A_796, %mul3A_802 : vector<16xf32>
        %add3A_804 = arith.constant 2 : i32
        %add3A_805 = arith.addi %mul3A_261, %add3A_804 : i32
        %get3A_806 = arith.index_cast %add3A_805 : i32 to index
        %get3A_807 = arith.constant 304 : index
        %get3A_808 = tpu.vector_load %arg6[%get3A_806, %get3A_807] {strides = array<i32>} : memref<48x512xf32, #tpu.memory_space<vmem>>, vector<16xf32>,
        %mul3A_809 = arith.mulf %gather3A_275, %get3A_808 : vector<16xf32>
        %add3A_810 = arith.constant 3 : i32
        %add3A_811 = arith.addi %mul3A_261, %add3A_810 : i32
        %get3A_812 = arith.index_cast %add3A_811 : i32 to index
        %get3A_813 = arith.constant 304 : index
        %get3A_814 = tpu.vector_load %arg6[%get3A_812, %get3A_813] {strides = array<i32>} : memref<48x512xf32, #tpu.memory_space<vmem>>, vector<16xf32>,
        %mul3A_815 = arith.mulf %gather3A_280, %get3A_814 : vector<16xf32>
        %add3A_816 = arith.addf %mul3A_809, %mul3A_815 : vector<16xf32>
        %add3A_817 = arith.addf %add3A_803, %add3A_816 : vector<16xf32>
        %swap3A_818 = arith.constant 304 : index
        %swap3A_819 = tpu.vector_load %arg9[%swap3A_818] {strides = array<i32>} : memref<512xf32, #tpu.memory_space<vmem>>, vector<16xf32>,
        tpu.vector_store %arg9[%swap3A_818], %add3A_817 {add = true, strides = array<i32>} : memref<512xf32, #tpu.memory_space<vmem>>, vector<16xf32>,
        %get3A_820 = arith.index_cast %mul3A_261 : i32 to index
        %get3A_821 = arith.constant 320 : index
        %get3A_822 = tpu.vector_load %arg6[%get3A_820, %get3A_821] {strides = array<i32>} : memref<48x512xf32, #tpu.memory_space<vmem>>, vector<16xf32>,
        %mul3A_823 = arith.mulf %gather3A, %get3A_822 : vector<16xf32>
        %add3A_824 = arith.constant 1 : i32
        %add3A_825 = arith.addi %mul3A_261, %add3A_824 : i32
        %get3A_826 = arith.index_cast %add3A_825 : i32 to index
        %get3A_827 = arith.constant 320 : index
        %get3A_828 = tpu.vector_load %arg6[%get3A_826, %get3A_827] {strides = array<i32>} : memref<48x512xf32, #tpu.memory_space<vmem>>, vector<16xf32>,
        %mul3A_829 = arith.mulf %gather3A_270, %get3A_828 : vector<16xf32>
        %add3A_830 = arith.addf %mul3A_823, %mul3A_829 : vector<16xf32>
        %add3A_831 = arith.constant 2 : i32
        %add3A_832 = arith.addi %mul3A_261, %add3A_831 : i32
        %get3A_833 = arith.index_cast %add3A_832 : i32 to index
        %get3A_834 = arith.constant 320 : index
        %get3A_835 = tpu.vector_load %arg6[%get3A_833, %get3A_834] {strides = array<i32>} : memref<48x512xf32, #tpu.memory_space<vmem>>, vector<16xf32>,
        %mul3A_836 = arith.mulf %gather3A_275, %get3A_835 : vector<16xf32>
        %add3A_837 = arith.constant 3 : i32
        %add3A_838 = arith.addi %mul3A_261, %add3A_837 : i32
        %get3A_839 = arith.index_cast %add3A_838 : i32 to index
        %get3A_840 = arith.constant 320 : index
        %get3A_841 = tpu.vector_load %arg6[%get3A_839, %get3A_840] {strides = array<i32>} : memref<48x512xf32, #tpu.memory_space<vmem>>, vector<16xf32>,
        %mul3A_842 = arith.mulf %gather3A_280, %get3A_841 : vector<16xf32>
        %add3A_843 = arith.addf %mul3A_836, %mul3A_842 : vector<16xf32>
        %add3A_844 = arith.addf %add3A_830, %add3A_843 : vector<16xf32>
        %swap3A_845 = arith.constant 320 : index
        %swap3A_846 = tpu.vector_load %arg9[%swap3A_845] {strides = array<i32>} : memref<512xf32, #tpu.memory_space<vmem>>, vector<16xf32>,
        tpu.vector_store %arg9[%swap3A_845], %add3A_844 {add = true, strides = array<i32>} : memref<512xf32, #tpu.memory_space<vmem>>, vector<16xf32>,
        %get3A_847 = arith.index_cast %mul3A_261 : i32 to index
        %get3A_848 = arith.constant 336 : index
        %get3A_849 = tpu.vector_load %arg6[%get3A_847, %get3A_848] {strides = array<i32>} : memref<48x512xf32, #tpu.memory_space<vmem>>, vector<16xf32>,
        %mul3A_850 = arith.mulf %gather3A, %get3A_849 : vector<16xf32>
        %add3A_851 = arith.constant 1 : i32
        %add3A_852 = arith.addi %mul3A_261, %add3A_851 : i32
        %get3A_853 = arith.index_cast %add3A_852 : i32 to index
        %get3A_854 = arith.constant 336 : index
        %get3A_855 = tpu.vector_load %arg6[%get3A_853, %get3A_854] {strides = array<i32>} : memref<48x512xf32, #tpu.memory_space<vmem>>, vector<16xf32>,
        %mul3A_856 = arith.mulf %gather3A_270, %get3A_855 : vector<16xf32>
        %add3A_857 = arith.addf %mul3A_850, %mul3A_856 : vector<16xf32>
        %add3A_858 = arith.constant 2 : i32
        %add3A_859 = arith.addi %mul3A_261, %add3A_858 : i32
        %get3A_860 = arith.index_cast %add3A_859 : i32 to index
        %get3A_861 = arith.constant 336 : index
        %get3A_862 = tpu.vector_load %arg6[%get3A_860, %get3A_861] {strides = array<i32>} : memref<48x512xf32, #tpu.memory_space<vmem>>, vector<16xf32>,
        %mul3A_863 = arith.mulf %gather3A_275, %get3A_862 : vector<16xf32>
        %add3A_864 = arith.constant 3 : i32
        %add3A_865 = arith.addi %mul3A_261, %add3A_864 : i32
        %get3A_866 = arith.index_cast %add3A_865 : i32 to index
        %get3A_867 = arith.constant 336 : index
        %get3A_868 = tpu.vector_load %arg6[%get3A_866, %get3A_867] {strides = array<i32>} : memref<48x512xf32, #tpu.memory_space<vmem>>, vector<16xf32>,
        %mul3A_869 = arith.mulf %gather3A_280, %get3A_868 : vector<16xf32>
        %add3A_870 = arith.addf %mul3A_863, %mul3A_869 : vector<16xf32>
        %add3A_871 = arith.addf %add3A_857, %add3A_870 : vector<16xf32>
        %swap3A_872 = arith.constant 336 : index
        %swap3A_873 = tpu.vector_load %arg9[%swap3A_872] {strides = array<i32>} : memref<512xf32, #tpu.memory_space<vmem>>, vector<16xf32>,
        tpu.vector_store %arg9[%swap3A_872], %add3A_871 {add = true, strides = array<i32>} : memref<512xf32, #tpu.memory_space<vmem>>, vector<16xf32>,
        %get3A_874 = arith.index_cast %mul3A_261 : i32 to index
        %get3A_875 = arith.constant 352 : index
        %get3A_876 = tpu.vector_load %arg6[%get3A_874, %get3A_875] {strides = array<i32>} : memref<48x512xf32, #tpu.memory_space<vmem>>, vector<16xf32>,
        %mul3A_877 = arith.mulf %gather3A, %get3A_876 : vector<16xf32>
        %add3A_878 = arith.constant 1 : i32
        %add3A_879 = arith.addi %mul3A_261, %add3A_878 : i32
        %get3A_880 = arith.index_cast %add3A_879 : i32 to index
        %get3A_881 = arith.constant 352 : index
        %get3A_882 = tpu.vector_load %arg6[%get3A_880, %get3A_881] {strides = array<i32>} : memref<48x512xf32, #tpu.memory_space<vmem>>, vector<16xf32>,
        %mul3A_883 = arith.mulf %gather3A_270, %get3A_882 : vector<16xf32>
        %add3A_884 = arith.addf %mul3A_877, %mul3A_883 : vector<16xf32>
        %add3A_885 = arith.constant 2 : i32
        %add3A_886 = arith.addi %mul3A_261, %add3A_885 : i32
        %get3A_887 = arith.index_cast %add3A_886 : i32 to index
        %get3A_888 = arith.constant 352 : index
        %get3A_889 = tpu.vector_load %arg6[%get3A_887, %get3A_888] {strides = array<i32>} : memref<48x512xf32, #tpu.memory_space<vmem>>, vector<16xf32>,
        %mul3A_890 = arith.mulf %gather3A_275, %get3A_889 : vector<16xf32>
        %add3A_891 = arith.constant 3 : i32
        %add3A_892 = arith.addi %mul3A_261, %add3A_891 : i32
        %get3A_893 = arith.index_cast %add3A_892 : i32 to index
        %get3A_894 = arith.constant 352 : index
        %get3A_895 = tpu.vector_load %arg6[%get3A_893, %get3A_894] {strides = array<i32>} : memref<48x512xf32, #tpu.memory_space<vmem>>, vector<16xf32>,
        %mul3A_896 = arith.mulf %gather3A_280, %get3A_895 : vector<16xf32>
        %add3A_897 = arith.addf %mul3A_890, %mul3A_896 : vector<16xf32>
        %add3A_898 = arith.addf %add3A_884, %add3A_897 : vector<16xf32>
        %swap3A_899 = arith.constant 352 : index
        %swap3A_900 = tpu.vector_load %arg9[%swap3A_899] {strides = array<i32>} : memref<512xf32, #tpu.memory_space<vmem>>, vector<16xf32>,
        tpu.vector_store %arg9[%swap3A_899], %add3A_898 {add = true, strides = array<i32>} : memref<512xf32, #tpu.memory_space<vmem>>, vector<16xf32>,
        %get3A_901 = arith.index_cast %mul3A_261 : i32 to index
        %get3A_902 = arith.constant 368 : index
        %get3A_903 = tpu.vector_load %arg6[%get3A_901, %get3A_902] {strides = array<i32>} : memref<48x512xf32, #tpu.memory_space<vmem>>, vector<16xf32>,
        %mul3A_904 = arith.mulf %gather3A, %get3A_903 : vector<16xf32>
        %add3A_905 = arith.constant 1 : i32
        %add3A_906 = arith.addi %mul3A_261, %add3A_905 : i32
        %get3A_907 = arith.index_cast %add3A_906 : i32 to index
        %get3A_908 = arith.constant 368 : index
        %get3A_909 = tpu.vector_load %arg6[%get3A_907, %get3A_908] {strides = array<i32>} : memref<48x512xf32, #tpu.memory_space<vmem>>, vector<16xf32>,
        %mul3A_910 = arith.mulf %gather3A_270, %get3A_909 : vector<16xf32>
        %add3A_911 = arith.addf %mul3A_904, %mul3A_910 : vector<16xf32>
        %add3A_912 = arith.constant 2 : i32
        %add3A_913 = arith.addi %mul3A_261, %add3A_912 : i32
        %get3A_914 = arith.index_cast %add3A_913 : i32 to index
        %get3A_915 = arith.constant 368 : index
        %get3A_916 = tpu.vector_load %arg6[%get3A_914, %get3A_915] {strides = array<i32>} : memref<48x512xf32, #tpu.memory_space<vmem>>, vector<16xf32>,
        %mul3A_917 = arith.mulf %gather3A_275, %get3A_916 : vector<16xf32>
        %add3A_918 = arith.constant 3 : i32
        %add3A_919 = arith.addi %mul3A_261, %add3A_918 : i32
        %get3A_920 = arith.index_cast %add3A_919 : i32 to index
        %get3A_921 = arith.constant 368 : index
        %get3A_922 = tpu.vector_load %arg6[%get3A_920, %get3A_921] {strides = array<i32>} : memref<48x512xf32, #tpu.memory_space<vmem>>, vector<16xf32>,
        %mul3A_923 = arith.mulf %gather3A_280, %get3A_922 : vector<16xf32>
        %add3A_924 = arith.addf %mul3A_917, %mul3A_923 : vector<16xf32>
        %add3A_925 = arith.addf %add3A_911, %add3A_924 : vector<16xf32>
        %swap3A_926 = arith.constant 368 : index
        %swap3A_927 = tpu.vector_load %arg9[%swap3A_926] {strides = array<i32>} : memref<512xf32, #tpu.memory_space<vmem>>, vector<16xf32>,
        tpu.vector_store %arg9[%swap3A_926], %add3A_925 {add = true, strides = array<i32>} : memref<512xf32, #tpu.memory_space<vmem>>, vector<16xf32>,
        %get3A_928 = arith.index_cast %mul3A_261 : i32 to index
        %get3A_929 = arith.constant 384 : index
        %get3A_930 = tpu.vector_load %arg6[%get3A_928, %get3A_929] {strides = array<i32>} : memref<48x512xf32, #tpu.memory_space<vmem>>, vector<16xf32>,
        %mul3A_931 = arith.mulf %gather3A, %get3A_930 : vector<16xf32>
        %add3A_932 = arith.constant 1 : i32
        %add3A_933 = arith.addi %mul3A_261, %add3A_932 : i32
        %get3A_934 = arith.index_cast %add3A_933 : i32 to index
        %get3A_935 = arith.constant 384 : index
        %get3A_936 = tpu.vector_load %arg6[%get3A_934, %get3A_935] {strides = array<i32>} : memref<48x512xf32, #tpu.memory_space<vmem>>, vector<16xf32>,
        %mul3A_937 = arith.mulf %gather3A_270, %get3A_936 : vector<16xf32>
        %add3A_938 = arith.addf %mul3A_931, %mul3A_937 : vector<16xf32>
        %add3A_939 = arith.constant 2 : i32
        %add3A_940 = arith.addi %mul3A_261, %add3A_939 : i32
        %get3A_941 = arith.index_cast %add3A_940 : i32 to index
        %get3A_942 = arith.constant 384 : index
        %get3A_943 = tpu.vector_load %arg6[%get3A_941, %get3A_942] {strides = array<i32>} : memref<48x512xf32, #tpu.memory_space<vmem>>, vector<16xf32>,
        %mul3A_944 = arith.mulf %gather3A_275, %get3A_943 : vector<16xf32>
        %add3A_945 = arith.constant 3 : i32
        %add3A_946 = arith.addi %mul3A_261, %add3A_945 : i32
        %get3A_947 = arith.index_cast %add3A_946 : i32 to index
        %get3A_948 = arith.constant 384 : index
        %get3A_949 = tpu.vector_load %arg6[%get3A_947, %get3A_948] {strides = array<i32>} : memref<48x512xf32, #tpu.memory_space<vmem>>, vector<16xf32>,
        %mul3A_950 = arith.mulf %gather3A_280, %get3A_949 : vector<16xf32>
        %add3A_951 = arith.addf %mul3A_944, %mul3A_950 : vector<16xf32>
        %add3A_952 = arith.addf %add3A_938, %add3A_951 : vector<16xf32>
        %swap3A_953 = arith.constant 384 : index
        %swap3A_954 = tpu.vector_load %arg9[%swap3A_953] {strides = array<i32>} : memref<512xf32, #tpu.memory_space<vmem>>, vector<16xf32>,
        tpu.vector_store %arg9[%swap3A_953], %add3A_952 {add = true, strides = array<i32>} : memref<512xf32, #tpu.memory_space<vmem>>, vector<16xf32>,
        %get3A_955 = arith.index_cast %mul3A_261 : i32 to index
        %get3A_956 = arith.constant 400 : index
        %get3A_957 = tpu.vector_load %arg6[%get3A_955, %get3A_956] {strides = array<i32>} : memref<48x512xf32, #tpu.memory_space<vmem>>, vector<16xf32>,
        %mul3A_958 = arith.mulf %gather3A, %get3A_957 : vector<16xf32>
        %add3A_959 = arith.constant 1 : i32
        %add3A_960 = arith.addi %mul3A_261, %add3A_959 : i32
        %get3A_961 = arith.index_cast %add3A_960 : i32 to index
        %get3A_962 = arith.constant 400 : index
        %get3A_963 = tpu.vector_load %arg6[%get3A_961, %get3A_962] {strides = array<i32>} : memref<48x512xf32, #tpu.memory_space<vmem>>, vector<16xf32>,
        %mul3A_964 = arith.mulf %gather3A_270, %get3A_963 : vector<16xf32>
        %add3A_965 = arith.addf %mul3A_958, %mul3A_964 : vector<16xf32>
        %add3A_966 = arith.constant 2 : i32
        %add3A_967 = arith.addi %mul3A_261, %add3A_966 : i32
        %get3A_968 = arith.index_cast %add3A_967 : i32 to index
        %get3A_969 = arith.constant 400 : index
        %get3A_970 = tpu.vector_load %arg6[%get3A_968, %get3A_969] {strides = array<i32>} : memref<48x512xf32, #tpu.memory_space<vmem>>, vector<16xf32>,
        %mul3A_971 = arith.mulf %gather3A_275, %get3A_970 : vector<16xf32>
        %add3A_972 = arith.constant 3 : i32
        %add3A_973 = arith.addi %mul3A_261, %add3A_972 : i32
        %get3A_974 = arith.index_cast %add3A_973 : i32 to index
        %get3A_975 = arith.constant 400 : index
        %get3A_976 = tpu.vector_load %arg6[%get3A_974, %get3A_975] {strides = array<i32>} : memref<48x512xf32, #tpu.memory_space<vmem>>, vector<16xf32>,
        %mul3A_977 = arith.mulf %gather3A_280, %get3A_976 : vector<16xf32>
        %add3A_978 = arith.addf %mul3A_971, %mul3A_977 : vector<16xf32>
        %add3A_979 = arith.addf %add3A_965, %add3A_978 : vector<16xf32>
        %swap3A_980 = arith.constant 400 : index
        %swap3A_981 = tpu.vector_load %arg9[%swap3A_980] {strides = array<i32>} : memref<512xf32, #tpu.memory_space<vmem>>, vector<16xf32>,
        tpu.vector_store %arg9[%swap3A_980], %add3A_979 {add = true, strides = array<i32>} : memref<512xf32, #tpu.memory_space<vmem>>, vector<16xf32>,
        %get3A_982 = arith.index_cast %mul3A_261 : i32 to index
        %get3A_983 = arith.constant 416 : index
        %get3A_984 = tpu.vector_load %arg6[%get3A_982, %get3A_983] {strides = array<i32>} : memref<48x512xf32, #tpu.memory_space<vmem>>, vector<16xf32>,
        %mul3A_985 = arith.mulf %gather3A, %get3A_984 : vector<16xf32>
        %add3A_986 = arith.constant 1 : i32
        %add3A_987 = arith.addi %mul3A_261, %add3A_986 : i32
        %get3A_988 = arith.index_cast %add3A_987 : i32 to index
        %get3A_989 = arith.constant 416 : index
        %get3A_990 = tpu.vector_load %arg6[%get3A_988, %get3A_989] {strides = array<i32>} : memref<48x512xf32, #tpu.memory_space<vmem>>, vector<16xf32>,
        %mul3A_991 = arith.mulf %gather3A_270, %get3A_990 : vector<16xf32>
        %add3A_992 = arith.addf %mul3A_985, %mul3A_991 : vector<16xf32>
        %add3A_993 = arith.constant 2 : i32
        %add3A_994 = arith.addi %mul3A_261, %add3A_993 : i32
        %get3A_995 = arith.index_cast %add3A_994 : i32 to index
        %get3A_996 = arith.constant 416 : index
        %get3A_997 = tpu.vector_load %arg6[%get3A_995, %get3A_996] {strides = array<i32>} : memref<48x512xf32, #tpu.memory_space<vmem>>, vector<16xf32>,
        %mul3A_998 = arith.mulf %gather3A_275, %get3A_997 : vector<16xf32>
        %add3A_999 = arith.constant 3 : i32
        %add3A_1000 = arith.addi %mul3A_261, %add3A_999 : i32
        %get3A_1001 = arith.index_cast %add3A_1000 : i32 to index
        %get3A_1002 = arith.constant 416 : index
        %get3A_1003 = tpu.vector_load %arg6[%get3A_1001, %get3A_1002] {strides = array<i32>} : memref<48x512xf32, #tpu.memory_space<vmem>>, vector<16xf32>,
        %mul3A_1004 = arith.mulf %gather3A_280, %get3A_1003 : vector<16xf32>
        %add3A_1005 = arith.addf %mul3A_998, %mul3A_1004 : vector<16xf32>
        %add3A_1006 = arith.addf %add3A_992, %add3A_1005 : vector<16xf32>
        %swap3A_1007 = arith.constant 416 : index
        %swap3A_1008 = tpu.vector_load %arg9[%swap3A_1007] {strides = array<i32>} : memref<512xf32, #tpu.memory_space<vmem>>, vector<16xf32>,
        tpu.vector_store %arg9[%swap3A_1007], %add3A_1006 {add = true, strides = array<i32>} : memref<512xf32, #tpu.memory_space<vmem>>, vector<16xf32>,
        %get3A_1009 = arith.index_cast %mul3A_261 : i32 to index
        %get3A_1010 = arith.constant 432 : index
        %get3A_1011 = tpu.vector_load %arg6[%get3A_1009, %get3A_1010] {strides = array<i32>} : memref<48x512xf32, #tpu.memory_space<vmem>>, vector<16xf32>,
        %mul3A_1012 = arith.mulf %gather3A, %get3A_1011 : vector<16xf32>
        %add3A_1013 = arith.constant 1 : i32
        %add3A_1014 = arith.addi %mul3A_261, %add3A_1013 : i32
        %get3A_1015 = arith.index_cast %add3A_1014 : i32 to index
        %get3A_1016 = arith.constant 432 : index
        %get3A_1017 = tpu.vector_load %arg6[%get3A_1015, %get3A_1016] {strides = array<i32>} : memref<48x512xf32, #tpu.memory_space<vmem>>, vector<16xf32>,
        %mul3A_1018 = arith.mulf %gather3A_270, %get3A_1017 : vector<16xf32>
        %add3A_1019 = arith.addf %mul3A_1012, %mul3A_1018 : vector<16xf32>
        %add3A_1020 = arith.constant 2 : i32
        %add3A_1021 = arith.addi %mul3A_261, %add3A_1020 : i32
        %get3A_1022 = arith.index_cast %add3A_1021 : i32 to index
        %get3A_1023 = arith.constant 432 : index
        %get3A_1024 = tpu.vector_load %arg6[%get3A_1022, %get3A_1023] {strides = array<i32>} : memref<48x512xf32, #tpu.memory_space<vmem>>, vector<16xf32>,
        %mul3A_1025 = arith.mulf %gather3A_275, %get3A_1024 : vector<16xf32>
        %add3A_1026 = arith.constant 3 : i32
        %add3A_1027 = arith.addi %mul3A_261, %add3A_1026 : i32
        %get3A_1028 = arith.index_cast %add3A_1027 : i32 to index
        %get3A_1029 = arith.constant 432 : index
        %get3A_1030 = tpu.vector_load %arg6[%get3A_1028, %get3A_1029] {strides = array<i32>} : memref<48x512xf32, #tpu.memory_space<vmem>>, vector<16xf32>,
        %mul3A_1031 = arith.mulf %gather3A_280, %get3A_1030 : vector<16xf32>
        %add3A_1032 = arith.addf %mul3A_1025, %mul3A_1031 : vector<16xf32>
        %add3A_1033 = arith.addf %add3A_1019, %add3A_1032 : vector<16xf32>
        %swap3A_1034 = arith.constant 432 : index
        %swap3A_1035 = tpu.vector_load %arg9[%swap3A_1034] {strides = array<i32>} : memref<512xf32, #tpu.memory_space<vmem>>, vector<16xf32>,
        tpu.vector_store %arg9[%swap3A_1034], %add3A_1033 {add = true, strides = array<i32>} : memref<512xf32, #tpu.memory_space<vmem>>, vector<16xf32>,
        %get3A_1036 = arith.index_cast %mul3A_261 : i32 to index
        %get3A_1037 = arith.constant 448 : index
        %get3A_1038 = tpu.vector_load %arg6[%get3A_1036, %get3A_1037] {strides = array<i32>} : memref<48x512xf32, #tpu.memory_space<vmem>>, vector<16xf32>,
        %mul3A_1039 = arith.mulf %gather3A, %get3A_1038 : vector<16xf32>
        %add3A_1040 = arith.constant 1 : i32
        %add3A_1041 = arith.addi %mul3A_261, %add3A_1040 : i32
        %get3A_1042 = arith.index_cast %add3A_1041 : i32 to index
        %get3A_1043 = arith.constant 448 : index
        %get3A_1044 = tpu.vector_load %arg6[%get3A_1042, %get3A_1043] {strides = array<i32>} : memref<48x512xf32, #tpu.memory_space<vmem>>, vector<16xf32>,
        %mul3A_1045 = arith.mulf %gather3A_270, %get3A_1044 : vector<16xf32>
        %add3A_1046 = arith.addf %mul3A_1039, %mul3A_1045 : vector<16xf32>
        %add3A_1047 = arith.constant 2 : i32
        %add3A_1048 = arith.addi %mul3A_261, %add3A_1047 : i32
        %get3A_1049 = arith.index_cast %add3A_1048 : i32 to index
        %get3A_1050 = arith.constant 448 : index
        %get3A_1051 = tpu.vector_load %arg6[%get3A_1049, %get3A_1050] {strides = array<i32>} : memref<48x512xf32, #tpu.memory_space<vmem>>, vector<16xf32>,
        %mul3A_1052 = arith.mulf %gather3A_275, %get3A_1051 : vector<16xf32>
        %add3A_1053 = arith.constant 3 : i32
        %add3A_1054 = arith.addi %mul3A_261, %add3A_1053 : i32
        %get3A_1055 = arith.index_cast %add3A_1054 : i32 to index
        %get3A_1056 = arith.constant 448 : index
        %get3A_1057 = tpu.vector_load %arg6[%get3A_1055, %get3A_1056] {strides = array<i32>} : memref<48x512xf32, #tpu.memory_space<vmem>>, vector<16xf32>,
        %mul3A_1058 = arith.mulf %gather3A_280, %get3A_1057 : vector<16xf32>
        %add3A_1059 = arith.addf %mul3A_1052, %mul3A_1058 : vector<16xf32>
        %add3A_1060 = arith.addf %add3A_1046, %add3A_1059 : vector<16xf32>
        %swap3A_1061 = arith.constant 448 : index
        %swap3A_1062 = tpu.vector_load %arg9[%swap3A_1061] {strides = array<i32>} : memref<512xf32, #tpu.memory_space<vmem>>, vector<16xf32>,
        tpu.vector_store %arg9[%swap3A_1061], %add3A_1060 {add = true, strides = array<i32>} : memref<512xf32, #tpu.memory_space<vmem>>, vector<16xf32>,
        %get3A_1063 = arith.index_cast %mul3A_261 : i32 to index
        %get3A_1064 = arith.constant 464 : index
        %get3A_1065 = tpu.vector_load %arg6[%get3A_1063, %get3A_1064] {strides = array<i32>} : memref<48x512xf32, #tpu.memory_space<vmem>>, vector<16xf32>,
        %mul3A_1066 = arith.mulf %gather3A, %get3A_1065 : vector<16xf32>
        %add3A_1067 = arith.constant 1 : i32
        %add3A_1068 = arith.addi %mul3A_261, %add3A_1067 : i32
        %get3A_1069 = arith.index_cast %add3A_1068 : i32 to index
        %get3A_1070 = arith.constant 464 : index
        %get3A_1071 = tpu.vector_load %arg6[%get3A_1069, %get3A_1070] {strides = array<i32>} : memref<48x512xf32, #tpu.memory_space<vmem>>, vector<16xf32>,
        %mul3A_1072 = arith.mulf %gather3A_270, %get3A_1071 : vector<16xf32>
        %add3A_1073 = arith.addf %mul3A_1066, %mul3A_1072 : vector<16xf32>
        %add3A_1074 = arith.constant 2 : i32
        %add3A_1075 = arith.addi %mul3A_261, %add3A_1074 : i32
        %get3A_1076 = arith.index_cast %add3A_1075 : i32 to index
        %get3A_1077 = arith.constant 464 : index
        %get3A_1078 = tpu.vector_load %arg6[%get3A_1076, %get3A_1077] {strides = array<i32>} : memref<48x512xf32, #tpu.memory_space<vmem>>, vector<16xf32>,
        %mul3A_1079 = arith.mulf %gather3A_275, %get3A_1078 : vector<16xf32>
        %add3A_1080 = arith.constant 3 : i32
        %add3A_1081 = arith.addi %mul3A_261, %add3A_1080 : i32
        %get3A_1082 = arith.index_cast %add3A_1081 : i32 to index
        %get3A_1083 = arith.constant 464 : index
        %get3A_1084 = tpu.vector_load %arg6[%get3A_1082, %get3A_1083] {strides = array<i32>} : memref<48x512xf32, #tpu.memory_space<vmem>>, vector<16xf32>,
        %mul3A_1085 = arith.mulf %gather3A_280, %get3A_1084 : vector<16xf32>
        %add3A_1086 = arith.addf %mul3A_1079, %mul3A_1085 : vector<16xf32>
        %add3A_1087 = arith.addf %add3A_1073, %add3A_1086 : vector<16xf32>
        %swap3A_1088 = arith.constant 464 : index
        %swap3A_1089 = tpu.vector_load %arg9[%swap3A_1088] {strides = array<i32>} : memref<512xf32, #tpu.memory_space<vmem>>, vector<16xf32>,
        tpu.vector_store %arg9[%swap3A_1088], %add3A_1087 {add = true, strides = array<i32>} : memref<512xf32, #tpu.memory_space<vmem>>, vector<16xf32>,
        %get3A_1090 = arith.index_cast %mul3A_261 : i32 to index
        %get3A_1091 = arith.constant 480 : index
        %get3A_1092 = tpu.vector_load %arg6[%get3A_1090, %get3A_1091] {strides = array<i32>} : memref<48x512xf32, #tpu.memory_space<vmem>>, vector<16xf32>,
        %mul3A_1093 = arith.mulf %gather3A, %get3A_1092 : vector<16xf32>
        %add3A_1094 = arith.constant 1 : i32
        %add3A_1095 = arith.addi %mul3A_261, %add3A_1094 : i32
        %get3A_1096 = arith.index_cast %add3A_1095 : i32 to index
        %get3A_1097 = arith.constant 480 : index
        %get3A_1098 = tpu.vector_load %arg6[%get3A_1096, %get3A_1097] {strides = array<i32>} : memref<48x512xf32, #tpu.memory_space<vmem>>, vector<16xf32>,
        %mul3A_1099 = arith.mulf %gather3A_270, %get3A_1098 : vector<16xf32>
        %add3A_1100 = arith.addf %mul3A_1093, %mul3A_1099 : vector<16xf32>
        %add3A_1101 = arith.constant 2 : i32
        %add3A_1102 = arith.addi %mul3A_261, %add3A_1101 : i32
        %get3A_1103 = arith.index_cast %add3A_1102 : i32 to index
        %get3A_1104 = arith.constant 480 : index
        %get3A_1105 = tpu.vector_load %arg6[%get3A_1103, %get3A_1104] {strides = array<i32>} : memref<48x512xf32, #tpu.memory_space<vmem>>, vector<16xf32>,
        %mul3A_1106 = arith.mulf %gather3A_275, %get3A_1105 : vector<16xf32>
        %add3A_1107 = arith.constant 3 : i32
        %add3A_1108 = arith.addi %mul3A_261, %add3A_1107 : i32
        %get3A_1109 = arith.index_cast %add3A_1108 : i32 to index
        %get3A_1110 = arith.constant 480 : index
        %get3A_1111 = tpu.vector_load %arg6[%get3A_1109, %get3A_1110] {strides = array<i32>} : memref<48x512xf32, #tpu.memory_space<vmem>>, vector<16xf32>,
        %mul3A_1112 = arith.mulf %gather3A_280, %get3A_1111 : vector<16xf32>
        %add3A_1113 = arith.addf %mul3A_1106, %mul3A_1112 : vector<16xf32>
        %add3A_1114 = arith.addf %add3A_1100, %add3A_1113 : vector<16xf32>
        %swap3A_1115 = arith.constant 480 : index
        %swap3A_1116 = tpu.vector_load %arg9[%swap3A_1115] {strides = array<i32>} : memref<512xf32, #tpu.memory_space<vmem>>, vector<16xf32>,
        tpu.vector_store %arg9[%swap3A_1115], %add3A_1114 {add = true, strides = array<i32>} : memref<512xf32, #tpu.memory_space<vmem>>, vector<16xf32>,
        %get3A_1117 = arith.index_cast %mul3A_261 : i32 to index
        %get3A_1118 = arith.constant 496 : index
        %get3A_1119 = tpu.vector_load %arg6[%get3A_1117, %get3A_1118] {strides = array<i32>} : memref<48x512xf32, #tpu.memory_space<vmem>>, vector<16xf32>,
        %mul3A_1120 = arith.mulf %gather3A, %get3A_1119 : vector<16xf32>
        %add3A_1121 = arith.constant 1 : i32
        %add3A_1122 = arith.addi %mul3A_261, %add3A_1121 : i32
        %get3A_1123 = arith.index_cast %add3A_1122 : i32 to index
        %get3A_1124 = arith.constant 496 : index
        %get3A_1125 = tpu.vector_load %arg6[%get3A_1123, %get3A_1124] {strides = array<i32>} : memref<48x512xf32, #tpu.memory_space<vmem>>, vector<16xf32>,
        %mul3A_1126 = arith.mulf %gather3A_270, %get3A_1125 : vector<16xf32>
        %add3A_1127 = arith.addf %mul3A_1120, %mul3A_1126 : vector<16xf32>
        %add3A_1128 = arith.constant 2 : i32
        %add3A_1129 = arith.addi %mul3A_261, %add3A_1128 : i32
        %get3A_1130 = arith.index_cast %add3A_1129 : i32 to index
        %get3A_1131 = arith.constant 496 : index
        %get3A_1132 = tpu.vector_load %arg6[%get3A_1130, %get3A_1131] {strides = array<i32>} : memref<48x512xf32, #tpu.memory_space<vmem>>, vector<16xf32>,
        %mul3A_1133 = arith.mulf %gather3A_275, %get3A_1132 : vector<16xf32>
        %add3A_1134 = arith.constant 3 : i32
        %add3A_1135 = arith.addi %mul3A_261, %add3A_1134 : i32
        %get3A_1136 = arith.index_cast %add3A_1135 : i32 to index
        %get3A_1137 = arith.constant 496 : index
        %get3A_1138 = tpu.vector_load %arg6[%get3A_1136, %get3A_1137] {strides = array<i32>} : memref<48x512xf32, #tpu.memory_space<vmem>>, vector<16xf32>,
        %mul3A_1139 = arith.mulf %gather3A_280, %get3A_1138 : vector<16xf32>
        %add3A_1140 = arith.addf %mul3A_1133, %mul3A_1139 : vector<16xf32>
        %add3A_1141 = arith.addf %add3A_1127, %add3A_1140 : vector<16xf32>
        %swap3A_1142 = arith.constant 496 : index
        %swap3A_1143 = tpu.vector_load %arg9[%swap3A_1142] {strides = array<i32>} : memref<512xf32, #tpu.memory_space<vmem>>, vector<16xf32>,
        tpu.vector_store %arg9[%swap3A_1142], %add3A_1141 {add = true, strides = array<i32>} : memref<512xf32, #tpu.memory_space<vmem>>, vector<16xf32>,
      }
      %scan3A_258 = arith.constant 12 : i32
    }
    %scan3A_187 = arith.constant 2 : i32
    %mul3A_188 = arith.constant 16 : i32
    %mul3A_189 = arith.muli %select_n3A_30, %mul3A_188 : i32
    %add3A_190 = arith.addi %mul3A_189, %add3A : i32
    %mul3A_191 = arith.constant 512 : i32
    %mul3A_192 = arith.muli %add3A_190, %mul3A_191 : i32
    "tpu.region"() ({
      %run_scoped3A = tpu.sem_alloc : memref<!tpu.dma_semaphore, #tpu.memory_space<semaphore_mem>>
      %dma_start3A_193 = tpu.memref_slice %arg4[%mul3A_192] : memref<16384xf32, #tpu.memory_space<hbm>> -> memref<512xf32, #tpu.memory_space<hbm>>
      %dma_start3A_194 = tpu.memref_slice %arg4[%mul3A_192] : memref<16384xf32, #tpu.memory_space<hbm>> -> memref<512xf32, #tpu.memory_space<hbm>>
      tpu.enqueue_dma source(%arg9 : memref<512xf32, #tpu.memory_space<vmem>>) target(%dma_start3A_194 : memref<512xf32, #tpu.memory_space<hbm>>) target_semaphore(%run_scoped3A : memref<!tpu.dma_semaphore, #tpu.memory_space<semaphore_mem>>)
      %dma_wait3A = tpu.memref_slice %arg4[%mul3A_192] : memref<16384xf32, #tpu.memory_space<hbm>> -> memref<512xf32, #tpu.memory_space<hbm>>
      %dma_wait3A_195 = tpu.memref_slice %arg4[%mul3A_192] : memref<16384xf32, #tpu.memory_space<hbm>> -> memref<512xf32, #tpu.memory_space<hbm>>
      tpu.wait_dma2 semaphore(%run_scoped3A : memref<!tpu.dma_semaphore, #tpu.memory_space<semaphore_mem>>) src(%arg9 : memref<512xf32, #tpu.memory_space<vmem>>) dst(%dma_wait3A_195 : memref<512xf32, #tpu.memory_space<hbm>>)
      tpu.yield
    }) : () -> ()
    return
  }
}

module attributes {stable_mosaic.version = 14 : i64} {
  func.func @_add_body(%arg0: memref<2x16x512xf32, #tpu.memory_space<vmem>>, %arg1: memref<16x1x512xf32, #tpu.memory_space<vmem>>, %arg2: memref<16x512xf32, #tpu.memory_space<vmem>>) attributes {dimension_semantics = [], scalar_prefetch = 0 : i64, scratch_operands = 0 : i64, tpu.core_type = #tpu.core_type<tc>} {
    %get3A = arith.constant 0 : index
    %get3A_0 = arith.constant 0 : index
    %get3A_1 = arith.constant 0 : index
    %get3A_2 = vector.load %arg0[%get3A, %get3A_0, %get3A_1] : memref<2x16x512xf32, #tpu.memory_space<vmem>>, vector<1x16x512xf32>
    %get3A_3 = vector.shape_cast %get3A_2 : vector<1x16x512xf32> to vector<16x512xf32>
    %get3A_4 = arith.constant 1 : index
    %get3A_5 = arith.constant 0 : index
    %get3A_6 = arith.constant 0 : index
    %get3A_7 = vector.load %arg0[%get3A_4, %get3A_5, %get3A_6] : memref<2x16x512xf32, #tpu.memory_space<vmem>>, vector<1x16x512xf32>
    %get3A_8 = vector.shape_cast %get3A_7 : vector<1x16x512xf32> to vector<16x512xf32>
    %add3A = arith.addf %get3A_3, %get3A_8 : vector<16x512xf32>
    %get3A_9 = arith.constant 0 : index
    %get3A_10 = arith.constant 0 : index
    %get3A_11 = arith.constant 0 : index
    %get3A_12 = vector.load %arg1[%get3A_9, %get3A_10, %get3A_11] : memref<16x1x512xf32, #tpu.memory_space<vmem>>, vector<16x1x512xf32>
    %reshape3A = vector.shape_cast %get3A_12 : vector<16x1x512xf32> to vector<16x512xf32>
    %add3A_13 = arith.addf %add3A, %reshape3A : vector<16x512xf32>
    %swap3A = arith.constant 0 : index
    %swap3A_14 = arith.constant 0 : index
    %swap3A_15 = vector.load %arg2[%swap3A, %swap3A_14] : memref<16x512xf32, #tpu.memory_space<vmem>>, vector<16x512xf32>
    tpu.vector_store %arg2[%swap3A, %swap3A_14], %add3A_13 {strides = array<i32>} : memref<16x512xf32, #tpu.memory_space<vmem>>, vector<16x512xf32>,
    return
  }
}

module attributes {stable_mosaic.version = 14 : i64} {
  func.func @_tc_body(%arg0: i32, %arg1: memref<16x2048xi32, #tpu.memory_space<vmem>>, %arg2: memref<1x1664x512xf32, #tpu.memory_space<vmem>>, %arg3: memref<1x1x512xf32, #tpu.memory_space<vmem>>) attributes {dimension_semantics = [#tpu.dimension_semantics<arbitrary>], iteration_bounds = array<i64: 16>, scalar_prefetch = 0 : i64, scratch_operands = 0 : i64, tpu.core_type = #tpu.core_type<tc>, window_params = [{pipeline_mode = #tpu.pipeline_mode<synchronous>, transform_indices = @transform_0, window_bounds = array<i64: 16, 2048>}, {transform_indices = @transform_1, window_bounds = array<i64: 1, 1664, 512>}, {transform_indices = @transform_2, window_bounds = array<i64: 1, 1, 512>}]} {
    %get3A = arith.index_cast %arg0 : i32 to index
    %get3A_0 = arith.constant 0 : index
    %get3A_1 = vector.load %arg1[%get3A, %get3A_0] : memref<16x2048xi32, #tpu.memory_space<vmem>>, vector<1x1664xi32>
    %ne3A = arith.constant 5 : i32
    %ne3A_2 = vector.broadcast %ne3A : i32 to vector<1x1664xi32>
    %ne3A_3 = arith.cmpi ne, %get3A_1, %ne3A_2 : vector<1x1664xi32>
    %convert_element_type3A = arith.extui %ne3A_3 : vector<1x1664xi1> to vector<1x1664xi32>
    %convert_element_type3A_4 = arith.sitofp %convert_element_type3A : vector<1x1664xi32> to vector<1x1664xf32>
    %reshape3A = vector.shape_cast %convert_element_type3A_4 : vector<1x1664xf32> to vector<1664x1xf32>
    %get3A_5 = arith.constant 0 : index
    %get3A_6 = arith.constant 0 : index
    %get3A_7 = arith.constant 0 : index
    %get3A_8 = vector.load %arg2[%get3A_5, %get3A_6, %get3A_7] : memref<1x1664x512xf32, #tpu.memory_space<vmem>>, vector<1x1664x512xf32>
    %get3A_9 = vector.shape_cast %get3A_8 : vector<1x1664x512xf32> to vector<1664x512xf32>
    %mul3A = vector.broadcast %reshape3A : vector<1664x1xf32> to vector<1664x512xf32>
    %mul3A_10 = arith.mulf %get3A_9, %mul3A : vector<1664x512xf32>
    %reduce_sum3A = arith.constant dense<0.000000e+00> : vector<512xf32>
    %reduce_sum3A_11 = vector.multi_reduction <add>, %mul3A_10, %reduce_sum3A [0] : vector<1664x512xf32> to vector<512xf32>
    %broadcast_in_dim3A = vector.shape_cast %reduce_sum3A_11 : vector<512xf32> to vector<1x512xf32>
    %reshape3A_12 = vector.shape_cast %broadcast_in_dim3A : vector<1x512xf32> to vector<1x1x512xf32>
    %swap3A = arith.constant 0 : index
    %swap3A_13 = arith.constant 0 : index
    %swap3A_14 = arith.constant 0 : index
    %swap3A_15 = vector.load %arg3[%swap3A, %swap3A_13, %swap3A_14] : memref<1x1x512xf32, #tpu.memory_space<vmem>>, vector<1x1x512xf32>
    tpu.vector_store %arg3[%swap3A, %swap3A_13, %swap3A_14], %reshape3A_12 {strides = array<i32>} : memref<1x1x512xf32, #tpu.memory_space<vmem>>, vector<1x1x512xf32>,
    return
  }
  func.func @transform_0(%arg0: i32) -> (i32, i32) {
    %c0_i32 = arith.constant 0 : i32
    %c0_i32_0 = arith.constant 0 : i32
    %c0_i32_1 = arith.constant 0 : i32
    return %c0_i32, %c0_i32_0 : i32, i32
  }
  func.func @transform_1(%arg0: i32) -> (i32, i32, i32) {
    %c0_i32 = arith.constant 0 : i32
    %c0_i32_0 = arith.constant 0 : i32
    %c0_i32_1 = arith.constant 0 : i32
    return %arg0, %c0_i32, %c0_i32_0 : i32, i32, i32
  }
  func.func @transform_2(%arg0: i32) -> (i32, i32, i32) {
    %c0_i32 = arith.constant 0 : i32
    %c0_i32_0 = arith.constant 0 : i32
    %c0_i32_1 = arith.constant 0 : i32
    return %arg0, %c0_i32, %c0_i32_0 : i32, i32, i32
  }
}

</mosaic_0001>

<sc_bundles>
// kernel: kernel.5.cloned.1.call-start
scs
__scs_entry_jumppad:
0x0: {  	(pc) =	sbr.rel $0x88, $3  }
0x1: {  	(tag) =	ssettag $0x0;
	lr =	simm.s32 $0x1  }
0x2: {  	[smem:$0x3F9F] =	sst lr;
	_ =	strace $0xD0000000  }
0x3: {  	_ = 	snop  }
0x4: {  	_ = 	snop  }
0x5: {  	_ = 	snop  }
0x6: {  	_ = 	snop  }
0x7: {  	_ = 	snop  }
__scs_overlays_trampoline_lowered:
0x8: {  	[smem:$0x3FAE] =	sst s0  }
0x9: {  	[smem:$0x3FAF] =	sst s1  }
0xa: {  	[smem:$0x3FB0] =	sst s2  }
0xb: {  	[smem:$0x3FB1] =	sst s3  }
0xc: {  	[smem:$0x3FB2] =	sst s4  }
0xd: {  	[smem:$0x3FB3] =	sst s5  }
0xe: {  	[smem:$0x3FB4] =	sst s6  }
0xf: {  	[smem:$0x3FB5] =	sst s7  }
0x10: {  	[smem:$0x3FB6] =	sst s8  }
0x11: {  	[smem:$0x3FB7] =	sst s9;
	s0 =	simm.s32 @!p0 $0x0  }
0x12: {  	s1 =	sld [smem:$0x3F9D];
	s0 =	simm.s32 @p0 $0x1  }
0x13: {  	[smem:$0x3FB8] =	sst s0;
	s0 =	simm.s32 @!p1 $0x0  }
0x14: {  	s2 =	sld [smem:$0x3F9C];
	s0 =	simm.s32 @p1 $0x1  }
0x15: {  	[smem:$0x3FB9] =	sst s0;
	s0 =	simm.s32 @!p2 $0x0  }
0x16: {  	s3 =	sld [smem:$0x3FDB];
	s0 =	simm.s32 @p2 $0x1  }
0x17: {  	s4 =	simm.s32 $0x1BF5;
	[smem:$0x3FBB] =	sst s0  }
0x18: {  	s0 =	sld [smem:$0x3F9E];
	_ =	swait.ge [sflag:s4], $0x0  }
0x19: {  	s7 =	sld [smem:$0x3F9F]  }
0x1a: {  	s8 =	sadd.s32 $0xFFFFE003, lr  }
0x1b: {  	s9 =	sadd.s32 $0xFFFFFEF7, lr;
	s5 =	simm.s32 $0xFFFFFFFF;
	p2 =	slt.u32 s8, $0xFFFFF086  }
0x1c: {  	p1 =	slt.u32 s9, $0xF7A;
	s5 =	simm.s32 @!p2 $0x0  }
0x1d: {  	s5 =	simm.s32 @p1 $0x1;
	p0 =	seq.s32 s7, s2  }
0x1e: {  	s7 =	smul.u32 @!p0 $0xF7A, s2;
	p2 =	seq.s32 @!p0 s5, $0x0  }
0x1f: {  	s9 =	smul.u32 $0xF7A, s1;
	s8 =	simm.s32 @!p0 $0x1BF5;
	p2 =	por !p2, p0  }
0x20: {  	[sflag:s8] =	ssyncset.s32 @!p0 $0xFFFFF086;
	s6 =	sadd.s32 @!p0 s3, s7;
	s7 =	simm.s32 @!p0 $0x108  }
0x21: {  	s3 =	sadd.s32 s3, s9;
	s6 =	sadd.s32 @!p0 $0x88, s6;
	s7 =	simm.s32 @p2 $0x1082  }
0x22: {  	[simem:s7], [sflag:s8] =	dma.local @!p0 [hbm:s6], $0xF7A  }
0x23: {  	s9 =	sor.u32 $0xD0000000, s2;
	s6 =	simm.s32 $0x108;
	_ =	swait.ge @!p0 [sflag:s8], $0x0  }
0x24: {  	s3 =	sadd.s32 $0x88, s3;
	s6 =	simm.s32 @!p1 $0x1082;
	[sflag:s4] =	ssyncset.s32 $0xFFFFF086  }
0x25: {  	[simem:s6], [sflag:s4] =	dma.local [hbm:s3], $0xF7A  }
0x26: {  	[smem:$0x3F9F] =	sst s1;
	(tag) =	ssettag s2;
	_ =	strace s9  }
0x27: {  	s1 =	sld [smem:$0x3FAF]  }
0x28: {  	s2 =	sld [smem:$0x3FB0]  }
0x29: {  	s4 =	sld [smem:$0x3FB2]  }
0x2a: {  	p0 =	seq.s32 s5, $0x0;
	s5 =	sld [smem:$0x3FB3]  }
0x2b: {  	s6 =	sld [smem:$0x3FB4]  }
0x2c: {  	s7 =	sld [smem:$0x3FB5]  }
0x2d: {  	s3 =	simm.s32 $0x108;
	s8 =	sld [smem:$0x3FB6]  }
0x2e: {  	s3 =	simm.s32 @!p0 $0x1082;
	s9 =	sld [smem:$0x3FB7]  }
0x2f: {  	lr =	sadd.s32 s0, s3;
	s0 =	sld [smem:$0x3FAE]  }
0x30: {  	s3 =	sld [smem:$0x3FB1]  }
0x31: {  	[smem:$0x3FBA] =	sst s10  }
0x32: {  	s10 =	sld [smem:$0x3FB8];
	_ =	sdelay $0x3  }
0x33: {  	p0 =	seq.s32 s10, $0x1;
	s10 =	sld [smem:$0x3FBA];
	_ =	sdelay $0x3  }
0x34: {  	[smem:$0x3FBA] =	sst s10  }
0x35: {  	s10 =	sld [smem:$0x3FB9];
	_ =	sdelay $0x3  }
0x36: {  	p1 =	seq.s32 s10, $0x1;
	s10 =	sld [smem:$0x3FBA];
	_ =	sdelay $0x3  }
0x37: {  	[smem:$0x3FBA] =	sst s10  }
0x38: {  	s10 =	sld [smem:$0x3FBB]  }
0x39: {  	_ = 	snop;
	(pc) =	sbr.ind lr, $3  }
0x3a: {  	_ = 	snop  }
0x3b: {  	_ = 	snop  }
0x3c: {  	p2 =	seq.s32 s10, $0x1;
	s10 =	sld [smem:$0x3FBA]  }
0x3d: {  	_ =	shalt  }
0x3e: {  	_ =	shalt  }
0x3f: {  	_ =	shalt  }
0x40: {  	_ =	shalt  }
0x41: {  	_ =	shalt  }
0x42: {  	_ =	shalt  }
0x43: {  	_ =	shalt  }
0x44: {  	_ =	shalt  }
0x45: {  	_ =	shalt  }
0x46: {  	_ =	shalt  }
0x47: {  	_ =	shalt  }
0x48: {  	_ =	shalt  }
0x49: {  	_ =	shalt  }
0x4a: {  	_ =	shalt  }
0x4b: {  	_ =	shalt  }
0x4c: {  	_ =	shalt  }
0x4d: {  	_ =	shalt  }
0x4e: {  	_ =	shalt  }
0x4f: {  	_ =	shalt  }
0x50: {  	_ =	shalt  }
0x51: {  	_ =	shalt  }
0x52: {  	_ =	shalt  }
0x53: {  	_ =	shalt  }
0x54: {  	_ =	shalt  }
0x55: {  	_ =	shalt  }
0x56: {  	_ =	shalt  }
0x57: {  	_ =	shalt  }
0x58: {  	_ =	shalt  }
0x59: {  	_ =	shalt  }
0x5a: {  	_ =	shalt  }
0x5b: {  	_ =	shalt  }
0x5c: {  	_ =	shalt  }
0x5d: {  	_ =	shalt  }
0x5e: {  	_ =	shalt  }
0x5f: {  	_ =	shalt  }
0x60: {  	_ =	shalt  }
0x61: {  	_ =	shalt  }
0x62: {  	_ =	shalt  }
0x63: {  	_ =	shalt  }
0x64: {  	_ =	shalt  }
0x65: {  	_ =	shalt  }
0x66: {  	_ =	shalt  }
0x67: {  	_ =	shalt  }
0x68: {  	_ =	shalt  }
0x69: {  	_ =	shalt  }
0x6a: {  	_ =	shalt  }
0x6b: {  	_ =	shalt  }
0x6c: {  	_ =	shalt  }
0x6d: {  	_ =	shalt  }
0x6e: {  	_ =	shalt  }
0x6f: {  	_ =	shalt  }
0x70: {  	_ =	shalt  }
0x71: {  	_ =	shalt  }
0x72: {  	_ =	shalt  }
0x73: {  	_ =	shalt  }
0x74: {  	_ =	shalt  }
0x75: {  	_ =	shalt  }
0x76: {  	_ =	shalt  }
0x77: {  	_ =	shalt  }
0x78: {  	_ =	shalt  }
0x79: {  	_ =	shalt  }
0x7a: {  	_ =	shalt  }
0x7b: {  	_ =	shalt  }
0x7c: {  	_ =	shalt  }
0x7d: {  	_ =	shalt  }
0x7e: {  	_ =	shalt  }
0x7f: {  	_ =	shalt  }
0x80: {  	_ =	shalt  }
0x81: {  	_ =	shalt  }
0x82: {  	_ =	shalt  }
0x83: {  	_ =	shalt  }
0x84: {  	_ =	shalt  }
0x85: {  	_ =	shalt  }
0x86: {  	_ =	shalt  }
0x87: {  	_ =	shalt  }
.Lfunc_end0:
.L_simem_size_0:
called_computation_lowered:
.L_overlay_start_0:
0x88: {  	s2 =	sld [smem:$0x3FD9]  }
0x89: {  	s3 =	sld [smem:$0x3FFE];
	_ =	sdelay $0x1  }
0x8a: {  	s1 =	srdreg.scid  }
0x8b: {  	s0 =	sand.u32 $0x1, s1  }
0x8c: {  	s17 =	sshll.u32 s0, $0xA;
	s2 =	sadd.s32 s3, s2  }
0x8d: {  	s2 =	sadd.s32 s2, s17  }
0x8e: {  	[smem:$0x3FC6] =	sst s2  }
0x8f: {  	_ = 	snop  }
0x90: {  	s2 =	sld [smem:$0x3FC9];
	(tm) =	ssettm $0x1  }
0x91: {  	s18 =	sld [smem:$0x3FFB];
	_ =	sdelay $0x3  }
0x92: {  	_ =	strace s18  }
0x93: {  	s3 =	sld [smem:$0x3FFC];
	_ =	sdelay $0x3  }
0x94: {  	_ =	strace s3  }
0x95: {  	s3 =	sld [smem:$0x3FFD];
	_ =	sdelay $0x3  }
0x96: {  	_ =	strace s3  }
0x97: {  	_ =	strace $0x8FFFFFFF  }
0x98: {  	s19 =	sld [smem:$0x3FDB];
	_ =	sdelay $0x1  }
0x99: {  	s4 =	simm.s32 $_scs_section_size  }
0x9a: {  	s5 =	simm.s32 $_size__tile_overlayer_lowered;
	s6 =	simm.s32 $_tile_overlayer_lowered  }
0x9b: {  	s22 =	simm.s32 $0x1BFF;
	s21 =	sshll.u32 s6, $0x1;
	s3 =	sadd.s32 s4, s19  }
0x9c: {  	s7 =	simm.s32 $0x0;
	s20 =	sshll.u32 s5, $0x1;
	s5 =	sadd.s32 s21, s3  }
0x9d: {  	[timem:s7], [sflag:s22] =	dma.local [hbm:s5], s20  }
0x9e: {  	_ =	swait.ge [sflag:s22], s20  }
0x9f: {  	s4 =	ssub.s32 $0x0, s20;
	[sflag:s22] =	ssyncset.done $0x0  }
0xa0: {  	[sflag:s22] =	ssyncadd.s32 s4;
	_ =	sdelay $0x1  }
0xa1: {  	s23 =	simm.s32 $0x1B8B  }
0xa2: {  	_ =	swait.ge [sflag:s23], $0x1  }
0xa3: {  	[sflag:s23] =	ssyncset.done $0x0  }
0xa4: {  	s25 =	simm.s32 $0x1B8E;
	s24 =	sld [smem:$0x3FFE];
	[sflag:s23] =	ssyncadd.s32 $0xFFFFFFFF  }
0xa5: {  	s26 =	simm.s32 $execute0_lowered;
	[smem:$0x3FD2] =	sst s25  }
0xa6: {  	s5 =	sshll.u32 s26, $0x1;
	_ =	strace $0x80000046;
	[dreg:$0x1] =	wrdreg $0xFFFFFFFF  }
0xa7: {  	s28 =	simm.s32 $_size_execute0_lowered;
	s3 =	sadd.s32 s3, s5;
	[dreg:$0x0] =	wrdreg $0x0  }
0xa8: {  	s5 =	sshll.u32 s28, $0x1;
	[dreg:$0x2] =	wrdreg s3  }
0xa9: {  	[dreg:$0x3] =	wrdreg s5  }
0xaa: {  	[dreg:$0x4] =	wrdreg $0xC0  }
0xab: {  	_ =	task [dreg:s7], $0x5FFFF  }
0xac: {  	[dreg:$0x1] =	wrdreg $0xFFFFFFFF  }
0xad: {  	[dreg:$0x0] =	wrdreg $0x60  }
0xae: {  	[dreg:$0x2] =	wrdreg s2  }
0xaf: {  	[dreg:$0x3] =	wrdreg s24  }
0xb0: {  	[dreg:$0x4] =	wrdreg $0x9  }
0xb1: {  	_ =	task.clear_ibuf [dreg:s7], $0x5FFFF;
	_ =	strace $0x90000046  }
0xb2: {  	s29 =	simm.s32 $0x9;
	_ =	strace $0x80000048  }
0xb3: {  	_ =	swait.ge [sflag:s29], $0x1  }
0xb4: {  	[sflag:s29] =	ssyncadd.s32 $0xFFFFFFFF  }
0xb5: {  	_ =	strace $0x90000048  }
0xb6: {  	_ =	sfence  }
0xb7: {  	s30 =	sld [smem:$0x0];
	_ =	sdelay $0x2  }
0xb8: {  	s31 =	sshll.u32 s1, $0xD;
	s1 =	sshrl.u32 s1, $0x2  }
0xb9: {  	s3 =	sand.u32 $0x4000, s31;
	s1 =	sadd.s32 s1, s30  }
0xba: {  	s0 =	sor.u32 s3, s0;
	s1 =	sshll.u32 s1, $0x11  }
0xbb: {  	s0 =	sor.u32 s1, s0  }
0xbc: {  	s0 =	sadd.s32 $0x8F2B, s0  }
0xbd: {  	[sflag:s0] =	ssyncadd.remote.s32 $0x1  }
0xbe: {  	_ =	sfence.sel $0xFFFF  }
0xbf: {  	[dreg:$0x0] =	wrdreg $0xFFFFFFFF;
	(pc) =	sbr.abs _section_cstart, $3  }
0xc0: {  	[dreg:$0x1] =	wrdreg $0xFFFFFFFF  }
0xc1: {  	_ =	task.clear_ibuf [dreg:s7], $0x2FFFF;
	_ =	strace $0x9FFFFFFF  }
0xc2: {  	(tm) =	ssettm $0x7FFFFFFF  }
0xc3: {  	_ =	shalt  }
tec
execute0_lowered:
.L_overlay_start_1:
0x0: {  	(tag) =	ssettag $0x1  }
0x1: {  	s0 =	rddreg [dreg:$0x0]  }
0x2: {  	s1 =	srdreg.scid;
	s5 =	stileid.u32  }
0x3: {  	s2 =	rddreg [dreg:$0x1];
	s17 =	simm.s32 $0x0;
	s14 =	simm.s32 $0xC100  }
0x4: {  	s10 =	simm.s32 $0xC290;
	s9 =	simm.s32 $0xC2D0;
	s12 =	simm.s32 $0xC2F0  }
0x5: {  	s11 =	simm.s32 $0xC350;
	s13 =	simm.s32 $0xC360;
	s15 =	simm.s32 $0xC370  }
0x6: {  	s16 =	simm.s32 $0xC380;
	s28 =	simm.s32 $0xC3B0;
	s29 =	simm.s32 $0xC3C0  }
0x7: {  	s30 =	simm.s32 $0xC3D0;
	s31 =	simm.s32 $0xC3E0;
	s1 =	sand.u32 $0x1, s1  }
0x8: {  	s3 =	sand.u32 $0x1, s5;
	s5 =	sshrl.u32 s5, $0x1;
	[smem:$0x7FF] =	sst s17  }
0x9: {  	s4 =	sshll.u32 s1, $0x3;
	s6 =	smul.u32 $0xC0, s3;
	_ =	strace $0x80000047  }
0xa: {  	s1 =	ssub.s32 $0x2, s1;
	s19 =	sshll.u32 s3, $0xA;
	s3 =	smul.u32 $0x3000, s3  }
0xb: {  	s4 =	sor.u32 s5, s4;
	s7 =	sshrl.u32 s1, $0x1;
	s8 =	sadd.s32 $0x680, s6  }
0xc: {  	s5 =	sshll.u32 s4, $0xB;
	s1 =	ssub.s32 s1, s7;
	s20 =	sshll.u32 s4, $0x11  }
0xd: {  	s4 =	sshll.u32 s4, $0x6;
	s3 =	sadd.s32 $0x1B800, s3;
	s6 =	simm.s32 $0xC310  }
0xe: {  	s7 =	simm.s32 $0xC320;
	s5 =	sor.u32 s8, s5;
	s21 =	sadd.s32 s0, s20  }
0xf: {  	[dreg:$0x3] =	wrdreg s8;
	s23 =	sshll.u32 s8, $0x6;
	s24 =	smax.u32 s1, $0x1  }
0x10: {  	s20 =	simm.s32 $0x3;
	s1 =	simm.s32 $0xC2B0;
	s8 =	simm.s32 $0xC2E0  }
0x11: {  	s5 =	sshrl.u32 s5, $0x3;
	[dreg:$0x7] =	wrdreg s24;
	s25 =	sadd.s32 s23, s21  }
0x12: {  	[dreg:$0x5] =	wrdreg s21;
	s26 =	sadd.s32 s3, s21;
	s23 =	simm.s32 $0xC210  }
0x13: {  	s24 =	simm.s32 $0xC220;
	s3 =	simm.s32 $0xC330;
	[dreg:$0x8] =	wrdreg s25  }
0x14: {  	s5 =	sadd.s32 s5, s2;
	s2 =	sadd.s32 s19, s2;
	[dreg:$0x9] =	wrdreg s26  }
0x15: {  	s25 =	simm.s32 $0xC390;
	s26 =	simm.s32 $0xC3A0;
	s5 =	sadd.s32 $0x600, s5  }
0x16: {  	s22 =	sadd.s32 s4, s2;
	s2 =	simm.s32 $0xC2A0;
	s4 =	simm.s32 $0xC300  }
0x17: {  	[dreg:$0x4] =	wrdreg s5;
	s0 =	sadd.s32 $0x1600, s22;
	s22 =	simm.s32 $0xC200  }
0x18: {  	v0 =	vimm.f32 $1.000000000e+00;
	v1 =	vimm.f32 $0.0e+00;
	s5 =	simm.s32 $0xC340;
	[dreg:$0x6] =	wrdreg s0;
	s0 =	simm.s32 $0x0  }
.LBB2_1:
0x19: {  	[dreg:$0xa] =	wrdreg s0  }
0x1a: {  	s18 =	rddreg [dreg:$0x4];
	s19 =	simm.s32 $0xC000  }
0x1b: {  	[tilespmem:s19], [sflag:$0x3] =	stream.linear.gather [hbm4b:s18+s17], $0xC0, $0x38;
	[tilespmem:$0xC400] =	vst v63  }
0x1c: {  	_ =	swait.ge [sflag:s20], $0xC0  }
0x1d: {  	[sflag:s20] =	ssyncset.done $0x0  }
0x1e: {  	[sflag:s20] =	ssyncadd.s32 $0xFFFFFF40  }
0x1f: {  	[tilespmem:$0xC200] =	vst v1  }
0x20: {  	[tilespmem:$0xC210] =	vst v1  }
0x21: {  	[tilespmem:$0xC220] =	vst v1  }
0x22: {  	[tilespmem:$0xC230] =	vst v1  }
0x23: {  	[tilespmem:$0xC240] =	vst v1  }
0x24: {  	[tilespmem:$0xC250] =	vst v1  }
0x25: {  	[tilespmem:$0xC260] =	vst v1  }
0x26: {  	[tilespmem:$0xC270] =	vst v1  }
0x27: {  	[tilespmem:$0xC280] =	vst v1  }
0x28: {  	[tilespmem:$0xC290] =	vst v1  }
0x29: {  	[tilespmem:$0xC2A0] =	vst v1  }
0x2a: {  	[tilespmem:$0xC2B0] =	vst v1  }
0x2b: {  	[tilespmem:$0xC2C0] =	vst v1  }
0x2c: {  	[tilespmem:$0xC2D0] =	vst v1  }
0x2d: {  	[tilespmem:$0xC2E0] =	vst v1  }
0x2e: {  	[tilespmem:$0xC2F0] =	vst v1  }
0x2f: {  	[tilespmem:$0xC300] =	vst v1  }
0x30: {  	[tilespmem:$0xC310] =	vst v1  }
0x31: {  	[tilespmem:$0xC320] =	vst v1  }
0x32: {  	[tilespmem:$0xC330] =	vst v1  }
0x33: {  	[tilespmem:$0xC340] =	vst v1  }
0x34: {  	[tilespmem:$0xC350] =	vst v1  }
0x35: {  	[tilespmem:$0xC360] =	vst v1  }
0x36: {  	v2 =	vld [tilespmem:$0xC000];
	[tilespmem:$0xC370] =	vst v1  }
0x37: {  	v3 =	vld [tilespmem:$0xC010];
	[tilespmem:$0xC380] =	vst v1  }
0x38: {  	v4 =	vld [tilespmem:$0xC020];
	[tilespmem:$0xC390] =	vst v1  }
0x39: {  	v5 =	vld [tilespmem:$0xC030];
	[tilespmem:$0xC3A0] =	vst v1  }
0x3a: {  	v6 =	vld [tilespmem:$0xC040];
	[tilespmem:$0xC3B0] =	vst v1  }
0x3b: {  	v54 =	vld [tilespmem:$0xC070];
	[tilespmem:$0xC3C0] =	vst v1  }
0x3c: {  	v56 =	vld [tilespmem:$0xC080];
	[tilespmem:$0xC3D0] =	vst v1  }
0x3d: {  	[tilespmem:$0xC3E0] =	vst v1;
	vm0 =	veq.s32 v2, $0x5;
	v2 =	vld [tilespmem:$0xC050]  }
0x3e: {  	[tilespmem:$0xC3F0] =	vst v1;
	vm5 =	veq.s32 v3, $0x5;
	v3 =	vld [tilespmem:$0xC060];
	v7 =	vsel vm0, $0x0, v0  }
0x3f: {  	v58 =	vld [tilespmem:$0xC090];
	vm6 =	veq.s32 v4, $0x5;
	v53 =	vsel vm5, $0x0, v0;
	[tilespmem:$0xC100] =	vst v7  }
0x40: {  	vm7 =	veq.s32 v5, $0x5;
	v55 =	vsel vm6, $0x0, v0;
	[tilespmem:$0xC110] =	vst v53  }
0x41: {  	vm8 =	veq.s32 v6, $0x5;
	v57 =	vsel vm7, $0x0, v0;
	[tilespmem:$0xC120] =	vst v55  }
0x42: {  	vm11 =	veq.s32 v54, $0x5;
	v59 =	vsel vm8, $0x0, v0;
	[tilespmem:$0xC130] =	vst v57;
	vm9 =	veq.s32 v2, $0x5;
	v2 =	vld [tilespmem:$0xC0A0]  }
0x43: {  	vm12 =	veq.s32 v56, $0x5;
	v4 =	vsel vm11, $0x0, v0;
	[tilespmem:$0xC140] =	vst v59;
	vm10 =	veq.s32 v3, $0x5;
	v3 =	vld [tilespmem:$0xC0B0]  }
0x44: {  	vm13 =	veq.s32 v58, $0x5;
	v62 =	vsel vm12, $0x0, v0;
	[tilespmem:$0xC170] =	vst v4  }
0x45: {  	v63 =	vsel vm13, $0x0, v0;
	[tilespmem:$0xC180] =	vst v62  }
0x46: {  	[tilespmem:$0xC190] =	vst v63;
	v60 =	vsel vm9, $0x0, v0  }
0x47: {  	v61 =	vsel vm10, $0x0, v0;
	[tilespmem:$0xC150] =	vst v60;
	vm14 =	veq.s32 v2, $0x5  }
0x48: {  	[tilespmem:$0xC160] =	vst v61;
	vm15 =	veq.s32 v3, $0x5;
	v2 =	vsel vm14, $0x0, v0  }
0x49: {  	[tilespmem:$0xC1A0] =	vst v2;
	v2 =	vsel vm15, $0x0, v0  }
0x4a: {  	p1 =	por $0x1, $0x1;
	s0 =	simm.s32 $0x0;
	s21 =	rddreg [dreg:$0x8];
	[tilespmem:$0xC1B0] =	vst v2  }
0x4b: {  	[tilespmem:s17], [sflag:$0x1] =	stream.linear.gather [hbm4b:s21+s17], $0x6000, $0x38;
	[tilespmem:$0xC400] =	vst v63  }
.LBB2_3:
0x4c: {  	s17 =	rddreg [dreg:$0x3]  }
0x4d: {  	s17 =	sadd.s32 s17, s0  }
0x4e: {  	s18 =	rddreg [dreg:$0x5];
	s17 =	sshll.u32 s17, $0x6  }
0x4f: {  	s19 =	simm.s32 $0x6000;
	s17 =	sadd.s32 s18, s17  }
0x50: {  	s21 =	simm.s32 $0x1;
	s18 =	sadd.s32 $0xC00, s17;
	s17 =	simm.s32 $0x0  }
0x51: {  	[tilespmem:s19], [sflag:$0x2] =	stream.linear.gather [hbm4b:s18+s17], $0x6000, $0x38;
	[tilespmem:$0xC400] =	vst v63  }
0x52: {  	p0 =	por p1, p1;
	p1 =	por $0x0, $0x0;
	_ =	swait.ge [sflag:s21], $0x6000  }
0x53: {  	s18 =	sadd.s32 $0x3, s0;
	s19 =	simm.s32 $0x0;
	[sflag:s21] =	ssyncset.done $0x0  }
0x54: {  	[dreg:$0xb] =	wrdreg s0;
	s0 =	simm.s32 $0xC2C0;
	[sflag:s21] =	ssyncadd.s32 $0xFFFFA000  }
.LBB2_4:
0x55: {  	s20 =	sadd.s32 $0xFFFFFFFD, s18;
	s21 =	sadd.s32 $0xFFFFFFFE, s18  }
0x56: {  	v2 =	vmov s20;
	v3 =	vmov s21;
	s21 =	sadd.s32 $0xFFFFFFFF, s18  }
0x57: {  	s20 =	sand.u32 $0x7000, s19;
	v2 =	vand.u32 $0xFFFFFFFC, v2;
	v4 =	vmov s21;
	s21 =	sand.u32 $0x200, s17  }
0x58: {  	v5 =	vmov s18;
	v3 =	vand.u32 $0xFFFFFFFD, v3;
	v2 =	vbroadcast v2, $0x0;
	s20 =	sor.u32 s21, s20  }
0x59: {  	v3 =	vbroadcast v3, $0x0;
	v4 =	vand.u32 $0xFFFFFFFE, v4;
	v6 =	vld [tilespmem:s20+$0x0]  }
0x5a: {  	v4 =	vbroadcast v4, $0x0;
	v7 =	vld [tilespmem:s20+$0x80]  }
0x5b: {  	v8 =	vld [tilespmem:s20+$0x100]  }
0x5c: {  	v9 =	vld [tilespmem:s20+$0x180]  }
0x5d: {  	v5 =	vld.idx.msk [tilespmem:v5+s14+$0x0], $0xffff  }
0x5e: {  	v2 =	vld.idx.msk [tilespmem:v2+s14+$0x0], $0xffff  }
0x5f: {  	v3 =	vld.idx.msk [tilespmem:v3+s14+$0x0], $0xffff  }
0x60: {  	v4 =	vld.idx.msk [tilespmem:v4+s14+$0x0], $0xffff;
	_ =	sdelay $0x3  }
0x61: {  	v9 =	vmul.f32 v9, v5;
	v6 =	vmul.f32 v6, v2  }
0x62: {  	v7 =	vmul.f32 v7, v3;
	v8 =	vmul.f32 v8, v4;
	_ =	sdelay $0x1  }
0x63: {  	v6 =	vadd.f32 v7, v6;
	v44 =	vadd.f32 v9, v8;
	_ =	sdelay $0x1  }
0x64: {  	v6 =	vadd.f32 v44, v6;
	_ =	sdelay $0x1  }
0x65: {  	[tilespmem:s22+$0x0] =	vst.add.f32.msk $0xffff, v6  }
0x66: {  	v6 =	vld [tilespmem:s20+$0x10]  }
0x67: {  	v45 =	vld [tilespmem:s20+$0x90]  }
0x68: {  	v46 =	vld [tilespmem:s20+$0x110]  }
0x69: {  	v47 =	vld [tilespmem:s20+$0x190];
	_ =	sdelay $0x3  }
0x6a: {  	v6 =	vmul.f32 v6, v2;
	v7 =	vmul.f32 v45, v3  }
0x6b: {  	v8 =	vmul.f32 v46, v4;
	v9 =	vmul.f32 v47, v5;
	_ =	sdelay $0x1  }
0x6c: {  	v6 =	vadd.f32 v7, v6;
	v48 =	vadd.f32 v9, v8;
	_ =	sdelay $0x1  }
0x6d: {  	v6 =	vadd.f32 v48, v6;
	_ =	sdelay $0x1  }
0x6e: {  	[tilespmem:s23+$0x0] =	vst.add.f32.msk $0xffff, v6  }
0x6f: {  	v6 =	vld [tilespmem:s20+$0x20]  }
0x70: {  	v49 =	vld [tilespmem:s20+$0xA0]  }
0x71: {  	v50 =	vld [tilespmem:s20+$0x120]  }
0x72: {  	v51 =	vld [tilespmem:s20+$0x1A0];
	_ =	sdelay $0x3  }
0x73: {  	v6 =	vmul.f32 v6, v2;
	v7 =	vmul.f32 v49, v3  }
0x74: {  	v8 =	vmul.f32 v50, v4;
	v9 =	vmul.f32 v51, v5;
	_ =	sdelay $0x1  }
0x75: {  	v6 =	vadd.f32 v7, v6;
	v52 =	vadd.f32 v9, v8;
	_ =	sdelay $0x1  }
0x76: {  	v6 =	vadd.f32 v52, v6;
	_ =	sdelay $0x1  }
0x77: {  	[tilespmem:s24+$0x0] =	vst.add.f32.msk $0xffff, v6  }
0x78: {  	v6 =	vld [tilespmem:s20+$0x30]  }
0x79: {  	v53 =	vld [tilespmem:s20+$0xB0]  }
0x7a: {  	v54 =	vld [tilespmem:s20+$0x130]  }
0x7b: {  	v55 =	vld [tilespmem:s20+$0x1B0];
	_ =	sdelay $0x3  }
0x7c: {  	v6 =	vmul.f32 v6, v2;
	v7 =	vmul.f32 v53, v3  }
0x7d: {  	v8 =	vmul.f32 v54, v4;
	v9 =	vmul.f32 v55, v5;
	_ =	sdelay $0x1  }
0x7e: {  	v6 =	vadd.f32 v7, v6;
	v56 =	vadd.f32 v9, v8;
	_ =	sdelay $0x1  }
0x7f: {  	v6 =	vadd.f32 v56, v6  }
0x80: {  	s23 =	simm.s32 $0xC230  }
0x81: {  	[tilespmem:s23+$0x0] =	vst.add.f32.msk $0xffff, v6  }
0x82: {  	v6 =	vld [tilespmem:s20+$0x40]  }
0x83: {  	v57 =	vld [tilespmem:s20+$0xC0]  }
0x84: {  	v58 =	vld [tilespmem:s20+$0x140]  }
0x85: {  	v59 =	vld [tilespmem:s20+$0x1C0];
	_ =	sdelay $0x3  }
0x86: {  	v6 =	vmul.f32 v6, v2;
	v7 =	vmul.f32 v57, v3  }
0x87: {  	v8 =	vmul.f32 v58, v4;
	v9 =	vmul.f32 v59, v5;
	_ =	sdelay $0x1  }
0x88: {  	v6 =	vadd.f32 v7, v6;
	v60 =	vadd.f32 v9, v8;
	_ =	sdelay $0x1  }
0x89: {  	v6 =	vadd.f32 v60, v6  }
0x8a: {  	s24 =	simm.s32 $0xC240  }
0x8b: {  	[tilespmem:s24+$0x0] =	vst.add.f32.msk $0xffff, v6  }
0x8c: {  	v6 =	vld [tilespmem:s20+$0x50]  }
0x8d: {  	v61 =	vld [tilespmem:s20+$0xD0]  }
0x8e: {  	v62 =	vld [tilespmem:s20+$0x150]  }
0x8f: {  	v63 =	vld [tilespmem:s20+$0x1D0];
	_ =	sdelay $0x3  }
0x90: {  	v6 =	vmul.f32 v6, v2;
	v7 =	vmul.f32 v61, v3  }
0x91: {  	v8 =	vmul.f32 v62, v4;
	v9 =	vmul.f32 v63, v5;
	_ =	sdelay $0x1  }
0x92: {  	v6 =	vadd.f32 v7, v6;
	v12 =	vadd.f32 v9, v8;
	_ =	sdelay $0x1  }
0x93: {  	v6 =	vadd.f32 v12, v6  }
0x94: {  	s22 =	simm.s32 $0xC250  }
0x95: {  	[tilespmem:s22+$0x0] =	vst.add.f32.msk $0xffff, v6  }
0x96: {  	v6 =	vld [tilespmem:s20+$0x60]  }
0x97: {  	v13 =	vld [tilespmem:s20+$0xE0]  }
0x98: {  	v14 =	vld [tilespmem:s20+$0x160]  }
0x99: {  	v15 =	vld [tilespmem:s20+$0x1E0];
	_ =	sdelay $0x3  }
0x9a: {  	v6 =	vmul.f32 v6, v2;
	v7 =	vmul.f32 v13, v3  }
0x9b: {  	v8 =	vmul.f32 v14, v4;
	v9 =	vmul.f32 v15, v5;
	_ =	sdelay $0x1  }
0x9c: {  	v6 =	vadd.f32 v7, v6;
	v16 =	vadd.f32 v9, v8;
	_ =	sdelay $0x1  }
0x9d: {  	v6 =	vadd.f32 v16, v6  }
0x9e: {  	s23 =	simm.s32 $0xC260  }
0x9f: {  	[tilespmem:s23+$0x0] =	vst.add.f32.msk $0xffff, v6  }
0xa0: {  	v6 =	vld [tilespmem:s20+$0x70]  }
0xa1: {  	v17 =	vld [tilespmem:s20+$0xF0]  }
0xa2: {  	v18 =	vld [tilespmem:s20+$0x170]  }
0xa3: {  	v19 =	vld [tilespmem:s20+$0x1F0];
	_ =	sdelay $0x3  }
0xa4: {  	v6 =	vmul.f32 v6, v2;
	v7 =	vmul.f32 v17, v3  }
0xa5: {  	v8 =	vmul.f32 v18, v4;
	v9 =	vmul.f32 v19, v5;
	_ =	sdelay $0x1  }
0xa6: {  	v6 =	vadd.f32 v7, v6;
	v20 =	vadd.f32 v9, v8;
	_ =	sdelay $0x1  }
0xa7: {  	v6 =	vadd.f32 v20, v6  }
0xa8: {  	s24 =	simm.s32 $0xC270  }
0xa9: {  	[tilespmem:s24+$0x0] =	vst.add.f32.msk $0xffff, v6  }
0xaa: {  	v6 =	vld [tilespmem:s20+$0x400]  }
0xab: {  	v21 =	vld [tilespmem:s20+$0x480]  }
0xac: {  	v22 =	vld [tilespmem:s20+$0x500]  }
0xad: {  	v23 =	vld [tilespmem:s20+$0x580];
	_ =	sdelay $0x3  }
0xae: {  	v6 =	vmul.f32 v6, v2;
	v7 =	vmul.f32 v21, v3  }
0xaf: {  	v8 =	vmul.f32 v22, v4;
	v9 =	vmul.f32 v23, v5;
	_ =	sdelay $0x1  }
0xb0: {  	v6 =	vadd.f32 v7, v6;
	v24 =	vadd.f32 v9, v8;
	_ =	sdelay $0x1  }
0xb1: {  	v6 =	vadd.f32 v24, v6  }
0xb2: {  	s22 =	simm.s32 $0xC280  }
0xb3: {  	[tilespmem:s22+$0x0] =	vst.add.f32.msk $0xffff, v6  }
0xb4: {  	v6 =	vld [tilespmem:s20+$0x410]  }
0xb5: {  	v25 =	vld [tilespmem:s20+$0x490]  }
0xb6: {  	v26 =	vld [tilespmem:s20+$0x510]  }
0xb7: {  	v27 =	vld [tilespmem:s20+$0x590];
	_ =	sdelay $0x3  }
0xb8: {  	v6 =	vmul.f32 v6, v2;
	v7 =	vmul.f32 v25, v3  }
0xb9: {  	v8 =	vmul.f32 v26, v4;
	v9 =	vmul.f32 v27, v5;
	_ =	sdelay $0x1  }
0xba: {  	v6 =	vadd.f32 v7, v6;
	v28 =	vadd.f32 v9, v8;
	_ =	sdelay $0x1  }
0xbb: {  	v6 =	vadd.f32 v28, v6;
	_ =	sdelay $0x1  }
0xbc: {  	[tilespmem:s10+$0x0] =	vst.add.f32.msk $0xffff, v6  }
0xbd: {  	v6 =	vld [tilespmem:s20+$0x420]  }
0xbe: {  	v29 =	vld [tilespmem:s20+$0x4A0]  }
0xbf: {  	v30 =	vld [tilespmem:s20+$0x520]  }
0xc0: {  	v31 =	vld [tilespmem:s20+$0x5A0];
	_ =	sdelay $0x3  }
0xc1: {  	v6 =	vmul.f32 v6, v2;
	v7 =	vmul.f32 v29, v3  }
0xc2: {  	v8 =	vmul.f32 v30, v4;
	v9 =	vmul.f32 v31, v5;
	_ =	sdelay $0x1  }
0xc3: {  	v6 =	vadd.f32 v7, v6;
	v32 =	vadd.f32 v9, v8;
	_ =	sdelay $0x1  }
0xc4: {  	v6 =	vadd.f32 v32, v6;
	_ =	sdelay $0x1  }
0xc5: {  	[tilespmem:s2+$0x0] =	vst.add.f32.msk $0xffff, v6  }
0xc6: {  	v6 =	vld [tilespmem:s20+$0x430]  }
0xc7: {  	v33 =	vld [tilespmem:s20+$0x4B0]  }
0xc8: {  	v34 =	vld [tilespmem:s20+$0x530]  }
0xc9: {  	v35 =	vld [tilespmem:s20+$0x5B0];
	_ =	sdelay $0x3  }
0xca: {  	v6 =	vmul.f32 v6, v2;
	v7 =	vmul.f32 v33, v3  }
0xcb: {  	v8 =	vmul.f32 v34, v4;
	v9 =	vmul.f32 v35, v5;
	_ =	sdelay $0x1  }
0xcc: {  	v6 =	vadd.f32 v7, v6;
	v36 =	vadd.f32 v9, v8;
	_ =	sdelay $0x1  }
0xcd: {  	v6 =	vadd.f32 v36, v6;
	_ =	sdelay $0x1  }
0xce: {  	[tilespmem:s1+$0x0] =	vst.add.f32.msk $0xffff, v6  }
0xcf: {  	v6 =	vld [tilespmem:s20+$0x440]  }
0xd0: {  	v37 =	vld [tilespmem:s20+$0x4C0]  }
0xd1: {  	v38 =	vld [tilespmem:s20+$0x540]  }
0xd2: {  	v39 =	vld [tilespmem:s20+$0x5C0];
	_ =	sdelay $0x3  }
0xd3: {  	v6 =	vmul.f32 v6, v2;
	v7 =	vmul.f32 v37, v3  }
0xd4: {  	v8 =	vmul.f32 v38, v4;
	v9 =	vmul.f32 v39, v5;
	_ =	sdelay $0x1  }
0xd5: {  	v6 =	vadd.f32 v7, v6;
	v40 =	vadd.f32 v9, v8;
	_ =	sdelay $0x1  }
0xd6: {  	v6 =	vadd.f32 v40, v6;
	_ =	sdelay $0x1  }
0xd7: {  	[tilespmem:s0+$0x0] =	vst.add.f32.msk $0xffff, v6  }
0xd8: {  	v6 =	vld [tilespmem:s20+$0x450]  }
0xd9: {  	v41 =	vld [tilespmem:s20+$0x4D0]  }
0xda: {  	v42 =	vld [tilespmem:s20+$0x550]  }
0xdb: {  	v43 =	vld [tilespmem:s20+$0x5D0];
	_ =	sdelay $0x3  }
0xdc: {  	v6 =	vmul.f32 v6, v2;
	v7 =	vmul.f32 v41, v3  }
0xdd: {  	v8 =	vmul.f32 v42, v4;
	v9 =	vmul.f32 v43, v5;
	_ =	sdelay $0x1  }
0xde: {  	v6 =	vadd.f32 v7, v6;
	v44 =	vadd.f32 v9, v8;
	_ =	sdelay $0x1  }
0xdf: {  	v6 =	vadd.f32 v44, v6;
	_ =	sdelay $0x1  }
0xe0: {  	[tilespmem:s9+$0x0] =	vst.add.f32.msk $0xffff, v6  }
0xe1: {  	v6 =	vld [tilespmem:s20+$0x460]  }
0xe2: {  	v45 =	vld [tilespmem:s20+$0x4E0]  }
0xe3: {  	v46 =	vld [tilespmem:s20+$0x560]  }
0xe4: {  	v47 =	vld [tilespmem:s20+$0x5E0];
	_ =	sdelay $0x3  }
0xe5: {  	v6 =	vmul.f32 v6, v2;
	v7 =	vmul.f32 v45, v3  }
0xe6: {  	v8 =	vmul.f32 v46, v4;
	v9 =	vmul.f32 v47, v5;
	_ =	sdelay $0x1  }
0xe7: {  	v6 =	vadd.f32 v7, v6;
	v48 =	vadd.f32 v9, v8;
	_ =	sdelay $0x1  }
0xe8: {  	v6 =	vadd.f32 v48, v6;
	_ =	sdelay $0x1  }
0xe9: {  	[tilespmem:s8+$0x0] =	vst.add.f32.msk $0xffff, v6  }
0xea: {  	v6 =	vld [tilespmem:s20+$0x470]  }
0xeb: {  	v49 =	vld [tilespmem:s20+$0x4F0]  }
0xec: {  	v50 =	vld [tilespmem:s20+$0x570]  }
0xed: {  	v51 =	vld [tilespmem:s20+$0x5F0];
	_ =	sdelay $0x3  }
0xee: {  	v6 =	vmul.f32 v6, v2;
	v7 =	vmul.f32 v49, v3  }
0xef: {  	v8 =	vmul.f32 v50, v4;
	v9 =	vmul.f32 v51, v5;
	_ =	sdelay $0x1  }
0xf0: {  	s20 =	simm.s32 $0x1;
	v6 =	vadd.f32 v7, v6;
	v52 =	vadd.f32 v9, v8  }
0xf1: {  	s20 =	simm.s32 @!p1 $0x0  }
0xf2: {  	s20 =	sshll.u32 s20, $0x9;
	v6 =	vadd.f32 v52, v6  }
0xf3: {  	s20 =	sadd.s32 s20, s19  }
0xf4: {  	s23 =	sor.u32 $0x800, s20;
	s21 =	sadd.s32 $0x80, s20;
	[tilespmem:s12+$0x0] =	vst.add.f32.msk $0xffff, v6  }
0xf5: {  	s22 =	sadd.s32 $0x100, s20;
	s24 =	sor.u32 $0x800, s21;
	v6 =	vld [tilespmem:s23+$0x0]  }
0xf6: {  	v53 =	vld [tilespmem:s24+$0x0];
	s24 =	sor.u32 $0x800, s22;
	s23 =	sadd.s32 $0x180, s20  }
0xf7: {  	v54 =	vld [tilespmem:s24+$0x0];
	s24 =	sor.u32 $0x800, s23  }
0xf8: {  	v55 =	vld [tilespmem:s24+$0x0];
	_ =	sdelay $0x3  }
0xf9: {  	v6 =	vmul.f32 v6, v2;
	v7 =	vmul.f32 v53, v3  }
0xfa: {  	v8 =	vmul.f32 v54, v4;
	v9 =	vmul.f32 v55, v5;
	_ =	sdelay $0x1  }
0xfb: {  	v6 =	vadd.f32 v7, v6;
	v56 =	vadd.f32 v9, v8;
	_ =	sdelay $0x1  }
0xfc: {  	v6 =	vadd.f32 v56, v6;
	_ =	sdelay $0x1  }
0xfd: {  	s24 =	sor.u32 $0x810, s20;
	[tilespmem:s4+$0x0] =	vst.add.f32.msk $0xffff, v6  }
0xfe: {  	v6 =	vld [tilespmem:s24+$0x0];
	s24 =	sor.u32 $0x810, s21  }
0xff: {  	v57 =	vld [tilespmem:s24+$0x0];
	s24 =	sor.u32 $0x810, s22  }
0x100: {  	v58 =	vld [tilespmem:s24+$0x0];
	s24 =	sor.u32 $0x810, s23  }
0x101: {  	v59 =	vld [tilespmem:s24+$0x0];
	_ =	sdelay $0x3  }
0x102: {  	v6 =	vmul.f32 v6, v2;
	v7 =	vmul.f32 v57, v3  }
0x103: {  	v8 =	vmul.f32 v58, v4;
	v9 =	vmul.f32 v59, v5;
	_ =	sdelay $0x1  }
0x104: {  	v6 =	vadd.f32 v7, v6;
	v60 =	vadd.f32 v9, v8;
	_ =	sdelay $0x1  }
0x105: {  	v6 =	vadd.f32 v60, v6;
	_ =	sdelay $0x1  }
0x106: {  	s24 =	sor.u32 $0x820, s20;
	[tilespmem:s6+$0x0] =	vst.add.f32.msk $0xffff, v6  }
0x107: {  	v6 =	vld [tilespmem:s24+$0x0];
	s24 =	sor.u32 $0x820, s21  }
0x108: {  	v61 =	vld [tilespmem:s24+$0x0];
	s24 =	sor.u32 $0x820, s22  }
0x109: {  	v62 =	vld [tilespmem:s24+$0x0];
	s24 =	sor.u32 $0x820, s23  }
0x10a: {  	v63 =	vld [tilespmem:s24+$0x0];
	_ =	sdelay $0x3  }
0x10b: {  	v6 =	vmul.f32 v6, v2;
	v7 =	vmul.f32 v61, v3  }
0x10c: {  	v8 =	vmul.f32 v62, v4;
	v9 =	vmul.f32 v63, v5;
	_ =	sdelay $0x1  }
0x10d: {  	v6 =	vadd.f32 v7, v6;
	v12 =	vadd.f32 v9, v8;
	_ =	sdelay $0x1  }
0x10e: {  	v6 =	vadd.f32 v12, v6;
	_ =	sdelay $0x1  }
0x10f: {  	s24 =	sor.u32 $0x830, s20;
	[tilespmem:s7+$0x0] =	vst.add.f32.msk $0xffff, v6  }
0x110: {  	v6 =	vld [tilespmem:s24+$0x0];
	s24 =	sor.u32 $0x830, s21  }
0x111: {  	v13 =	vld [tilespmem:s24+$0x0];
	s24 =	sor.u32 $0x830, s22  }
0x112: {  	v14 =	vld [tilespmem:s24+$0x0];
	s24 =	sor.u32 $0x830, s23  }
0x113: {  	v15 =	vld [tilespmem:s24+$0x0];
	_ =	sdelay $0x3  }
0x114: {  	v6 =	vmul.f32 v6, v2;
	v7 =	vmul.f32 v13, v3  }
0x115: {  	v8 =	vmul.f32 v14, v4;
	v9 =	vmul.f32 v15, v5;
	_ =	sdelay $0x1  }
0x116: {  	v6 =	vadd.f32 v7, v6;
	v16 =	vadd.f32 v9, v8;
	_ =	sdelay $0x1  }
0x117: {  	v6 =	vadd.f32 v16, v6;
	_ =	sdelay $0x1  }
0x118: {  	s24 =	sor.u32 $0x840, s20;
	[tilespmem:s3+$0x0] =	vst.add.f32.msk $0xffff, v6  }
0x119: {  	v6 =	vld [tilespmem:s24+$0x0];
	s24 =	sor.u32 $0x840, s21  }
0x11a: {  	v17 =	vld [tilespmem:s24+$0x0];
	s24 =	sor.u32 $0x840, s22  }
0x11b: {  	v18 =	vld [tilespmem:s24+$0x0];
	s24 =	sor.u32 $0x840, s23  }
0x11c: {  	v19 =	vld [tilespmem:s24+$0x0];
	_ =	sdelay $0x3  }
0x11d: {  	v6 =	vmul.f32 v6, v2;
	v7 =	vmul.f32 v17, v3  }
0x11e: {  	v8 =	vmul.f32 v18, v4;
	v9 =	vmul.f32 v19, v5;
	_ =	sdelay $0x1  }
0x11f: {  	v6 =	vadd.f32 v7, v6;
	v20 =	vadd.f32 v9, v8;
	_ =	sdelay $0x1  }
0x120: {  	v6 =	vadd.f32 v20, v6;
	_ =	sdelay $0x1  }
0x121: {  	s24 =	sor.u32 $0x850, s20;
	[tilespmem:s5+$0x0] =	vst.add.f32.msk $0xffff, v6  }
0x122: {  	v6 =	vld [tilespmem:s24+$0x0];
	s24 =	sor.u32 $0x850, s21  }
0x123: {  	v21 =	vld [tilespmem:s24+$0x0];
	s24 =	sor.u32 $0x850, s22  }
0x124: {  	v22 =	vld [tilespmem:s24+$0x0];
	s24 =	sor.u32 $0x850, s23  }
0x125: {  	v23 =	vld [tilespmem:s24+$0x0];
	_ =	sdelay $0x3  }
0x126: {  	v6 =	vmul.f32 v6, v2;
	v7 =	vmul.f32 v21, v3  }
0x127: {  	v8 =	vmul.f32 v22, v4;
	v9 =	vmul.f32 v23, v5;
	_ =	sdelay $0x1  }
0x128: {  	v6 =	vadd.f32 v7, v6;
	v24 =	vadd.f32 v9, v8;
	_ =	sdelay $0x1  }
0x129: {  	v6 =	vadd.f32 v24, v6;
	_ =	sdelay $0x1  }
0x12a: {  	s24 =	sor.u32 $0x860, s20;
	[tilespmem:s11+$0x0] =	vst.add.f32.msk $0xffff, v6  }
0x12b: {  	v6 =	vld [tilespmem:s24+$0x0];
	s24 =	sor.u32 $0x860, s21  }
0x12c: {  	v25 =	vld [tilespmem:s24+$0x0];
	s24 =	sor.u32 $0x860, s22  }
0x12d: {  	v26 =	vld [tilespmem:s24+$0x0];
	s24 =	sor.u32 $0x860, s23  }
0x12e: {  	v27 =	vld [tilespmem:s24+$0x0];
	_ =	sdelay $0x3  }
0x12f: {  	v6 =	vmul.f32 v6, v2;
	v7 =	vmul.f32 v25, v3  }
0x130: {  	v8 =	vmul.f32 v26, v4;
	v9 =	vmul.f32 v27, v5;
	_ =	sdelay $0x1  }
0x131: {  	v6 =	vadd.f32 v7, v6;
	v28 =	vadd.f32 v9, v8;
	_ =	sdelay $0x1  }
0x132: {  	v6 =	vadd.f32 v28, v6;
	_ =	sdelay $0x1  }
0x133: {  	s24 =	sor.u32 $0x870, s20;
	[tilespmem:s13+$0x0] =	vst.add.f32.msk $0xffff, v6  }
0x134: {  	v6 =	vld [tilespmem:s24+$0x0];
	s24 =	sor.u32 $0x870, s21  }
0x135: {  	v29 =	vld [tilespmem:s24+$0x0];
	s24 =	sor.u32 $0x870, s22  }
0x136: {  	v30 =	vld [tilespmem:s24+$0x0];
	s24 =	sor.u32 $0x870, s23  }
0x137: {  	v31 =	vld [tilespmem:s24+$0x0];
	_ =	sdelay $0x3  }
0x138: {  	v6 =	vmul.f32 v6, v2;
	v7 =	vmul.f32 v29, v3  }
0x139: {  	v8 =	vmul.f32 v30, v4;
	v9 =	vmul.f32 v31, v5;
	_ =	sdelay $0x1  }
0x13a: {  	v6 =	vadd.f32 v7, v6;
	v32 =	vadd.f32 v9, v8;
	_ =	sdelay $0x1  }
0x13b: {  	v6 =	vadd.f32 v32, v6;
	_ =	sdelay $0x1  }
0x13c: {  	s24 =	sor.u32 $0xC00, s20;
	[tilespmem:s15+$0x0] =	vst.add.f32.msk $0xffff, v6  }
0x13d: {  	v6 =	vld [tilespmem:s24+$0x0];
	s24 =	sor.u32 $0xC00, s21  }
0x13e: {  	v33 =	vld [tilespmem:s24+$0x0];
	s24 =	sor.u32 $0xC00, s22  }
0x13f: {  	v34 =	vld [tilespmem:s24+$0x0];
	s24 =	sor.u32 $0xC00, s23  }
0x140: {  	v35 =	vld [tilespmem:s24+$0x0];
	_ =	sdelay $0x3  }
0x141: {  	v6 =	vmul.f32 v6, v2;
	v7 =	vmul.f32 v33, v3  }
0x142: {  	v8 =	vmul.f32 v34, v4;
	v9 =	vmul.f32 v35, v5;
	_ =	sdelay $0x1  }
0x143: {  	v6 =	vadd.f32 v7, v6;
	v36 =	vadd.f32 v9, v8;
	_ =	sdelay $0x1  }
0x144: {  	v6 =	vadd.f32 v36, v6;
	_ =	sdelay $0x1  }
0x145: {  	s24 =	sor.u32 $0xC10, s20;
	[tilespmem:s16+$0x0] =	vst.add.f32.msk $0xffff, v6  }
0x146: {  	v6 =	vld [tilespmem:s24+$0x0];
	s24 =	sor.u32 $0xC10, s21  }
0x147: {  	v37 =	vld [tilespmem:s24+$0x0];
	s24 =	sor.u32 $0xC10, s22  }
0x148: {  	v38 =	vld [tilespmem:s24+$0x0];
	s24 =	sor.u32 $0xC10, s23  }
0x149: {  	v39 =	vld [tilespmem:s24+$0x0];
	_ =	sdelay $0x3  }
0x14a: {  	v6 =	vmul.f32 v6, v2;
	v7 =	vmul.f32 v37, v3  }
0x14b: {  	v8 =	vmul.f32 v38, v4;
	v9 =	vmul.f32 v39, v5;
	_ =	sdelay $0x1  }
0x14c: {  	v6 =	vadd.f32 v7, v6;
	v40 =	vadd.f32 v9, v8;
	_ =	sdelay $0x1  }
0x14d: {  	v6 =	vadd.f32 v40, v6;
	_ =	sdelay $0x1  }
0x14e: {  	s24 =	sor.u32 $0xC20, s20;
	[tilespmem:s25+$0x0] =	vst.add.f32.msk $0xffff, v6  }
0x14f: {  	v6 =	vld [tilespmem:s24+$0x0];
	s24 =	sor.u32 $0xC20, s21  }
0x150: {  	v41 =	vld [tilespmem:s24+$0x0];
	s24 =	sor.u32 $0xC20, s22  }
0x151: {  	v42 =	vld [tilespmem:s24+$0x0];
	s24 =	sor.u32 $0xC20, s23  }
0x152: {  	v43 =	vld [tilespmem:s24+$0x0];
	_ =	sdelay $0x3  }
0x153: {  	v6 =	vmul.f32 v6, v2;
	v7 =	vmul.f32 v41, v3  }
0x154: {  	v8 =	vmul.f32 v42, v4;
	v9 =	vmul.f32 v43, v5;
	_ =	sdelay $0x1  }
0x155: {  	v6 =	vadd.f32 v7, v6;
	v44 =	vadd.f32 v9, v8;
	_ =	sdelay $0x1  }
0x156: {  	v6 =	vadd.f32 v44, v6;
	_ =	sdelay $0x1  }
0x157: {  	s24 =	sor.u32 $0xC30, s20;
	[tilespmem:s26+$0x0] =	vst.add.f32.msk $0xffff, v6  }
0x158: {  	v6 =	vld [tilespmem:s24+$0x0];
	s24 =	sor.u32 $0xC30, s21  }
0x159: {  	v45 =	vld [tilespmem:s24+$0x0];
	s24 =	sor.u32 $0xC30, s22  }
0x15a: {  	v46 =	vld [tilespmem:s24+$0x0];
	s24 =	sor.u32 $0xC30, s23  }
0x15b: {  	v47 =	vld [tilespmem:s24+$0x0];
	_ =	sdelay $0x3  }
0x15c: {  	v6 =	vmul.f32 v6, v2;
	v7 =	vmul.f32 v45, v3  }
0x15d: {  	v8 =	vmul.f32 v46, v4;
	v9 =	vmul.f32 v47, v5;
	_ =	sdelay $0x1  }
0x15e: {  	v6 =	vadd.f32 v7, v6;
	v48 =	vadd.f32 v9, v8;
	_ =	sdelay $0x1  }
0x15f: {  	v6 =	vadd.f32 v48, v6;
	_ =	sdelay $0x1  }
0x160: {  	s24 =	sor.u32 $0xC40, s20;
	[tilespmem:s28+$0x0] =	vst.add.f32.msk $0xffff, v6  }
0x161: {  	v6 =	vld [tilespmem:s24+$0x0];
	s24 =	sor.u32 $0xC40, s21  }
0x162: {  	v49 =	vld [tilespmem:s24+$0x0];
	s24 =	sor.u32 $0xC40, s22  }
0x163: {  	v50 =	vld [tilespmem:s24+$0x0];
	s24 =	sor.u32 $0xC40, s23  }
0x164: {  	v51 =	vld [tilespmem:s24+$0x0];
	_ =	sdelay $0x3  }
0x165: {  	v6 =	vmul.f32 v6, v2;
	v7 =	vmul.f32 v49, v3  }
0x166: {  	v8 =	vmul.f32 v50, v4;
	v9 =	vmul.f32 v51, v5;
	_ =	sdelay $0x1  }
0x167: {  	v6 =	vadd.f32 v7, v6;
	v52 =	vadd.f32 v9, v8;
	_ =	sdelay $0x1  }
0x168: {  	v6 =	vadd.f32 v52, v6;
	_ =	sdelay $0x1  }
0x169: {  	s24 =	sor.u32 $0xC50, s20;
	[tilespmem:s29+$0x0] =	vst.add.f32.msk $0xffff, v6  }
0x16a: {  	v6 =	vld [tilespmem:s24+$0x0];
	s24 =	sor.u32 $0xC50, s21  }
0x16b: {  	v53 =	vld [tilespmem:s24+$0x0];
	s24 =	sor.u32 $0xC50, s22  }
0x16c: {  	v54 =	vld [tilespmem:s24+$0x0];
	s24 =	sor.u32 $0xC50, s23  }
0x16d: {  	v55 =	vld [tilespmem:s24+$0x0];
	_ =	sdelay $0x3  }
0x16e: {  	v6 =	vmul.f32 v6, v2;
	v7 =	vmul.f32 v53, v3  }
0x16f: {  	v8 =	vmul.f32 v54, v4;
	v9 =	vmul.f32 v55, v5;
	_ =	sdelay $0x1  }
0x170: {  	v6 =	vadd.f32 v7, v6;
	v56 =	vadd.f32 v9, v8;
	_ =	sdelay $0x1  }
0x171: {  	v6 =	vadd.f32 v56, v6;
	_ =	sdelay $0x1  }
0x172: {  	s24 =	sor.u32 $0xC60, s20;
	[tilespmem:s30+$0x0] =	vst.add.f32.msk $0xffff, v6  }
0x173: {  	v6 =	vld [tilespmem:s24+$0x0];
	s24 =	sor.u32 $0xC60, s21  }
0x174: {  	v57 =	vld [tilespmem:s24+$0x0];
	s24 =	sor.u32 $0xC60, s22  }
0x175: {  	v58 =	vld [tilespmem:s24+$0x0];
	s24 =	sor.u32 $0xC60, s23  }
0x176: {  	v59 =	vld [tilespmem:s24+$0x0];
	_ =	sdelay $0x3  }
0x177: {  	v6 =	vmul.f32 v6, v2;
	v7 =	vmul.f32 v57, v3  }
0x178: {  	v8 =	vmul.f32 v58, v4;
	v9 =	vmul.f32 v59, v5;
	_ =	sdelay $0x1  }
0x179: {  	v6 =	vadd.f32 v7, v6;
	v60 =	vadd.f32 v9, v8;
	_ =	sdelay $0x1  }
0x17a: {  	v6 =	vadd.f32 v60, v6;
	_ =	sdelay $0x1  }
0x17b: {  	s20 =	sor.u32 $0xC70, s20;
	[tilespmem:s31+$0x0] =	vst.add.f32.msk $0xffff, v6  }
0x17c: {  	v6 =	vld [tilespmem:s20+$0x0];
	s20 =	sor.u32 $0xC70, s21  }
0x17d: {  	v61 =	vld [tilespmem:s20+$0x0];
	s20 =	sor.u32 $0xC70, s22  }
0x17e: {  	v62 =	vld [tilespmem:s20+$0x0];
	s20 =	sor.u32 $0xC70, s23  }
0x17f: {  	v63 =	vld [tilespmem:s20+$0x0];
	_ =	sdelay $0x3  }
0x180: {  	v2 =	vmul.f32 v6, v2;
	v3 =	vmul.f32 v61, v3  }
0x181: {  	v4 =	vmul.f32 v62, v4;
	v5 =	vmul.f32 v63, v5  }
0x182: {  	p2 =	sne.s32 s19, $0x5800  }
.Ltmp0:
0x183: {  	v2 =	vadd.f32 v3, v2;
	v3 =	vadd.f32 v5, v4;
	(pc) =	sbr.rel @p2 .LBB2_4-.Ltmp0, $4  }
0x184: {  	_ = 	snop  }
0x185: {  	s18 =	sadd.s32 $0x4, s18;
	s17 =	sadd.s32 $0x200, s17;
	v2 =	vadd.f32 v3, v2  }
0x186: {  	p1 =	por !p1, !p1;
	s19 =	sadd.s32 $0x800, s19;
	s21 =	simm.s32 $0xC3F0  }
0x187: {  	s24 =	simm.s32 $0xC220;
	s22 =	simm.s32 $0xC200;
	s23 =	simm.s32 $0xC210;
	[tilespmem:s21+$0x0] =	vst.add.f32.msk $0xffff, v2  }
0x188: {  	s17 =	simm.s32 @p0 $0x0;
	s18 =	rddreg [dreg:$0x9];
	s20 =	simm.s32 $0x2  }
0x189: {  	[tilespmem:s17], [sflag:$0x1] =	stream.linear.gather @p0 [hbm4b:s18+s17], $0x6000, $0x38;
	[tilespmem:$0xC400] =	vst v63  }
0x18a: {  	p1 =	por $0x0, $0x0;
	_ =	swait.ge [sflag:s20], $0x6000  }
0x18b: {  	s19 =	simm.s32 $0x0;
	[sflag:s20] =	ssyncset.done $0x0;
	s21 =	rddreg [dreg:$0xb]  }
0x18c: {  	s18 =	simm.s32 $0x0;
	[sflag:s20] =	ssyncadd.s32 $0xFFFFA000;
	s17 =	sadd.s32 $0x33, s21  }
.LBB2_6:
0x18d: {  	s20 =	sadd.s32 $0xFFFFFFFD, s17;
	s21 =	sadd.s32 $0xFFFFFFFE, s17  }
0x18e: {  	v2 =	vmov s20;
	v3 =	vmov s21;
	s21 =	sadd.s32 $0xFFFFFFFF, s17  }
0x18f: {  	s20 =	sand.u32 $0x7000, s19;
	v2 =	vand.u32 $0xFFFFFFFC, v2;
	v4 =	vmov s21;
	s21 =	sand.u32 $0x200, s18  }
0x190: {  	v5 =	vmov s17;
	v3 =	vand.u32 $0xFFFFFFFD, v3;
	v2 =	vbroadcast v2, $0x0;
	s20 =	sor.u32 s21, s20  }
0x191: {  	v3 =	vbroadcast v3, $0x0;
	v4 =	vand.u32 $0xFFFFFFFE, v4;
	v6 =	vld [tilespmem:s20+$0x6000]  }
0x192: {  	v4 =	vbroadcast v4, $0x0;
	v7 =	vld [tilespmem:s20+$0x6080]  }
0x193: {  	v8 =	vld [tilespmem:s20+$0x6100]  }
0x194: {  	v9 =	vld [tilespmem:s20+$0x6180]  }
0x195: {  	v5 =	vld.idx.msk [tilespmem:v5+s14+$0x0], $0xffff  }
0x196: {  	v2 =	vld.idx.msk [tilespmem:v2+s14+$0x0], $0xffff  }
0x197: {  	v3 =	vld.idx.msk [tilespmem:v3+s14+$0x0], $0xffff  }
0x198: {  	v4 =	vld.idx.msk [tilespmem:v4+s14+$0x0], $0xffff;
	_ =	sdelay $0x3  }
0x199: {  	v9 =	vmul.f32 v9, v5;
	v6 =	vmul.f32 v6, v2  }
0x19a: {  	v7 =	vmul.f32 v7, v3;
	v8 =	vmul.f32 v8, v4;
	_ =	sdelay $0x1  }
0x19b: {  	v6 =	vadd.f32 v7, v6;
	v44 =	vadd.f32 v9, v8;
	_ =	sdelay $0x1  }
0x19c: {  	v6 =	vadd.f32 v44, v6;
	_ =	sdelay $0x1  }
0x19d: {  	[tilespmem:s22+$0x0] =	vst.add.f32.msk $0xffff, v6  }
0x19e: {  	v6 =	vld [tilespmem:s20+$0x6010]  }
0x19f: {  	v45 =	vld [tilespmem:s20+$0x6090]  }
0x1a0: {  	v46 =	vld [tilespmem:s20+$0x6110]  }
0x1a1: {  	v47 =	vld [tilespmem:s20+$0x6190];
	_ =	sdelay $0x3  }
0x1a2: {  	v6 =	vmul.f32 v6, v2;
	v7 =	vmul.f32 v45, v3  }
0x1a3: {  	v8 =	vmul.f32 v46, v4;
	v9 =	vmul.f32 v47, v5;
	_ =	sdelay $0x1  }
0x1a4: {  	v6 =	vadd.f32 v7, v6;
	v48 =	vadd.f32 v9, v8;
	_ =	sdelay $0x1  }
0x1a5: {  	v6 =	vadd.f32 v48, v6;
	_ =	sdelay $0x1  }
0x1a6: {  	[tilespmem:s23+$0x0] =	vst.add.f32.msk $0xffff, v6  }
0x1a7: {  	v6 =	vld [tilespmem:s20+$0x6020]  }
0x1a8: {  	v49 =	vld [tilespmem:s20+$0x60A0]  }
0x1a9: {  	v50 =	vld [tilespmem:s20+$0x6120]  }
0x1aa: {  	v51 =	vld [tilespmem:s20+$0x61A0];
	_ =	sdelay $0x3  }
0x1ab: {  	v6 =	vmul.f32 v6, v2;
	v7 =	vmul.f32 v49, v3  }
0x1ac: {  	v8 =	vmul.f32 v50, v4;
	v9 =	vmul.f32 v51, v5;
	_ =	sdelay $0x1  }
0x1ad: {  	v6 =	vadd.f32 v7, v6;
	v52 =	vadd.f32 v9, v8;
	_ =	sdelay $0x1  }
0x1ae: {  	v6 =	vadd.f32 v52, v6;
	_ =	sdelay $0x1  }
0x1af: {  	[tilespmem:s24+$0x0] =	vst.add.f32.msk $0xffff, v6  }
0x1b0: {  	v6 =	vld [tilespmem:s20+$0x6030]  }
0x1b1: {  	v53 =	vld [tilespmem:s20+$0x60B0]  }
0x1b2: {  	v54 =	vld [tilespmem:s20+$0x6130]  }
0x1b3: {  	v55 =	vld [tilespmem:s20+$0x61B0];
	_ =	sdelay $0x3  }
0x1b4: {  	v6 =	vmul.f32 v6, v2;
	v7 =	vmul.f32 v53, v3  }
0x1b5: {  	v8 =	vmul.f32 v54, v4;
	v9 =	vmul.f32 v55, v5;
	_ =	sdelay $0x1  }
0x1b6: {  	v6 =	vadd.f32 v7, v6;
	v56 =	vadd.f32 v9, v8;
	_ =	sdelay $0x1  }
0x1b7: {  	v6 =	vadd.f32 v56, v6  }
0x1b8: {  	s23 =	simm.s32 $0xC230  }
0x1b9: {  	[tilespmem:s23+$0x0] =	vst.add.f32.msk $0xffff, v6  }
0x1ba: {  	v6 =	vld [tilespmem:s20+$0x6040]  }
0x1bb: {  	v57 =	vld [tilespmem:s20+$0x60C0]  }
0x1bc: {  	v58 =	vld [tilespmem:s20+$0x6140]  }
0x1bd: {  	v59 =	vld [tilespmem:s20+$0x61C0];
	_ =	sdelay $0x3  }
0x1be: {  	v6 =	vmul.f32 v6, v2;
	v7 =	vmul.f32 v57, v3  }
0x1bf: {  	v8 =	vmul.f32 v58, v4;
	v9 =	vmul.f32 v59, v5;
	_ =	sdelay $0x1  }
0x1c0: {  	v6 =	vadd.f32 v7, v6;
	v60 =	vadd.f32 v9, v8;
	_ =	sdelay $0x1  }
0x1c1: {  	v6 =	vadd.f32 v60, v6  }
0x1c2: {  	s24 =	simm.s32 $0xC240  }
0x1c3: {  	[tilespmem:s24+$0x0] =	vst.add.f32.msk $0xffff, v6  }
0x1c4: {  	v6 =	vld [tilespmem:s20+$0x6050]  }
0x1c5: {  	v61 =	vld [tilespmem:s20+$0x60D0]  }
0x1c6: {  	v62 =	vld [tilespmem:s20+$0x6150]  }
0x1c7: {  	v63 =	vld [tilespmem:s20+$0x61D0];
	_ =	sdelay $0x3  }
0x1c8: {  	v6 =	vmul.f32 v6, v2;
	v7 =	vmul.f32 v61, v3  }
0x1c9: {  	v8 =	vmul.f32 v62, v4;
	v9 =	vmul.f32 v63, v5;
	_ =	sdelay $0x1  }
0x1ca: {  	v6 =	vadd.f32 v7, v6;
	v12 =	vadd.f32 v9, v8;
	_ =	sdelay $0x1  }
0x1cb: {  	v6 =	vadd.f32 v12, v6  }
0x1cc: {  	s22 =	simm.s32 $0xC250  }
0x1cd: {  	[tilespmem:s22+$0x0] =	vst.add.f32.msk $0xffff, v6  }
0x1ce: {  	v6 =	vld [tilespmem:s20+$0x6060]  }
0x1cf: {  	v13 =	vld [tilespmem:s20+$0x60E0]  }
0x1d0: {  	v14 =	vld [tilespmem:s20+$0x6160]  }
0x1d1: {  	v15 =	vld [tilespmem:s20+$0x61E0];
	_ =	sdelay $0x3  }
0x1d2: {  	v6 =	vmul.f32 v6, v2;
	v7 =	vmul.f32 v13, v3  }
0x1d3: {  	v8 =	vmul.f32 v14, v4;
	v9 =	vmul.f32 v15, v5;
	_ =	sdelay $0x1  }
0x1d4: {  	v6 =	vadd.f32 v7, v6;
	v16 =	vadd.f32 v9, v8;
	_ =	sdelay $0x1  }
0x1d5: {  	v6 =	vadd.f32 v16, v6  }
0x1d6: {  	s23 =	simm.s32 $0xC260  }
0x1d7: {  	[tilespmem:s23+$0x0] =	vst.add.f32.msk $0xffff, v6  }
0x1d8: {  	v6 =	vld [tilespmem:s20+$0x6070]  }
0x1d9: {  	v17 =	vld [tilespmem:s20+$0x60F0]  }
0x1da: {  	v18 =	vld [tilespmem:s20+$0x6170]  }
0x1db: {  	v19 =	vld [tilespmem:s20+$0x61F0];
	_ =	sdelay $0x3  }
0x1dc: {  	v6 =	vmul.f32 v6, v2;
	v7 =	vmul.f32 v17, v3  }
0x1dd: {  	v8 =	vmul.f32 v18, v4;
	v9 =	vmul.f32 v19, v5;
	_ =	sdelay $0x1  }
0x1de: {  	v6 =	vadd.f32 v7, v6;
	v20 =	vadd.f32 v9, v8;
	_ =	sdelay $0x1  }
0x1df: {  	v6 =	vadd.f32 v20, v6  }
0x1e0: {  	s24 =	simm.s32 $0xC270  }
0x1e1: {  	[tilespmem:s24+$0x0] =	vst.add.f32.msk $0xffff, v6  }
0x1e2: {  	v6 =	vld [tilespmem:s20+$0x6400]  }
0x1e3: {  	v21 =	vld [tilespmem:s20+$0x6480]  }
0x1e4: {  	v22 =	vld [tilespmem:s20+$0x6500]  }
0x1e5: {  	v23 =	vld [tilespmem:s20+$0x6580];
	_ =	sdelay $0x3  }
0x1e6: {  	v6 =	vmul.f32 v6, v2;
	v7 =	vmul.f32 v21, v3  }
0x1e7: {  	v8 =	vmul.f32 v22, v4;
	v9 =	vmul.f32 v23, v5;
	_ =	sdelay $0x1  }
0x1e8: {  	v6 =	vadd.f32 v7, v6;
	v24 =	vadd.f32 v9, v8;
	_ =	sdelay $0x1  }
0x1e9: {  	v6 =	vadd.f32 v24, v6  }
0x1ea: {  	s22 =	simm.s32 $0xC280  }
0x1eb: {  	[tilespmem:s22+$0x0] =	vst.add.f32.msk $0xffff, v6  }
0x1ec: {  	v6 =	vld [tilespmem:s20+$0x6410]  }
0x1ed: {  	v25 =	vld [tilespmem:s20+$0x6490]  }
0x1ee: {  	v26 =	vld [tilespmem:s20+$0x6510]  }
0x1ef: {  	v27 =	vld [tilespmem:s20+$0x6590];
	_ =	sdelay $0x3  }
0x1f0: {  	v6 =	vmul.f32 v6, v2;
	v7 =	vmul.f32 v25, v3  }
0x1f1: {  	v8 =	vmul.f32 v26, v4;
	v9 =	vmul.f32 v27, v5;
	_ =	sdelay $0x1  }
0x1f2: {  	v6 =	vadd.f32 v7, v6;
	v28 =	vadd.f32 v9, v8;
	_ =	sdelay $0x1  }
0x1f3: {  	v6 =	vadd.f32 v28, v6;
	_ =	sdelay $0x1  }
0x1f4: {  	[tilespmem:s10+$0x0] =	vst.add.f32.msk $0xffff, v6  }
0x1f5: {  	v6 =	vld [tilespmem:s20+$0x6420]  }
0x1f6: {  	v29 =	vld [tilespmem:s20+$0x64A0]  }
0x1f7: {  	v30 =	vld [tilespmem:s20+$0x6520]  }
0x1f8: {  	v31 =	vld [tilespmem:s20+$0x65A0];
	_ =	sdelay $0x3  }
0x1f9: {  	v6 =	vmul.f32 v6, v2;
	v7 =	vmul.f32 v29, v3  }
0x1fa: {  	v8 =	vmul.f32 v30, v4;
	v9 =	vmul.f32 v31, v5;
	_ =	sdelay $0x1  }
0x1fb: {  	v6 =	vadd.f32 v7, v6;
	v32 =	vadd.f32 v9, v8;
	_ =	sdelay $0x1  }
0x1fc: {  	v6 =	vadd.f32 v32, v6;
	_ =	sdelay $0x1  }
0x1fd: {  	[tilespmem:s2+$0x0] =	vst.add.f32.msk $0xffff, v6  }
0x1fe: {  	v6 =	vld [tilespmem:s20+$0x6430]  }
0x1ff: {  	v33 =	vld [tilespmem:s20+$0x64B0]  }
0x200: {  	v34 =	vld [tilespmem:s20+$0x6530]  }
0x201: {  	v35 =	vld [tilespmem:s20+$0x65B0];
	_ =	sdelay $0x3  }
0x202: {  	v6 =	vmul.f32 v6, v2;
	v7 =	vmul.f32 v33, v3  }
0x203: {  	v8 =	vmul.f32 v34, v4;
	v9 =	vmul.f32 v35, v5;
	_ =	sdelay $0x1  }
0x204: {  	v6 =	vadd.f32 v7, v6;
	v36 =	vadd.f32 v9, v8;
	_ =	sdelay $0x1  }
0x205: {  	v6 =	vadd.f32 v36, v6;
	_ =	sdelay $0x1  }
0x206: {  	[tilespmem:s1+$0x0] =	vst.add.f32.msk $0xffff, v6  }
0x207: {  	v6 =	vld [tilespmem:s20+$0x6440]  }
0x208: {  	v37 =	vld [tilespmem:s20+$0x64C0]  }
0x209: {  	v38 =	vld [tilespmem:s20+$0x6540]  }
0x20a: {  	v39 =	vld [tilespmem:s20+$0x65C0];
	_ =	sdelay $0x3  }
0x20b: {  	v6 =	vmul.f32 v6, v2;
	v7 =	vmul.f32 v37, v3  }
0x20c: {  	v8 =	vmul.f32 v38, v4;
	v9 =	vmul.f32 v39, v5;
	_ =	sdelay $0x1  }
0x20d: {  	v6 =	vadd.f32 v7, v6;
	v40 =	vadd.f32 v9, v8;
	_ =	sdelay $0x1  }
0x20e: {  	v6 =	vadd.f32 v40, v6;
	_ =	sdelay $0x1  }
0x20f: {  	[tilespmem:s0+$0x0] =	vst.add.f32.msk $0xffff, v6  }
0x210: {  	v6 =	vld [tilespmem:s20+$0x6450]  }
0x211: {  	v41 =	vld [tilespmem:s20+$0x64D0]  }
0x212: {  	v42 =	vld [tilespmem:s20+$0x6550]  }
0x213: {  	v43 =	vld [tilespmem:s20+$0x65D0];
	_ =	sdelay $0x3  }
0x214: {  	v6 =	vmul.f32 v6, v2;
	v7 =	vmul.f32 v41, v3  }
0x215: {  	v8 =	vmul.f32 v42, v4;
	v9 =	vmul.f32 v43, v5;
	_ =	sdelay $0x1  }
0x216: {  	v6 =	vadd.f32 v7, v6;
	v44 =	vadd.f32 v9, v8;
	_ =	sdelay $0x1  }
0x217: {  	v6 =	vadd.f32 v44, v6;
	_ =	sdelay $0x1  }
0x218: {  	[tilespmem:s9+$0x0] =	vst.add.f32.msk $0xffff, v6  }
0x219: {  	v6 =	vld [tilespmem:s20+$0x6460]  }
0x21a: {  	v45 =	vld [tilespmem:s20+$0x64E0]  }
0x21b: {  	v46 =	vld [tilespmem:s20+$0x6560]  }
0x21c: {  	v47 =	vld [tilespmem:s20+$0x65E0];
	_ =	sdelay $0x3  }
0x21d: {  	v6 =	vmul.f32 v6, v2;
	v7 =	vmul.f32 v45, v3  }
0x21e: {  	v8 =	vmul.f32 v46, v4;
	v9 =	vmul.f32 v47, v5;
	_ =	sdelay $0x1  }
0x21f: {  	v6 =	vadd.f32 v7, v6;
	v48 =	vadd.f32 v9, v8;
	_ =	sdelay $0x1  }
0x220: {  	v6 =	vadd.f32 v48, v6;
	_ =	sdelay $0x1  }
0x221: {  	[tilespmem:s8+$0x0] =	vst.add.f32.msk $0xffff, v6  }
0x222: {  	v6 =	vld [tilespmem:s20+$0x6470]  }
0x223: {  	v49 =	vld [tilespmem:s20+$0x64F0]  }
0x224: {  	v50 =	vld [tilespmem:s20+$0x6570]  }
0x225: {  	v51 =	vld [tilespmem:s20+$0x65F0];
	_ =	sdelay $0x3  }
0x226: {  	v6 =	vmul.f32 v6, v2;
	v7 =	vmul.f32 v49, v3  }
0x227: {  	v8 =	vmul.f32 v50, v4;
	v9 =	vmul.f32 v51, v5;
	_ =	sdelay $0x1  }
0x228: {  	s20 =	simm.s32 $0x1;
	v6 =	vadd.f32 v7, v6;
	v52 =	vadd.f32 v9, v8  }
0x229: {  	s20 =	simm.s32 @!p1 $0x0  }
0x22a: {  	s20 =	sshll.u32 s20, $0x9;
	v6 =	vadd.f32 v52, v6  }
0x22b: {  	s20 =	sadd.s32 s20, s19  }
0x22c: {  	s23 =	sor.u32 $0x800, s20;
	s21 =	sadd.s32 $0x80, s20;
	[tilespmem:s12+$0x0] =	vst.add.f32.msk $0xffff, v6  }
0x22d: {  	s22 =	sadd.s32 $0x100, s20;
	s24 =	sor.u32 $0x800, s21;
	v6 =	vld [tilespmem:s23+$0x6000]  }
0x22e: {  	v53 =	vld [tilespmem:s24+$0x6000];
	s24 =	sor.u32 $0x800, s22;
	s23 =	sadd.s32 $0x180, s20  }
0x22f: {  	v54 =	vld [tilespmem:s24+$0x6000];
	s24 =	sor.u32 $0x800, s23  }
0x230: {  	v55 =	vld [tilespmem:s24+$0x6000];
	_ =	sdelay $0x3  }
0x231: {  	v6 =	vmul.f32 v6, v2;
	v7 =	vmul.f32 v53, v3  }
0x232: {  	v8 =	vmul.f32 v54, v4;
	v9 =	vmul.f32 v55, v5;
	_ =	sdelay $0x1  }
0x233: {  	v6 =	vadd.f32 v7, v6;
	v56 =	vadd.f32 v9, v8;
	_ =	sdelay $0x1  }
0x234: {  	v6 =	vadd.f32 v56, v6;
	_ =	sdelay $0x1  }
0x235: {  	s24 =	sor.u32 $0x810, s20;
	[tilespmem:s4+$0x0] =	vst.add.f32.msk $0xffff, v6  }
0x236: {  	v6 =	vld [tilespmem:s24+$0x6000];
	s24 =	sor.u32 $0x810, s21  }
0x237: {  	v57 =	vld [tilespmem:s24+$0x6000];
	s24 =	sor.u32 $0x810, s22  }
0x238: {  	v58 =	vld [tilespmem:s24+$0x6000];
	s24 =	sor.u32 $0x810, s23  }
0x239: {  	v59 =	vld [tilespmem:s24+$0x6000];
	_ =	sdelay $0x3  }
0x23a: {  	v6 =	vmul.f32 v6, v2;
	v7 =	vmul.f32 v57, v3  }
0x23b: {  	v8 =	vmul.f32 v58, v4;
	v9 =	vmul.f32 v59, v5;
	_ =	sdelay $0x1  }
0x23c: {  	v6 =	vadd.f32 v7, v6;
	v60 =	vadd.f32 v9, v8;
	_ =	sdelay $0x1  }
0x23d: {  	v6 =	vadd.f32 v60, v6;
	_ =	sdelay $0x1  }
0x23e: {  	s24 =	sor.u32 $0x820, s20;
	[tilespmem:s6+$0x0] =	vst.add.f32.msk $0xffff, v6  }
0x23f: {  	v6 =	vld [tilespmem:s24+$0x6000];
	s24 =	sor.u32 $0x820, s21  }
0x240: {  	v61 =	vld [tilespmem:s24+$0x6000];
	s24 =	sor.u32 $0x820, s22  }
0x241: {  	v62 =	vld [tilespmem:s24+$0x6000];
	s24 =	sor.u32 $0x820, s23  }
0x242: {  	v63 =	vld [tilespmem:s24+$0x6000];
	_ =	sdelay $0x3  }
0x243: {  	v6 =	vmul.f32 v6, v2;
	v7 =	vmul.f32 v61, v3  }
0x244: {  	v8 =	vmul.f32 v62, v4;
	v9 =	vmul.f32 v63, v5;
	_ =	sdelay $0x1  }
0x245: {  	v6 =	vadd.f32 v7, v6;
	v12 =	vadd.f32 v9, v8;
	_ =	sdelay $0x1  }
0x246: {  	v6 =	vadd.f32 v12, v6;
	_ =	sdelay $0x1  }
0x247: {  	s24 =	sor.u32 $0x830, s20;
	[tilespmem:s7+$0x0] =	vst.add.f32.msk $0xffff, v6  }
0x248: {  	v6 =	vld [tilespmem:s24+$0x6000];
	s24 =	sor.u32 $0x830, s21  }
0x249: {  	v13 =	vld [tilespmem:s24+$0x6000];
	s24 =	sor.u32 $0x830, s22  }
0x24a: {  	v14 =	vld [tilespmem:s24+$0x6000];
	s24 =	sor.u32 $0x830, s23  }
0x24b: {  	v15 =	vld [tilespmem:s24+$0x6000];
	_ =	sdelay $0x3  }
0x24c: {  	v6 =	vmul.f32 v6, v2;
	v7 =	vmul.f32 v13, v3  }
0x24d: {  	v8 =	vmul.f32 v14, v4;
	v9 =	vmul.f32 v15, v5;
	_ =	sdelay $0x1  }
0x24e: {  	v6 =	vadd.f32 v7, v6;
	v16 =	vadd.f32 v9, v8;
	_ =	sdelay $0x1  }
0x24f: {  	v6 =	vadd.f32 v16, v6;
	_ =	sdelay $0x1  }
0x250: {  	s24 =	sor.u32 $0x840, s20;
	[tilespmem:s3+$0x0] =	vst.add.f32.msk $0xffff, v6  }
0x251: {  	v6 =	vld [tilespmem:s24+$0x6000];
	s24 =	sor.u32 $0x840, s21  }
0x252: {  	v17 =	vld [tilespmem:s24+$0x6000];
	s24 =	sor.u32 $0x840, s22  }
0x253: {  	v18 =	vld [tilespmem:s24+$0x6000];
	s24 =	sor.u32 $0x840, s23  }
0x254: {  	v19 =	vld [tilespmem:s24+$0x6000];
	_ =	sdelay $0x3  }
0x255: {  	v6 =	vmul.f32 v6, v2;
	v7 =	vmul.f32 v17, v3  }
0x256: {  	v8 =	vmul.f32 v18, v4;
	v9 =	vmul.f32 v19, v5;
	_ =	sdelay $0x1  }
0x257: {  	v6 =	vadd.f32 v7, v6;
	v20 =	vadd.f32 v9, v8;
	_ =	sdelay $0x1  }
0x258: {  	v6 =	vadd.f32 v20, v6;
	_ =	sdelay $0x1  }
0x259: {  	s24 =	sor.u32 $0x850, s20;
	[tilespmem:s5+$0x0] =	vst.add.f32.msk $0xffff, v6  }
0x25a: {  	v6 =	vld [tilespmem:s24+$0x6000];
	s24 =	sor.u32 $0x850, s21  }
0x25b: {  	v21 =	vld [tilespmem:s24+$0x6000];
	s24 =	sor.u32 $0x850, s22  }
0x25c: {  	v22 =	vld [tilespmem:s24+$0x6000];
	s24 =	sor.u32 $0x850, s23  }
0x25d: {  	v23 =	vld [tilespmem:s24+$0x6000];
	_ =	sdelay $0x3  }
0x25e: {  	v6 =	vmul.f32 v6, v2;
	v7 =	vmul.f32 v21, v3  }
0x25f: {  	v8 =	vmul.f32 v22, v4;
	v9 =	vmul.f32 v23, v5;
	_ =	sdelay $0x1  }
0x260: {  	v6 =	vadd.f32 v7, v6;
	v24 =	vadd.f32 v9, v8;
	_ =	sdelay $0x1  }
0x261: {  	v6 =	vadd.f32 v24, v6;
	_ =	sdelay $0x1  }
0x262: {  	s24 =	sor.u32 $0x860, s20;
	[tilespmem:s11+$0x0] =	vst.add.f32.msk $0xffff, v6  }
0x263: {  	v6 =	vld [tilespmem:s24+$0x6000];
	s24 =	sor.u32 $0x860, s21  }
0x264: {  	v25 =	vld [tilespmem:s24+$0x6000];
	s24 =	sor.u32 $0x860, s22  }
0x265: {  	v26 =	vld [tilespmem:s24+$0x6000];
	s24 =	sor.u32 $0x860, s23  }
0x266: {  	v27 =	vld [tilespmem:s24+$0x6000];
	_ =	sdelay $0x3  }
0x267: {  	v6 =	vmul.f32 v6, v2;
	v7 =	vmul.f32 v25, v3  }
0x268: {  	v8 =	vmul.f32 v26, v4;
	v9 =	vmul.f32 v27, v5;
	_ =	sdelay $0x1  }
0x269: {  	v6 =	vadd.f32 v7, v6;
	v28 =	vadd.f32 v9, v8;
	_ =	sdelay $0x1  }
0x26a: {  	v6 =	vadd.f32 v28, v6;
	_ =	sdelay $0x1  }
0x26b: {  	s24 =	sor.u32 $0x870, s20;
	[tilespmem:s13+$0x0] =	vst.add.f32.msk $0xffff, v6  }
0x26c: {  	v6 =	vld [tilespmem:s24+$0x6000];
	s24 =	sor.u32 $0x870, s21  }
0x26d: {  	v29 =	vld [tilespmem:s24+$0x6000];
	s24 =	sor.u32 $0x870, s22  }
0x26e: {  	v30 =	vld [tilespmem:s24+$0x6000];
	s24 =	sor.u32 $0x870, s23  }
0x26f: {  	v31 =	vld [tilespmem:s24+$0x6000];
	_ =	sdelay $0x3  }
0x270: {  	v6 =	vmul.f32 v6, v2;
	v7 =	vmul.f32 v29, v3  }
0x271: {  	v8 =	vmul.f32 v30, v4;
	v9 =	vmul.f32 v31, v5;
	_ =	sdelay $0x1  }
0x272: {  	v6 =	vadd.f32 v7, v6;
	v32 =	vadd.f32 v9, v8;
	_ =	sdelay $0x1  }
0x273: {  	v6 =	vadd.f32 v32, v6;
	_ =	sdelay $0x1  }
0x274: {  	s24 =	sor.u32 $0xC00, s20;
	[tilespmem:s15+$0x0] =	vst.add.f32.msk $0xffff, v6  }
0x275: {  	v6 =	vld [tilespmem:s24+$0x6000];
	s24 =	sor.u32 $0xC00, s21  }
0x276: {  	v33 =	vld [tilespmem:s24+$0x6000];
	s24 =	sor.u32 $0xC00, s22  }
0x277: {  	v34 =	vld [tilespmem:s24+$0x6000];
	s24 =	sor.u32 $0xC00, s23  }
0x278: {  	v35 =	vld [tilespmem:s24+$0x6000];
	_ =	sdelay $0x3  }
0x279: {  	v6 =	vmul.f32 v6, v2;
	v7 =	vmul.f32 v33, v3  }
0x27a: {  	v8 =	vmul.f32 v34, v4;
	v9 =	vmul.f32 v35, v5;
	_ =	sdelay $0x1  }
0x27b: {  	v6 =	vadd.f32 v7, v6;
	v36 =	vadd.f32 v9, v8;
	_ =	sdelay $0x1  }
0x27c: {  	v6 =	vadd.f32 v36, v6;
	_ =	sdelay $0x1  }
0x27d: {  	s24 =	sor.u32 $0xC10, s20;
	[tilespmem:s16+$0x0] =	vst.add.f32.msk $0xffff, v6  }
0x27e: {  	v6 =	vld [tilespmem:s24+$0x6000];
	s24 =	sor.u32 $0xC10, s21  }
0x27f: {  	v37 =	vld [tilespmem:s24+$0x6000];
	s24 =	sor.u32 $0xC10, s22  }
0x280: {  	v38 =	vld [tilespmem:s24+$0x6000];
	s24 =	sor.u32 $0xC10, s23  }
0x281: {  	v39 =	vld [tilespmem:s24+$0x6000];
	_ =	sdelay $0x3  }
0x282: {  	v6 =	vmul.f32 v6, v2;
	v7 =	vmul.f32 v37, v3  }
0x283: {  	v8 =	vmul.f32 v38, v4;
	v9 =	vmul.f32 v39, v5;
	_ =	sdelay $0x1  }
0x284: {  	v6 =	vadd.f32 v7, v6;
	v40 =	vadd.f32 v9, v8;
	_ =	sdelay $0x1  }
0x285: {  	v6 =	vadd.f32 v40, v6;
	_ =	sdelay $0x1  }
0x286: {  	s24 =	sor.u32 $0xC20, s20;
	[tilespmem:s25+$0x0] =	vst.add.f32.msk $0xffff, v6  }
0x287: {  	v6 =	vld [tilespmem:s24+$0x6000];
	s24 =	sor.u32 $0xC20, s21  }
0x288: {  	v41 =	vld [tilespmem:s24+$0x6000];
	s24 =	sor.u32 $0xC20, s22  }
0x289: {  	v42 =	vld [tilespmem:s24+$0x6000];
	s24 =	sor.u32 $0xC20, s23  }
0x28a: {  	v43 =	vld [tilespmem:s24+$0x6000];
	_ =	sdelay $0x3  }
0x28b: {  	v6 =	vmul.f32 v6, v2;
	v7 =	vmul.f32 v41, v3  }
0x28c: {  	v8 =	vmul.f32 v42, v4;
	v9 =	vmul.f32 v43, v5;
	_ =	sdelay $0x1  }
0x28d: {  	v6 =	vadd.f32 v7, v6;
	v44 =	vadd.f32 v9, v8;
	_ =	sdelay $0x1  }
0x28e: {  	v6 =	vadd.f32 v44, v6;
	_ =	sdelay $0x1  }
0x28f: {  	s24 =	sor.u32 $0xC30, s20;
	[tilespmem:s26+$0x0] =	vst.add.f32.msk $0xffff, v6  }
0x290: {  	v6 =	vld [tilespmem:s24+$0x6000];
	s24 =	sor.u32 $0xC30, s21  }
0x291: {  	v45 =	vld [tilespmem:s24+$0x6000];
	s24 =	sor.u32 $0xC30, s22  }
0x292: {  	v46 =	vld [tilespmem:s24+$0x6000];
	s24 =	sor.u32 $0xC30, s23  }
0x293: {  	v47 =	vld [tilespmem:s24+$0x6000];
	_ =	sdelay $0x3  }
0x294: {  	v6 =	vmul.f32 v6, v2;
	v7 =	vmul.f32 v45, v3  }
0x295: {  	v8 =	vmul.f32 v46, v4;
	v9 =	vmul.f32 v47, v5;
	_ =	sdelay $0x1  }
0x296: {  	v6 =	vadd.f32 v7, v6;
	v48 =	vadd.f32 v9, v8;
	_ =	sdelay $0x1  }
0x297: {  	v6 =	vadd.f32 v48, v6;
	_ =	sdelay $0x1  }
0x298: {  	s24 =	sor.u32 $0xC40, s20;
	[tilespmem:s28+$0x0] =	vst.add.f32.msk $0xffff, v6  }
0x299: {  	v6 =	vld [tilespmem:s24+$0x6000];
	s24 =	sor.u32 $0xC40, s21  }
0x29a: {  	v49 =	vld [tilespmem:s24+$0x6000];
	s24 =	sor.u32 $0xC40, s22  }
0x29b: {  	v50 =	vld [tilespmem:s24+$0x6000];
	s24 =	sor.u32 $0xC40, s23  }
0x29c: {  	v51 =	vld [tilespmem:s24+$0x6000];
	_ =	sdelay $0x3  }
0x29d: {  	v6 =	vmul.f32 v6, v2;
	v7 =	vmul.f32 v49, v3  }
0x29e: {  	v8 =	vmul.f32 v50, v4;
	v9 =	vmul.f32 v51, v5;
	_ =	sdelay $0x1  }
0x29f: {  	v6 =	vadd.f32 v7, v6;
	v52 =	vadd.f32 v9, v8;
	_ =	sdelay $0x1  }
0x2a0: {  	v6 =	vadd.f32 v52, v6;
	_ =	sdelay $0x1  }
0x2a1: {  	s24 =	sor.u32 $0xC50, s20;
	[tilespmem:s29+$0x0] =	vst.add.f32.msk $0xffff, v6  }
0x2a2: {  	v6 =	vld [tilespmem:s24+$0x6000];
	s24 =	sor.u32 $0xC50, s21  }
0x2a3: {  	v53 =	vld [tilespmem:s24+$0x6000];
	s24 =	sor.u32 $0xC50, s22  }
0x2a4: {  	v54 =	vld [tilespmem:s24+$0x6000];
	s24 =	sor.u32 $0xC50, s23  }
0x2a5: {  	v55 =	vld [tilespmem:s24+$0x6000];
	_ =	sdelay $0x3  }
0x2a6: {  	v6 =	vmul.f32 v6, v2;
	v7 =	vmul.f32 v53, v3  }
0x2a7: {  	v8 =	vmul.f32 v54, v4;
	v9 =	vmul.f32 v55, v5;
	_ =	sdelay $0x1  }
0x2a8: {  	v6 =	vadd.f32 v7, v6;
	v56 =	vadd.f32 v9, v8;
	_ =	sdelay $0x1  }
0x2a9: {  	v6 =	vadd.f32 v56, v6;
	_ =	sdelay $0x1  }
0x2aa: {  	s24 =	sor.u32 $0xC60, s20;
	[tilespmem:s30+$0x0] =	vst.add.f32.msk $0xffff, v6  }
0x2ab: {  	v6 =	vld [tilespmem:s24+$0x6000];
	s24 =	sor.u32 $0xC60, s21  }
0x2ac: {  	v57 =	vld [tilespmem:s24+$0x6000];
	s24 =	sor.u32 $0xC60, s22  }
0x2ad: {  	v58 =	vld [tilespmem:s24+$0x6000];
	s24 =	sor.u32 $0xC60, s23  }
0x2ae: {  	v59 =	vld [tilespmem:s24+$0x6000];
	_ =	sdelay $0x3  }
0x2af: {  	v6 =	vmul.f32 v6, v2;
	v7 =	vmul.f32 v57, v3  }
0x2b0: {  	v8 =	vmul.f32 v58, v4;
	v9 =	vmul.f32 v59, v5;
	_ =	sdelay $0x1  }
0x2b1: {  	v6 =	vadd.f32 v7, v6;
	v60 =	vadd.f32 v9, v8;
	_ =	sdelay $0x1  }
0x2b2: {  	v6 =	vadd.f32 v60, v6;
	_ =	sdelay $0x1  }
0x2b3: {  	s20 =	sor.u32 $0xC70, s20;
	[tilespmem:s31+$0x0] =	vst.add.f32.msk $0xffff, v6  }
0x2b4: {  	v6 =	vld [tilespmem:s20+$0x6000];
	s20 =	sor.u32 $0xC70, s21  }
0x2b5: {  	v61 =	vld [tilespmem:s20+$0x6000];
	s20 =	sor.u32 $0xC70, s22  }
0x2b6: {  	v62 =	vld [tilespmem:s20+$0x6000];
	s20 =	sor.u32 $0xC70, s23  }
0x2b7: {  	v63 =	vld [tilespmem:s20+$0x6000];
	_ =	sdelay $0x3  }
0x2b8: {  	v2 =	vmul.f32 v6, v2;
	v3 =	vmul.f32 v61, v3  }
0x2b9: {  	v4 =	vmul.f32 v62, v4;
	v5 =	vmul.f32 v63, v5  }
0x2ba: {  	p2 =	seq.s32 s19, $0x5800  }
.Ltmp1:
0x2bb: {  	v2 =	vadd.f32 v3, v2;
	v3 =	vadd.f32 v5, v4;
	(pc) =	sbr.rel @!p2 .LBB2_6-.Ltmp1, $4  }
0x2bc: {  	_ = 	snop  }
0x2bd: {  	s17 =	sadd.s32 $0x4, s17;
	s18 =	sadd.s32 $0x200, s18;
	v2 =	vadd.f32 v3, v2  }
0x2be: {  	p1 =	por !p1, !p1;
	s19 =	sadd.s32 $0x800, s19;
	s21 =	simm.s32 $0xC3F0  }
0x2bf: {  	s24 =	simm.s32 $0xC220;
	s22 =	simm.s32 $0xC200;
	s23 =	simm.s32 $0xC210;
	[tilespmem:s21+$0x0] =	vst.add.f32.msk $0xffff, v2  }
.Ltmp2:
0x2c0: {  	(pc) =	sbr.rel @p0 .LBB2_3-.Ltmp2, $2  }
0x2c1: {  	_ =	sdelay $0x2  }
0x2c2: {  	s0 =	simm.s32 $0x60;
	p1 =	por $0x0, $0x0  }
0x2c3: {  	s17 =	simm.s32 $0x0;
	s18 =	rddreg [dreg:$0x6];
	s20 =	simm.s32 $0x3  }
0x2c4: {  	[hbm4b:s18+s17] =	stream.linear.scatter [tilespmem:s22], [sflag:$0x3], $0x200, $0x38;
	[tilespmem:$0xC400] =	vst v63  }
0x2c5: {  	_ =	swait.ge [sflag:s20], $0x200  }
0x2c6: {  	s0 =	rddreg [dreg:$0xa]  }
0x2c7: {  	s21 =	rddreg [dreg:$0x7];
	s0 =	sadd.s32 $0x1, s0  }
0x2c8: {  	p0 =	sne.s32 s0, s21  }
.Ltmp3:
0x2c9: {  	_ = 	snop;
	(pc) =	sbr.rel @p0 .LBB2_1-.Ltmp3, $3  }
0x2ca: {  	_ =	sdelay $0x1  }
0x2cb: {  	[sflag:s20] =	ssyncset.done $0x0  }
0x2cc: {  	[sflag:s20] =	ssyncadd.s32 $0xFFFFFE00  }
0x2cd: {  	_ =	sfence.sel $0x180000  }
0x2ce: {  	[bflag:$0x0] =	sbarrier.arrive $0xFFFF  }
0x2cf: {  	_ =	strace $0x90000047  }
0x2d0: {  	s0 =	stileid.u32;
	[bflag:$0x2] =	sbarrier.arrive $0xFFFF  }
0x2d1: {  	p0 =	sne.s32 s0, $0x0;
	s0 =	rddreg [dreg:$0x2]  }
0x2d2: {  	s0 =	sadd.s32 @!p0 $0x100000, s0  }
0x2d3: {  	[sflag:s0] =	ssyncadd.tile.s32 @!p0 $0x1;
	_ =	shalt  }
.Lfunc_end2:
_tile_overlayer_lowered:
.L_overlay_start_2:
0x2d4: {  	(tag) =	ssettag $0x2  }
0x2d5: {  	s0 =	rddreg [dreg:$0x0];
	s2 =	stileid.u32  }
0x2d6: {  	s1 =	rddreg [dreg:$0x1];
	p0 =	sne.s32 s2, $0x0  }
0x2d7: {  	s3 =	rddreg [dreg:$0x2];
	[bflag:$0x3] =	sbarrier.arrive $0xFFFF;
	s2 =	simm.s32 @!p0 $0x1C03  }
0x2d8: {  	[timem:s3], [sflag:s2] =	dma.local @!p0 [hbm:s0], s1  }
0x2d9: {  	s0 =	simm.s32 @!p0 $0x3  }
0x2da: {  	_ =	swait.ge @!p0 [sflag:s0], s1  }
0x2db: {  	s1 =	ssub.s32 @!p0 $0x0, s1;
	[sflag:s0] =	ssyncset.done @!p0 $0x0  }
0x2dc: {  	[sflag:s0] =	ssyncadd.s32 @!p0 s1  }
0x2dd: {  	[bflag:$0x3] =	sbarrier.arrive $0xFFFF  }
0x2de: {  	_ =	shalt  }

</sc_bundles>
